<compile_context>
chip_gen: v7x
topology: tpu7x:2x2x1
jax: 0.10.2.dev20260603
libtpu: 0.0.44.dev20260713+nightly
codegen_flags: <defaults>
</compile_context>

<pallas_src>
import functools

import jax
import jax.numpy as jnp
from jax import lax
from jax.experimental import pallas as pl
from jax.experimental.pallas import tpu as pltpu
from jax.experimental.pallas import tpu_sc as plsc

STRIDES = [8, 16, 32, 64]
LEVEL_HW = [(128, 128), (64, 64), (32, 32), (16, 16)]
OFFS = [0, 16384, 20480, 21504]
LOG2W = {128: 7, 64: 6, 32: 5, 16: 4}
N = 21760
N2 = N // 2
NV2 = N2 // 16
B = 16
K = 2000
KH = 1024
KL = K - KH
KP = 2 * KH
CAPH = 3072
CAPT = 2 * CAPH
H1 = 4096


def _score_body(*refs):
    o = refs[0:4]
    c = refs[4:8]
    locr = refs[8:12]
    sclr = refs[12:16]
    s_ref, lx_ref, ly_ref, sx_ref, sy_ref = refs[16:21]
    for l in range(4):
        off = OFFS[l]
        hw = LEVEL_HW[l][0] * LEVEL_HW[l][1]
        sl = (slice(None), pl.ds(off, hw))
        s_ref[sl] = jnp.sqrt(o[l][...].reshape(B, hw) * c[l][...].reshape(B, hw))
        lx_ref[sl] = locr[l][:, 0].reshape(B, hw)
        ly_ref[sl] = locr[l][:, 1].reshape(B, hw)
        sx_ref[sl] = sclr[l][:, 0].reshape(B, hw)
        sy_ref[sl] = sclr[l][:, 1].reshape(B, hw)


def _iota16():
    return lax.broadcasted_iota(jnp.int32, (16,), 0)


def _splat(x):
    return jnp.full((16,), x, dtype=jnp.int32)


def _sc_body(s_hbm, lx_hbm, ly_hbm, sx_hbm, sy_hbm,
             ocx, ocy, ow, oh, osc,
             sbuf, hist1, hist_p, cntbuf,
             cb_a, ci_a, cb_b, ci_b, offs, idxg,
             g0, g1, g2, g3, gs,
             sh_hist, sh_cb, sh_ci, sh_cnt, sem):
    cid = lax.axis_index("c")
    sid = lax.axis_index("s")
    row = cid * 8 + (sid >> 1)
    half = sid & 1

    iota = _iota16()
    zero16 = jnp.zeros((16,), jnp.int32)
    ones16 = jnp.ones((16,), jnp.int32)

    pltpu.sync_copy(s_hbm.at[row * 2 + half], sbuf)

    def z_body(i, c):
        for u in range(8):
            hist1[pl.ds((i * 8 + u) * 16, 16)] = zero16
        return c
    lax.fori_loop(0, H1 // 128, z_body, 0)

    def h_body(i, c):
        for u in range(4):
            bits = plsc.bitcast(sbuf[pl.ds((i * 4 + u) * 16, 16)], jnp.int32)
            d1 = bits >> 18
            cnt, last = plsc.scan_count(d1)
            plsc.addupdate_scatter(hist1, [d1], cnt, mask=last)
        return c
    lax.fori_loop(0, NV2 // 4, h_body, 0)

    pltpu.sync_copy(hist1, sh_hist.at[sid])
    plsc.subcore_barrier()
    pltpu.sync_copy(sh_hist.at[sid ^ 1], hist_p)

    def t_cond(st):
        j, cum, t1, t2, d_s = st
        return jnp.logical_and(cum < K, j >= 0)

    def t_body(st):
        j, cum, t1, t2, d_s = st
        v = hist1[pl.ds(j * 16, 16)] + hist_p[pl.ds(j * 16, 16)]
        rv = lax.rev(v, (0,))
        csum = plsc.cumsum(rv) + cum
        excl = csum - rv
        buckets = j * 16 + 15 - iota
        plsc.store_scatter(hist_p, [buckets], excl)
        t1 = jnp.maximum(t1, jnp.max(jnp.where(csum >= K, buckets, -1)))
        t2 = jnp.maximum(t2, jnp.max(jnp.where(csum > KH, buckets, -1)))
        d_s = jnp.minimum(d_s, jnp.min(jnp.where(excl < KH, buckets, H1)))
        cum = cum + jnp.max(csum)
        return j - 1, cum, t1, t2, d_s

    _, _, t1, t2, d_s = lax.while_loop(
        t_cond, t_body,
        (H1 // 16 - 1, jnp.int32(0), jnp.int32(-1), jnp.int32(-1),
         jnp.int32(H1)))

    ibase = half * N2

    def c_body(i, cnt_splat):
        for u in range(4):
            k = i * 4 + u
            bits = plsc.bitcast(sbuf[pl.ds(k * 16, 16)], jnp.int32)
            d1 = bits >> 18
            m = d1 >= t1
            pos = cnt_splat + plsc.cumsum(ones16, mask=m) - 1
            safe = jnp.logical_and(m, pos < CAPH)
            plsc.store_scatter(cb_a, [pos], bits, mask=safe)
            plsc.store_scatter(ci_a, [pos], ibase + k * 16 + iota, mask=safe)
            nm = plsc.all_reduce_population_count(m)
            cnt_splat = cnt_splat + nm
        return cnt_splat
    cnt_splat = lax.fori_loop(0, NV2 // 4, c_body, zero16)
    n_own = jnp.max(jnp.minimum(cnt_splat, CAPH))

    def s_body(i, st):
        cK, cP = st
        sl = pl.ds(i * 16, 16)
        bits = cb_a[sl]
        idxv = ci_a[sl]
        valid = i * 16 + iota < n_own
        d = bits >> 18
        evm = jnp.logical_and(d >= d_s, valid)
        om = jnp.logical_and(d <= t2, valid)
        keepm = jnp.where(half == 0, evm, om)
        pubm = jnp.where(half == 0, om, evm)
        posK = cK + plsc.cumsum(ones16, mask=keepm) - 1
        posP = cP + plsc.cumsum(ones16, mask=pubm) - 1
        plsc.store_scatter(cb_b, [posK], bits,
                           mask=jnp.logical_and(keepm, posK < CAPH))
        plsc.store_scatter(ci_b, [posK], idxv,
                           mask=jnp.logical_and(keepm, posK < CAPH))
        plsc.store_scatter(cb_b, [CAPH + posP], bits,
                           mask=jnp.logical_and(pubm, posP < CAPH))
        plsc.store_scatter(ci_b, [CAPH + posP], idxv,
                           mask=jnp.logical_and(pubm, posP < CAPH))
        nk = plsc.all_reduce_population_count(keepm)
        npp = plsc.all_reduce_population_count(pubm)
        return cK + nk, cP + npp
    cK, cP = lax.fori_loop(0, (n_own + 15) >> 4, s_body, (zero16, zero16))
    n_keep = jnp.max(jnp.minimum(cK, CAPH))
    cntbuf[pl.ds(0, 16)] = jnp.minimum(cP, CAPH)

    pltpu.sync_copy(cb_b.at[pl.ds(CAPH, CAPH)], sh_cb.at[sid])
    pltpu.sync_copy(ci_b.at[pl.ds(CAPH, CAPH)], sh_ci.at[sid])
    pltpu.sync_copy(cntbuf, sh_cnt.at[sid])
    plsc.subcore_barrier()
    pltpu.sync_copy(sh_cb.at[sid ^ 1], cb_b.at[pl.ds(CAPH, CAPH)])
    pltpu.sync_copy(sh_ci.at[sid ^ 1], ci_b.at[pl.ds(CAPH, CAPH)])
    pltpu.sync_copy(sh_cnt.at[sid ^ 1], cntbuf)
    n_part = jnp.max(cntbuf[pl.ds(0, 16)])

    first_off = half * CAPH
    second_off = CAPH - first_off
    n_first = jnp.where(half == 0, n_keep, n_part)
    n_second = jnp.where(half == 0, n_part, n_keep)
    nt = n_first + n_second
    nvc = (nt + 15) >> 4

    def rz_body(j, c):
        offs[pl.ds(j * 16, 16)] = zero16
        return c

    def rs_body(j, carry):
        v = offs[pl.ds(j * 16, 16)]
        csum = plsc.cumsum(v)
        offs[pl.ds(j * 16, 16)] = csum - v + carry
        return carry + jnp.full((16,), jnp.max(csum), jnp.int32)

    NOFS = 512 // 16

    lax.fori_loop(0, NOFS, rz_body, 0)

    def seg_hist(i, c, seg_off, seg_n):
        valid = i * 16 + iota < seg_n
        bits = cb_b[pl.ds(seg_off + i * 16, 16)]
        d = jnp.invert(bits) & 511
        cnt, last = plsc.scan_count(d, mask=valid)
        plsc.addupdate_scatter(offs, [d], cnt, mask=last)
        return c
    lax.fori_loop(0, (n_first + 15) >> 4,
                  functools.partial(seg_hist, seg_off=first_off,
                                    seg_n=n_first), 0)
    lax.fori_loop(0, (n_second + 15) >> 4,
                  functools.partial(seg_hist, seg_off=second_off,
                                    seg_n=n_second), 0)

    lax.fori_loop(0, NOFS, rs_body, zero16)

    def seg_perm(i, c, seg_off, seg_n):
        valid = i * 16 + iota < seg_n
        bits = cb_b[pl.ds(seg_off + i * 16, 16)]
        idxv = ci_b[pl.ds(seg_off + i * 16, 16)]
        d = jnp.invert(bits) & 511
        cnt, last = plsc.scan_count(d, mask=valid)
        dest = plsc.load_gather(offs, [d]) + cnt - 1
        plsc.store_scatter(cb_a, [dest], bits, mask=valid)
        plsc.store_scatter(ci_a, [dest], idxv, mask=valid)
        plsc.addupdate_scatter(offs, [d], cnt, mask=last)
        return c
    lax.fori_loop(0, (n_first + 15) >> 4,
                  functools.partial(seg_perm, seg_off=first_off,
                                    seg_n=n_first), 0)
    lax.fori_loop(0, (n_second + 15) >> 4,
                  functools.partial(seg_perm, seg_off=second_off,
                                    seg_n=n_second), 0)

    base = nt & ~15
    pad_m = jnp.logical_and(base + iota >= nt, base + iota < CAPT)
    plsc.store_scatter(cb_a, [base + iota], zero16, mask=pad_m)
    plsc.store_scatter(ci_a, [base + iota], _splat(N), mask=pad_m)

    lax.fori_loop(0, NOFS, rz_body, 0)

    def rh_body(i, c):
        bits = cb_a[pl.ds(i * 16, 16)]
        d = (jnp.invert(bits) >> 9) & 511
        cnt, last = plsc.scan_count(d)
        plsc.addupdate_scatter(offs, [d], cnt, mask=last)
        return c
    lax.fori_loop(0, nvc, rh_body, 0)

    lax.fori_loop(0, NOFS, rs_body, zero16)

    def rp_body(i, c):
        bits = cb_a[pl.ds(i * 16, 16)]
        idxv = ci_a[pl.ds(i * 16, 16)]
        d = (jnp.invert(bits) >> 9) & 511
        cnt, last = plsc.scan_count(d)
        dest = plsc.load_gather(offs, [d]) + cnt - 1
        plsc.store_scatter(cb_b, [dest], bits)
        plsc.store_scatter(ci_b, [dest], idxv)
        plsc.addupdate_scatter(offs, [d], cnt, mask=last)
        return c
    lax.fori_loop(0, nvc, rp_body, 0)

    bo16 = plsc.load_gather(hist_p, [jnp.full((16,), t2, jnp.int32)])
    shift16 = jnp.where(half == 0, zero16, bo16)

    def rf_body(i, c):
        bits = cb_b[pl.ds(i * 16, 16)]
        idxv = ci_b[pl.ds(i * 16, 16)]
        d = bits >> 18
        real = d >= t1
        cnt, last = plsc.scan_count(d, mask=real)
        dest = plsc.load_gather(hist_p, [d]) + cnt - 1 - shift16
        safe = jnp.logical_and(real,
                               jnp.logical_and(dest >= 0, dest < CAPT))
        plsc.store_scatter(cb_a, [dest], bits, mask=safe)
        plsc.store_scatter(ci_a, [dest], idxv, mask=safe)
        plsc.addupdate_scatter(hist_p, [d], cnt,
                               mask=jnp.logical_and(last, real))
        return c
    lax.fori_loop(0, nvc, rf_body, 0)

    rdoff = jnp.where(half == 0, 0, KH - jnp.max(bo16))
    lim = jnp.where(half == 0, KH, KL)

    def g_body(i, c):
        for u in range(4):
            k = i * 4 + u
            ridx = rdoff + k * 16 + iota
            idxv = plsc.load_gather(ci_a, [ridx])
            valid = k * 16 + iota < lim
            idxg[pl.ds(k * 16, 16)] = jnp.where(valid, idxv + row * N, zero16)
        return c
    lax.fori_loop(0, KH // 64, g_body, 0)

    cp0 = pltpu.async_copy(lx_hbm.at[idxg], g0, sem)
    cp1 = pltpu.async_copy(ly_hbm.at[idxg], g1, sem)
    cp2 = pltpu.async_copy(sx_hbm.at[idxg], g2, sem)
    cp3 = pltpu.async_copy(sy_hbm.at[idxg], g3, sem)
    cp0.wait(); cp1.wait(); cp2.wait(); cp3.wait()

    def o_body(i, c):
        for u in range(2):
            k = i * 2 + u
            sl = pl.ds(k * 16, 16)
            ridx = rdoff + k * 16 + iota
            idxv = plsc.load_gather(ci_a, [ridx])
            bits = plsc.load_gather(cb_a, [ridx])
            lvl = ((idxv >= OFFS[1]).astype(jnp.int32)
                   + (idxv >= OFFS[2]).astype(jnp.int32)
                   + (idxv >= OFFS[3]).astype(jnp.int32))
            off = jnp.where(lvl == 0, OFFS[0],
                  jnp.where(lvl == 1, OFFS[1],
                  jnp.where(lvl == 2, OFFS[2], OFFS[3])))
            log2w = 7 - lvl
            r = idxv - off
            x = (r & ((1 << log2w) - 1)).astype(jnp.float32)
            y = (r >> log2w).astype(jnp.float32)
            stf = (8 << lvl).astype(jnp.float32)
            g0[sl] = (x + 0.5) * stf + g0[sl] * stf
            g1[sl] = (y + 0.5) * stf + g1[sl] * stf
            g2[sl] = g2[sl] * stf
            g3[sl] = g3[sl] * stf
            gs[sl] = plsc.bitcast(bits, jnp.float32)
        return c
    lax.fori_loop(0, KH // 32, o_body, 0)

    @pl.when(half == 0)
    def _():
        pltpu.sync_copy(g0, ocx.at[row, pl.ds(0, KH)])
        pltpu.sync_copy(g1, ocy.at[row, pl.ds(0, KH)])
        pltpu.sync_copy(g2, ow.at[row, pl.ds(0, KH)])
        pltpu.sync_copy(g3, oh.at[row, pl.ds(0, KH)])
        pltpu.sync_copy(gs, osc.at[row, pl.ds(0, KH)])

    @pl.when(half == 1)
    def _():
        pltpu.sync_copy(g0, ocx.at[row, pl.ds(KH, KH)])
        pltpu.sync_copy(g1, ocy.at[row, pl.ds(KH, KH)])
        pltpu.sync_copy(g2, ow.at[row, pl.ds(KH, KH)])
        pltpu.sync_copy(g3, oh.at[row, pl.ds(KH, KH)])
        pltpu.sync_copy(gs, osc.at[row, pl.ds(KH, KH)])


def kernel(objectness_0, centerness_0, location_0, scale_0,
           objectness_1, centerness_1, location_1, scale_1,
           objectness_2, centerness_2, location_2, scale_2,
           objectness_3, centerness_3, location_3, scale_3):
    objs = [objectness_0, objectness_1, objectness_2, objectness_3]
    ctrs = [centerness_0, centerness_1, centerness_2, centerness_3]
    locs = [location_0, location_1, location_2, location_3]
    scls = [scale_0, scale_1, scale_2, scale_3]

    s_all, lx2, ly2, sx2, sy2 = pl.pallas_call(
        _score_body,
        out_shape=[jax.ShapeDtypeStruct((B, N), jnp.float32)] * 5,
    )(*objs, *ctrs, *locs, *scls)
    lx, ly, sx, sy = (a.reshape(-1) for a in (lx2, ly2, sx2, sy2))

    mesh = plsc.VectorSubcoreMesh(core_axis_name="c", subcore_axis_name="s")
    out_t = [jax.ShapeDtypeStruct((B, KP), jnp.float32)] * 5
    sc_topk = pl.kernel(
        _sc_body,
        out_type=out_t,
        mesh=mesh,
        compiler_params=pltpu.CompilerParams(needs_layout_passes=False),
        scratch_types=[
            pltpu.VMEM((N2,), jnp.float32),
            pltpu.VMEM((H1,), jnp.int32),
            pltpu.VMEM((H1,), jnp.int32),
            pltpu.VMEM((128,), jnp.int32),
            pltpu.VMEM((CAPT,), jnp.int32),
            pltpu.VMEM((CAPT,), jnp.int32),
            pltpu.VMEM((CAPT,), jnp.int32),
            pltpu.VMEM((CAPT,), jnp.int32),
            pltpu.VMEM((512,), jnp.int32),
            pltpu.VMEM((KH,), jnp.int32),
            pltpu.VMEM((KH,), jnp.float32),
            pltpu.VMEM((KH,), jnp.float32),
            pltpu.VMEM((KH,), jnp.float32),
            pltpu.VMEM((KH,), jnp.float32),
            pltpu.VMEM((KH,), jnp.float32),
            pltpu.VMEM_SHARED((16, H1), jnp.int32),
            pltpu.VMEM_SHARED((16, CAPH), jnp.int32),
            pltpu.VMEM_SHARED((16, CAPH), jnp.int32),
            pltpu.VMEM_SHARED((16, 128), jnp.int32),
            pltpu.SemaphoreType.DMA,
        ],
    )
    cx, cy, w, h, s = sc_topk(s_all.reshape(B * 2, N2), lx, ly, sx, sy)
    return jnp.stack([cx, cy, w, h, s], axis=-1)[:, :K, :]

# --- scband reference (transcript-rebuilt; emitter-appended) ---
"""Pipeline reference for scband-proposal-generator-14156212207804 (READ-ONLY COPY).

The authoritative reference and input builder live on the scoring server;
editing this copy changes nothing except your own understanding.
"""

import jax, jax.numpy as jnp
import numpy as np

STRIDES = [8, 16, 32, 64]
TOP_K = 2000
LEVEL_HW = [(128, 128), (64, 64), (32, 32), (16, 16)]
B = 16


def setup_inputs(seed: int = 0) -> dict:
    key = jax.random.key(seed)
    inp = {}
    for lvl, (H, W) in enumerate(LEVEL_HW):
        key, k1, k2, k3, k4 = jax.random.split(key, 5)
        inp[f"objectness_{lvl}"] = jax.random.uniform(k1, (B, 1, H, W), dtype=jnp.float32)
        inp[f"centerness_{lvl}"] = jax.random.uniform(k2, (B, 1, H, W), dtype=jnp.float32)
        inp[f"location_{lvl}"] = jax.random.normal(k3, (B, 2, H, W), dtype=jnp.float32)
        inp[f"scale_{lvl}"] = jax.random.uniform(k4, (B, 2, H, W), dtype=jnp.float32)
    return inp


def _forward(objs, ctrs, locs, scls):
    props = []
    for i, stride in enumerate(STRIDES):
        o, c, l, s = objs[i], ctrs[i], locs[i], scls[i]
        Bb, _, H, W = o.shape
        ys, xs = jnp.meshgrid(jnp.arange(H), jnp.arange(W), indexing='ij')
        xs = (xs.astype(jnp.float32) + 0.5) * stride
        ys = (ys.astype(jnp.float32) + 0.5) * stride
        cx = xs[None, :, :] + l[:, 0, :, :] * stride
        cy = ys[None, :, :] + l[:, 1, :, :] * stride
        w = s[:, 0, :, :] * stride
        h = s[:, 1, :, :] * stride
        scores = jnp.sqrt(o[:, 0, :, :] * c[:, 0, :, :])
        lvl = jnp.stack([
            cx.reshape(Bb, -1),
            cy.reshape(Bb, -1),
            w.reshape(Bb, -1),
            h.reshape(Bb, -1),
            scores.reshape(Bb, -1),
        ], axis=-1)
        props.append(lvl)
    allp = jnp.concatenate(props, axis=1)
    sc = allp[..., 4]
    k = min(TOP_K, sc.shape[1])
    _, idx = jax.lax.top_k(sc, k)
    proposals = jnp.take_along_axis(allp, idx[:, :, None], axis=1)
    return proposals


def reference(objectness_0, centerness_0, location_0, scale_0,
              objectness_1, centerness_1, location_1, scale_1,
              objectness_2, centerness_2, location_2, scale_2,
              objectness_3, centerness_3, location_3, scale_3):
    objs = [objectness_0, objectness_1, objectness_2, objectness_3]
    ctrs = [centerness_0, centerness_1, centerness_2, centerness_3]
    locs = [location_0, location_1, location_2, location_3]
    scls = [scale_0, scale_1, scale_2, scale_3]
    return _forward(objs, ctrs, locs, scls)

if __name__ == "__main__":
    import jax
    _d = setup_inputs()
    print(jax.jit(kernel)(*tuple(_d.values())))

</pallas_src>

<mosaic_0001>
#map = affine_map<(d0, d1) -> (0, 0)>
#map1 = affine_map<(d0, d1) -> (0)>
module attributes {stable_mosaic.version = 14 : i64} {
  func.func @_sc_body(%arg0: i32, %arg1: i32, %arg2: memref<32x10880xf32, #tpu.memory_space<hbm>>, %arg3: memref<348160xf32, #tpu.memory_space<hbm>>, %arg4: memref<348160xf32, #tpu.memory_space<hbm>>, %arg5: memref<348160xf32, #tpu.memory_space<hbm>>, %arg6: memref<348160xf32, #tpu.memory_space<hbm>>, %arg7: memref<16x2048xf32, #tpu.memory_space<hbm>>, %arg8: memref<16x2048xf32, #tpu.memory_space<hbm>>, %arg9: memref<16x2048xf32, #tpu.memory_space<hbm>>, %arg10: memref<16x2048xf32, #tpu.memory_space<hbm>>, %arg11: memref<16x2048xf32, #tpu.memory_space<hbm>>, %arg12: memref<10880xf32, #tpu.memory_space<vmem>>, %arg13: memref<4096xi32, #tpu.memory_space<vmem>>, %arg14: memref<4096xi32, #tpu.memory_space<vmem>>, %arg15: memref<128xi32, #tpu.memory_space<vmem>>, %arg16: memref<6144xi32, #tpu.memory_space<vmem>>, %arg17: memref<6144xi32, #tpu.memory_space<vmem>>, %arg18: memref<6144xi32, #tpu.memory_space<vmem>>, %arg19: memref<6144xi32, #tpu.memory_space<vmem>>, %arg20: memref<512xi32, #tpu.memory_space<vmem>>, %arg21: memref<1024xi32, #tpu.memory_space<vmem>>, %arg22: memref<1024xf32, #tpu.memory_space<vmem>>, %arg23: memref<1024xf32, #tpu.memory_space<vmem>>, %arg24: memref<1024xf32, #tpu.memory_space<vmem>>, %arg25: memref<1024xf32, #tpu.memory_space<vmem>>, %arg26: memref<1024xf32, #tpu.memory_space<vmem>>, %arg27: memref<16x4096xi32, #tpu.memory_space<vmem_shared>>, %arg28: memref<16x3072xi32, #tpu.memory_space<vmem_shared>>, %arg29: memref<16x3072xi32, #tpu.memory_space<vmem_shared>>, %arg30: memref<16x128xi32, #tpu.memory_space<vmem_shared>>, %arg31: memref<!tpu.dma_semaphore, #tpu.memory_space<semaphore_mem>>) attributes {dimension_semantics = [#tpu.dimension_semantics<core_parallel>, #tpu.dimension_semantics<subcore_parallel>], iteration_bounds = array<i64: 2, 16>, scalar_prefetch = 0 : i64, scratch_operands = 20 : i64, tpu.core_type = #tpu.core_type<sc_vector_subcore>, window_params = [{transform_indices = #map}, {transform_indices = #map1}, {transform_indices = #map1}, {transform_indices = #map1}, {transform_indices = #map1}, {transform_indices = #map}, {transform_indices = #map}, {transform_indices = #map}, {transform_indices = #map}, {transform_indices = #map}]} {
    %mul3A = arith.constant 8 : i32
    %mul3A_0 = arith.muli %arg0, %mul3A : i32
    %shift_right_arithmetic3A = arith.constant 1 : i32
    %shift_right_arithmetic3A_1 = arith.shrsi %arg1, %shift_right_arithmetic3A : i32
    %add3A = arith.addi %mul3A_0, %shift_right_arithmetic3A_1 : i32
    %and3A = arith.constant 1 : i32
    %and3A_2 = arith.andi %arg1, %and3A : i32
    %iota3A = tpu.iota {dimensions = array<i32: 0>} : vector<16xi32>
    %broadcast_in_dim3A = arith.constant 0 : i32
    %broadcast_in_dim3A_3 = vector.broadcast %broadcast_in_dim3A : i32 to vector<16xi32>
    %broadcast_in_dim3A_4 = arith.constant 1 : i32
    %broadcast_in_dim3A_5 = vector.broadcast %broadcast_in_dim3A_4 : i32 to vector<16xi32>
    %mul3A_6 = arith.constant 2 : i32
    %mul3A_7 = arith.muli %add3A, %mul3A_6 : i32
    %add3A_8 = arith.addi %mul3A_7, %and3A_2 : i32
    "tpu.region"() ({
      %run_scoped3A = tpu.sem_alloc : memref<!tpu.dma_semaphore, #tpu.memory_space<semaphore_mem>>
      %dma_start3A_283 = arith.constant 0 : i32
      %dma_start3A_284 = tpu.memref_slice %arg2[%add3A_8, %dma_start3A_283] : memref<32x10880xf32, #tpu.memory_space<hbm>> -> memref<1x10880xf32, #tpu.memory_space<hbm>>
      %dma_start3A_285 = tpu.memref_squeeze %dma_start3A_284 : memref<1x10880xf32, #tpu.memory_space<hbm>> -> memref<10880xf32, #tpu.memory_space<hbm>>
      %dma_start3A_286 = arith.constant 0 : i32
      %dma_start3A_287 = tpu.memref_slice %arg2[%add3A_8, %dma_start3A_286] : memref<32x10880xf32, #tpu.memory_space<hbm>> -> memref<1x10880xf32, #tpu.memory_space<hbm>>
      %dma_start3A_288 = tpu.memref_squeeze %dma_start3A_287 : memref<1x10880xf32, #tpu.memory_space<hbm>> -> memref<10880xf32, #tpu.memory_space<hbm>>
      tpu.enqueue_dma source(%dma_start3A_288 : memref<10880xf32, #tpu.memory_space<hbm>>) target(%arg12 : memref<10880xf32, #tpu.memory_space<vmem>>) target_semaphore(%run_scoped3A : memref<!tpu.dma_semaphore, #tpu.memory_space<semaphore_mem>>)
      %dma_wait3A_289 = arith.constant 0 : i32
      %dma_wait3A_290 = tpu.memref_slice %arg2[%add3A_8, %dma_wait3A_289] : memref<32x10880xf32, #tpu.memory_space<hbm>> -> memref<1x10880xf32, #tpu.memory_space<hbm>>
      %dma_wait3A_291 = tpu.memref_squeeze %dma_wait3A_290 : memref<1x10880xf32, #tpu.memory_space<hbm>> -> memref<10880xf32, #tpu.memory_space<hbm>>
      %dma_wait3A_292 = arith.constant 0 : i32
      %dma_wait3A_293 = tpu.memref_slice %arg2[%add3A_8, %dma_wait3A_292] : memref<32x10880xf32, #tpu.memory_space<hbm>> -> memref<1x10880xf32, #tpu.memory_space<hbm>>
      %dma_wait3A_294 = tpu.memref_squeeze %dma_wait3A_293 : memref<1x10880xf32, #tpu.memory_space<hbm>> -> memref<10880xf32, #tpu.memory_space<hbm>>
      tpu.wait_dma2 semaphore(%run_scoped3A : memref<!tpu.dma_semaphore, #tpu.memory_space<semaphore_mem>>) src(%dma_wait3A_294 : memref<10880xf32, #tpu.memory_space<hbm>>) dst(%arg12 : memref<10880xf32, #tpu.memory_space<vmem>>)
      tpu.yield
    }) : () -> ()
    %scan3A = arith.constant 0 : i32
    %scan3A_9 = arith.constant 0 : i32
    %scan3A_10 = arith.constant 32 : i32
    %scan3A_11 = arith.addi %scan3A_9, %scan3A_10 : i32
    %scan3A_12 = arith.constant 1 : i32
    scf.for %scan3A_283 = %scan3A_9 to %scan3A_11 step %scan3A_12  : i32 {
      %mul3A_284 = arith.constant 8 : i32
      %mul3A_285 = arith.muli %scan3A_283, %mul3A_284 : i32
      %add3A_286 = arith.constant 0 : i32
      %add3A_287 = arith.addi %mul3A_285, %add3A_286 : i32
      %mul3A_288 = arith.constant 16 : i32
      %mul3A_289 = arith.muli %add3A_287, %mul3A_288 : i32
      %swap3A_290 = arith.index_cast %mul3A_289 : i32 to index
      %swap3A_291 = tpu.vector_load %arg13[%swap3A_290] {strides = array<i32>} : memref<4096xi32, #tpu.memory_space<vmem>>, vector<16xi32>,
      tpu.vector_store %arg13[%swap3A_290], %broadcast_in_dim3A_3 {strides = array<i32>} : memref<4096xi32, #tpu.memory_space<vmem>>, vector<16xi32>,
      %mul3A_292 = arith.constant 8 : i32
      %mul3A_293 = arith.muli %scan3A_283, %mul3A_292 : i32
      %add3A_294 = arith.constant 1 : i32
      %add3A_295 = arith.addi %mul3A_293, %add3A_294 : i32
      %mul3A_296 = arith.constant 16 : i32
      %mul3A_297 = arith.muli %add3A_295, %mul3A_296 : i32
      %swap3A_298 = arith.index_cast %mul3A_297 : i32 to index
      %swap3A_299 = tpu.vector_load %arg13[%swap3A_298] {strides = array<i32>} : memref<4096xi32, #tpu.memory_space<vmem>>, vector<16xi32>,
      tpu.vector_store %arg13[%swap3A_298], %broadcast_in_dim3A_3 {strides = array<i32>} : memref<4096xi32, #tpu.memory_space<vmem>>, vector<16xi32>,
      %mul3A_300 = arith.constant 8 : i32
      %mul3A_301 = arith.muli %scan3A_283, %mul3A_300 : i32
      %add3A_302 = arith.constant 2 : i32
      %add3A_303 = arith.addi %mul3A_301, %add3A_302 : i32
      %mul3A_304 = arith.constant 16 : i32
      %mul3A_305 = arith.muli %add3A_303, %mul3A_304 : i32
      %swap3A_306 = arith.index_cast %mul3A_305 : i32 to index
      %swap3A_307 = tpu.vector_load %arg13[%swap3A_306] {strides = array<i32>} : memref<4096xi32, #tpu.memory_space<vmem>>, vector<16xi32>,
      tpu.vector_store %arg13[%swap3A_306], %broadcast_in_dim3A_3 {strides = array<i32>} : memref<4096xi32, #tpu.memory_space<vmem>>, vector<16xi32>,
      %mul3A_308 = arith.constant 8 : i32
      %mul3A_309 = arith.muli %scan3A_283, %mul3A_308 : i32
      %add3A_310 = arith.constant 3 : i32
      %add3A_311 = arith.addi %mul3A_309, %add3A_310 : i32
      %mul3A_312 = arith.constant 16 : i32
      %mul3A_313 = arith.muli %add3A_311, %mul3A_312 : i32
      %swap3A_314 = arith.index_cast %mul3A_313 : i32 to index
      %swap3A_315 = tpu.vector_load %arg13[%swap3A_314] {strides = array<i32>} : memref<4096xi32, #tpu.memory_space<vmem>>, vector<16xi32>,
      tpu.vector_store %arg13[%swap3A_314], %broadcast_in_dim3A_3 {strides = array<i32>} : memref<4096xi32, #tpu.memory_space<vmem>>, vector<16xi32>,
      %mul3A_316 = arith.constant 8 : i32
      %mul3A_317 = arith.muli %scan3A_283, %mul3A_316 : i32
      %add3A_318 = arith.constant 4 : i32
      %add3A_319 = arith.addi %mul3A_317, %add3A_318 : i32
      %mul3A_320 = arith.constant 16 : i32
      %mul3A_321 = arith.muli %add3A_319, %mul3A_320 : i32
      %swap3A_322 = arith.index_cast %mul3A_321 : i32 to index
      %swap3A_323 = tpu.vector_load %arg13[%swap3A_322] {strides = array<i32>} : memref<4096xi32, #tpu.memory_space<vmem>>, vector<16xi32>,
      tpu.vector_store %arg13[%swap3A_322], %broadcast_in_dim3A_3 {strides = array<i32>} : memref<4096xi32, #tpu.memory_space<vmem>>, vector<16xi32>,
      %mul3A_324 = arith.constant 8 : i32
      %mul3A_325 = arith.muli %scan3A_283, %mul3A_324 : i32
      %add3A_326 = arith.constant 5 : i32
      %add3A_327 = arith.addi %mul3A_325, %add3A_326 : i32
      %mul3A_328 = arith.constant 16 : i32
      %mul3A_329 = arith.muli %add3A_327, %mul3A_328 : i32
      %swap3A_330 = arith.index_cast %mul3A_329 : i32 to index
      %swap3A_331 = tpu.vector_load %arg13[%swap3A_330] {strides = array<i32>} : memref<4096xi32, #tpu.memory_space<vmem>>, vector<16xi32>,
      tpu.vector_store %arg13[%swap3A_330], %broadcast_in_dim3A_3 {strides = array<i32>} : memref<4096xi32, #tpu.memory_space<vmem>>, vector<16xi32>,
      %mul3A_332 = arith.constant 8 : i32
      %mul3A_333 = arith.muli %scan3A_283, %mul3A_332 : i32
      %add3A_334 = arith.constant 6 : i32
      %add3A_335 = arith.addi %mul3A_333, %add3A_334 : i32
      %mul3A_336 = arith.constant 16 : i32
      %mul3A_337 = arith.muli %add3A_335, %mul3A_336 : i32
      %swap3A_338 = arith.index_cast %mul3A_337 : i32 to index
      %swap3A_339 = tpu.vector_load %arg13[%swap3A_338] {strides = array<i32>} : memref<4096xi32, #tpu.memory_space<vmem>>, vector<16xi32>,
      tpu.vector_store %arg13[%swap3A_338], %broadcast_in_dim3A_3 {strides = array<i32>} : memref<4096xi32, #tpu.memory_space<vmem>>, vector<16xi32>,
      %mul3A_340 = arith.constant 8 : i32
      %mul3A_341 = arith.muli %scan3A_283, %mul3A_340 : i32
      %add3A_342 = arith.constant 7 : i32
      %add3A_343 = arith.addi %mul3A_341, %add3A_342 : i32
      %mul3A_344 = arith.constant 16 : i32
      %mul3A_345 = arith.muli %add3A_343, %mul3A_344 : i32
      %swap3A_346 = arith.index_cast %mul3A_345 : i32 to index
      %swap3A_347 = tpu.vector_load %arg13[%swap3A_346] {strides = array<i32>} : memref<4096xi32, #tpu.memory_space<vmem>>, vector<16xi32>,
      tpu.vector_store %arg13[%swap3A_346], %broadcast_in_dim3A_3 {strides = array<i32>} : memref<4096xi32, #tpu.memory_space<vmem>>, vector<16xi32>,
    }
    %scan3A_13 = arith.constant 32 : i32
    %scan3A_14 = arith.constant 0 : i32
    %scan3A_15 = arith.constant 0 : i32
    %scan3A_16 = arith.constant 170 : i32
    %scan3A_17 = arith.addi %scan3A_15, %scan3A_16 : i32
    %scan3A_18 = arith.constant 1 : i32
    scf.for %scan3A_283 = %scan3A_15 to %scan3A_17 step %scan3A_18  : i32 {
      %mul3A_284 = arith.constant 4 : i32
      %mul3A_285 = arith.muli %scan3A_283, %mul3A_284 : i32
      %add3A_286 = arith.constant 0 : i32
      %add3A_287 = arith.addi %mul3A_285, %add3A_286 : i32
      %mul3A_288 = arith.constant 16 : i32
      %mul3A_289 = arith.muli %add3A_287, %mul3A_288 : i32
      %get3A_290 = arith.index_cast %mul3A_289 : i32 to index
      %get3A_291 = tpu.vector_load %arg12[%get3A_290] {strides = array<i32>} : memref<10880xf32, #tpu.memory_space<vmem>>, vector<16xf32>,
      %bitcast3A = vector.bitcast %get3A_291 : vector<16xf32> to vector<16xi32>
      %shift_right_arithmetic3A_292 = arith.constant 18 : i32
      %shift_right_arithmetic3A_293 = vector.broadcast %shift_right_arithmetic3A_292 : i32 to vector<16xi32>
      %shift_right_arithmetic3A_294 = arith.shrsi %bitcast3A, %shift_right_arithmetic3A_293 : vector<16xi32>
      %broadcast_in_dim3A_295 = arith.constant true
      %broadcast_in_dim3A_296 = vector.broadcast %broadcast_in_dim3A_295 : i1 to vector<16xi1>
      %unique3A, %unique3A_297 = tpu.scan_count mask(%broadcast_in_dim3A_296 : vector<16xi1>) value(%shift_right_arithmetic3A_294 : vector<16xi32>) : vector<16xi1>, vector<16xi32>
      tpu.vector_store_idx %arg13[%shift_right_arithmetic3A_294], %unique3A_297 masked %unique3A {add = true} : memref<4096xi32, #tpu.memory_space<vmem>>[vector<16xi32>], vector<16xi32>, vector<16xi1>
      %mul3A_298 = arith.constant 4 : i32
      %mul3A_299 = arith.muli %scan3A_283, %mul3A_298 : i32
      %add3A_300 = arith.constant 1 : i32
      %add3A_301 = arith.addi %mul3A_299, %add3A_300 : i32
      %mul3A_302 = arith.constant 16 : i32
      %mul3A_303 = arith.muli %add3A_301, %mul3A_302 : i32
      %get3A_304 = arith.index_cast %mul3A_303 : i32 to index
      %get3A_305 = tpu.vector_load %arg12[%get3A_304] {strides = array<i32>} : memref<10880xf32, #tpu.memory_space<vmem>>, vector<16xf32>,
      %bitcast3A_306 = vector.bitcast %get3A_305 : vector<16xf32> to vector<16xi32>
      %shift_right_arithmetic3A_307 = arith.constant 18 : i32
      %shift_right_arithmetic3A_308 = vector.broadcast %shift_right_arithmetic3A_307 : i32 to vector<16xi32>
      %shift_right_arithmetic3A_309 = arith.shrsi %bitcast3A_306, %shift_right_arithmetic3A_308 : vector<16xi32>
      %broadcast_in_dim3A_310 = arith.constant true
      %broadcast_in_dim3A_311 = vector.broadcast %broadcast_in_dim3A_310 : i1 to vector<16xi1>
      %unique3A_312, %unique3A_313 = tpu.scan_count mask(%broadcast_in_dim3A_311 : vector<16xi1>) value(%shift_right_arithmetic3A_309 : vector<16xi32>) : vector<16xi1>, vector<16xi32>
      tpu.vector_store_idx %arg13[%shift_right_arithmetic3A_309], %unique3A_313 masked %unique3A_312 {add = true} : memref<4096xi32, #tpu.memory_space<vmem>>[vector<16xi32>], vector<16xi32>, vector<16xi1>
      %mul3A_314 = arith.constant 4 : i32
      %mul3A_315 = arith.muli %scan3A_283, %mul3A_314 : i32
      %add3A_316 = arith.constant 2 : i32
      %add3A_317 = arith.addi %mul3A_315, %add3A_316 : i32
      %mul3A_318 = arith.constant 16 : i32
      %mul3A_319 = arith.muli %add3A_317, %mul3A_318 : i32
      %get3A_320 = arith.index_cast %mul3A_319 : i32 to index
      %get3A_321 = tpu.vector_load %arg12[%get3A_320] {strides = array<i32>} : memref<10880xf32, #tpu.memory_space<vmem>>, vector<16xf32>,
      %bitcast3A_322 = vector.bitcast %get3A_321 : vector<16xf32> to vector<16xi32>
      %shift_right_arithmetic3A_323 = arith.constant 18 : i32
      %shift_right_arithmetic3A_324 = vector.broadcast %shift_right_arithmetic3A_323 : i32 to vector<16xi32>
      %shift_right_arithmetic3A_325 = arith.shrsi %bitcast3A_322, %shift_right_arithmetic3A_324 : vector<16xi32>
      %broadcast_in_dim3A_326 = arith.constant true
      %broadcast_in_dim3A_327 = vector.broadcast %broadcast_in_dim3A_326 : i1 to vector<16xi1>
      %unique3A_328, %unique3A_329 = tpu.scan_count mask(%broadcast_in_dim3A_327 : vector<16xi1>) value(%shift_right_arithmetic3A_325 : vector<16xi32>) : vector<16xi1>, vector<16xi32>
      tpu.vector_store_idx %arg13[%shift_right_arithmetic3A_325], %unique3A_329 masked %unique3A_328 {add = true} : memref<4096xi32, #tpu.memory_space<vmem>>[vector<16xi32>], vector<16xi32>, vector<16xi1>
      %mul3A_330 = arith.constant 4 : i32
      %mul3A_331 = arith.muli %scan3A_283, %mul3A_330 : i32
      %add3A_332 = arith.constant 3 : i32
      %add3A_333 = arith.addi %mul3A_331, %add3A_332 : i32
      %mul3A_334 = arith.constant 16 : i32
      %mul3A_335 = arith.muli %add3A_333, %mul3A_334 : i32
      %get3A_336 = arith.index_cast %mul3A_335 : i32 to index
      %get3A_337 = tpu.vector_load %arg12[%get3A_336] {strides = array<i32>} : memref<10880xf32, #tpu.memory_space<vmem>>, vector<16xf32>,
      %bitcast3A_338 = vector.bitcast %get3A_337 : vector<16xf32> to vector<16xi32>
      %shift_right_arithmetic3A_339 = arith.constant 18 : i32
      %shift_right_arithmetic3A_340 = vector.broadcast %shift_right_arithmetic3A_339 : i32 to vector<16xi32>
      %shift_right_arithmetic3A_341 = arith.shrsi %bitcast3A_338, %shift_right_arithmetic3A_340 : vector<16xi32>
      %broadcast_in_dim3A_342 = arith.constant true
      %broadcast_in_dim3A_343 = vector.broadcast %broadcast_in_dim3A_342 : i1 to vector<16xi1>
      %unique3A_344, %unique3A_345 = tpu.scan_count mask(%broadcast_in_dim3A_343 : vector<16xi1>) value(%shift_right_arithmetic3A_341 : vector<16xi32>) : vector<16xi1>, vector<16xi32>
      tpu.vector_store_idx %arg13[%shift_right_arithmetic3A_341], %unique3A_345 masked %unique3A_344 {add = true} : memref<4096xi32, #tpu.memory_space<vmem>>[vector<16xi32>], vector<16xi32>, vector<16xi1>
    }
    %scan3A_19 = arith.constant 170 : i32
    "tpu.region"() ({
      %run_scoped3A = tpu.sem_alloc : memref<!tpu.dma_semaphore, #tpu.memory_space<semaphore_mem>>
      %dma_start3A_283 = arith.constant 0 : i32
      %dma_start3A_284 = tpu.memref_slice %arg27[%arg1, %dma_start3A_283] : memref<16x4096xi32, #tpu.memory_space<vmem_shared>> -> memref<1x4096xi32, #tpu.memory_space<vmem_shared>>
      %dma_start3A_285 = tpu.memref_squeeze %dma_start3A_284 : memref<1x4096xi32, #tpu.memory_space<vmem_shared>> -> memref<4096xi32, #tpu.memory_space<vmem_shared>>
      %dma_start3A_286 = arith.constant 0 : i32
      %dma_start3A_287 = tpu.memref_slice %arg27[%arg1, %dma_start3A_286] : memref<16x4096xi32, #tpu.memory_space<vmem_shared>> -> memref<1x4096xi32, #tpu.memory_space<vmem_shared>>
      %dma_start3A_288 = tpu.memref_squeeze %dma_start3A_287 : memref<1x4096xi32, #tpu.memory_space<vmem_shared>> -> memref<4096xi32, #tpu.memory_space<vmem_shared>>
      tpu.enqueue_dma source(%arg13 : memref<4096xi32, #tpu.memory_space<vmem>>) target(%dma_start3A_288 : memref<4096xi32, #tpu.memory_space<vmem_shared>>) target_semaphore(%run_scoped3A : memref<!tpu.dma_semaphore, #tpu.memory_space<semaphore_mem>>)
      %dma_wait3A_289 = arith.constant 0 : i32
      %dma_wait3A_290 = tpu.memref_slice %arg27[%arg1, %dma_wait3A_289] : memref<16x4096xi32, #tpu.memory_space<vmem_shared>> -> memref<1x4096xi32, #tpu.memory_space<vmem_shared>>
      %dma_wait3A_291 = tpu.memref_squeeze %dma_wait3A_290 : memref<1x4096xi32, #tpu.memory_space<vmem_shared>> -> memref<4096xi32, #tpu.memory_space<vmem_shared>>
      %dma_wait3A_292 = arith.constant 0 : i32
      %dma_wait3A_293 = tpu.memref_slice %arg27[%arg1, %dma_wait3A_292] : memref<16x4096xi32, #tpu.memory_space<vmem_shared>> -> memref<1x4096xi32, #tpu.memory_space<vmem_shared>>
      %dma_wait3A_294 = tpu.memref_squeeze %dma_wait3A_293 : memref<1x4096xi32, #tpu.memory_space<vmem_shared>> -> memref<4096xi32, #tpu.memory_space<vmem_shared>>
      tpu.wait_dma2 semaphore(%run_scoped3A : memref<!tpu.dma_semaphore, #tpu.memory_space<semaphore_mem>>) src(%arg13 : memref<4096xi32, #tpu.memory_space<vmem>>) dst(%dma_wait3A_294 : memref<4096xi32, #tpu.memory_space<vmem_shared>>)
      tpu.yield
    }) : () -> ()
    %barrier3A = arith.constant 0 : index
    tpu.barrier barrier_id(%barrier3A)
    %xor3A = arith.constant 1 : i32
    %xor3A_20 = arith.xori %arg1, %xor3A : i32
    "tpu.region"() ({
      %run_scoped3A = tpu.sem_alloc : memref<!tpu.dma_semaphore, #tpu.memory_space<semaphore_mem>>
      %dma_start3A_283 = arith.constant 0 : i32
      %dma_start3A_284 = tpu.memref_slice %arg27[%xor3A_20, %dma_start3A_283] : memref<16x4096xi32, #tpu.memory_space<vmem_shared>> -> memref<1x4096xi32, #tpu.memory_space<vmem_shared>>
      %dma_start3A_285 = tpu.memref_squeeze %dma_start3A_284 : memref<1x4096xi32, #tpu.memory_space<vmem_shared>> -> memref<4096xi32, #tpu.memory_space<vmem_shared>>
      %dma_start3A_286 = arith.constant 0 : i32
      %dma_start3A_287 = tpu.memref_slice %arg27[%xor3A_20, %dma_start3A_286] : memref<16x4096xi32, #tpu.memory_space<vmem_shared>> -> memref<1x4096xi32, #tpu.memory_space<vmem_shared>>
      %dma_start3A_288 = tpu.memref_squeeze %dma_start3A_287 : memref<1x4096xi32, #tpu.memory_space<vmem_shared>> -> memref<4096xi32, #tpu.memory_space<vmem_shared>>
      tpu.enqueue_dma source(%dma_start3A_288 : memref<4096xi32, #tpu.memory_space<vmem_shared>>) target(%arg14 : memref<4096xi32, #tpu.memory_space<vmem>>) target_semaphore(%run_scoped3A : memref<!tpu.dma_semaphore, #tpu.memory_space<semaphore_mem>>)
      %dma_wait3A_289 = arith.constant 0 : i32
      %dma_wait3A_290 = tpu.memref_slice %arg27[%xor3A_20, %dma_wait3A_289] : memref<16x4096xi32, #tpu.memory_space<vmem_shared>> -> memref<1x4096xi32, #tpu.memory_space<vmem_shared>>
      %dma_wait3A_291 = tpu.memref_squeeze %dma_wait3A_290 : memref<1x4096xi32, #tpu.memory_space<vmem_shared>> -> memref<4096xi32, #tpu.memory_space<vmem_shared>>
      %dma_wait3A_292 = arith.constant 0 : i32
      %dma_wait3A_293 = tpu.memref_slice %arg27[%xor3A_20, %dma_wait3A_292] : memref<16x4096xi32, #tpu.memory_space<vmem_shared>> -> memref<1x4096xi32, #tpu.memory_space<vmem_shared>>
      %dma_wait3A_294 = tpu.memref_squeeze %dma_wait3A_293 : memref<1x4096xi32, #tpu.memory_space<vmem_shared>> -> memref<4096xi32, #tpu.memory_space<vmem_shared>>
      tpu.wait_dma2 semaphore(%run_scoped3A : memref<!tpu.dma_semaphore, #tpu.memory_space<semaphore_mem>>) src(%dma_wait3A_294 : memref<4096xi32, #tpu.memory_space<vmem_shared>>) dst(%arg14 : memref<4096xi32, #tpu.memory_space<vmem>>)
      tpu.yield
    }) : () -> ()
    %while3A = arith.constant 255 : i32
    %while3A_21 = arith.constant 0 : i32
    %while3A_22 = arith.constant -1 : i32
    %while3A_23 = arith.constant -1 : i32
    %while3A_24 = arith.constant 4096 : i32
    %while3A_25:5 = scf.while (%while3A_283 = %while3A, %while3A_284 = %while3A_21, %while3A_285 = %while3A_22, %while3A_286 = %while3A_23, %while3A_287 = %while3A_24) : (i32, i32, i32, i32, i32) -> (i32, i32, i32, i32, i32) {
      %lt3A_288 = arith.constant 2000 : i32
      %lt3A_289 = arith.cmpi slt, %while3A_284, %lt3A_288 : i32
      %ge3A_290 = arith.constant 0 : i32
      %ge3A_291 = arith.cmpi sge, %while3A_283, %ge3A_290 : i32
      %and3A_292 = arith.andi %lt3A_289, %ge3A_291 : i1
      scf.condition(%and3A_292) %while3A_283, %while3A_284, %while3A_285, %while3A_286, %while3A_287 : i32, i32, i32, i32, i32
    } do {
    ^bb0(%while3A_283: i32, %while3A_284: i32, %while3A_285: i32, %while3A_286: i32, %while3A_287: i32):
      %mul3A_288 = arith.constant 16 : i32
      %mul3A_289 = arith.muli %while3A_283, %mul3A_288 : i32
      %get3A_290 = arith.index_cast %mul3A_289 : i32 to index
      %get3A_291 = tpu.vector_load %arg13[%get3A_290] {strides = array<i32>} : memref<4096xi32, #tpu.memory_space<vmem>>, vector<16xi32>,
      %mul3A_292 = arith.constant 16 : i32
      %mul3A_293 = arith.muli %while3A_283, %mul3A_292 : i32
      %get3A_294 = arith.index_cast %mul3A_293 : i32 to index
      %get3A_295 = tpu.vector_load %arg14[%get3A_294] {strides = array<i32>} : memref<4096xi32, #tpu.memory_space<vmem>>, vector<16xi32>,
      %add3A_296 = arith.addi %get3A_291, %get3A_295 : vector<16xi32>
      %rev3A = arith.constant 15 : i32
      %rev3A_297 = vector.broadcast %rev3A : i32 to vector<16xi32>
      %rev3A_298 = tpu.iota {dimensions = array<i32: 0>} : vector<16xi32>
      %rev3A_299 = arith.subi %rev3A_297, %rev3A_298 : vector<16xi32>
      %rev3A_300 = tpu.dynamic_gather %add3A_296[%rev3A_299] in [0] : vector<16xi32>, vector<16xi32> -> vector<16xi32>
      %broadcast_in_dim3A_301 = arith.constant true
      %broadcast_in_dim3A_302 = vector.broadcast %broadcast_in_dim3A_301 : i1 to vector<16xi1>
      %masked_cumsum3A = tpu.scan <sum>, %rev3A_300 masked %broadcast_in_dim3A_302 : vector<16xi32>, vector<16xi1> -> vector<16xi32>
      %add3A_303 = vector.broadcast %while3A_284 : i32 to vector<16xi32>
      %add3A_304 = arith.addi %masked_cumsum3A, %add3A_303 : vector<16xi32>
      %sub3A_305 = arith.subi %add3A_304, %rev3A_300 : vector<16xi32>
      %mul3A_306 = arith.constant 16 : i32
      %mul3A_307 = arith.muli %while3A_283, %mul3A_306 : i32
      %add3A_308 = arith.constant 15 : i32
      %add3A_309 = arith.addi %mul3A_307, %add3A_308 : i32
      %sub3A_310 = vector.broadcast %add3A_309 : i32 to vector<16xi32>
      %sub3A_311 = arith.subi %sub3A_310, %iota3A : vector<16xi32>
      tpu.vector_store_idx %arg14[%sub3A_311], %sub3A_305 : memref<4096xi32, #tpu.memory_space<vmem>>[vector<16xi32>], vector<16xi32>,
      %ge3A_312 = arith.constant 2000 : i32
      %ge3A_313 = vector.broadcast %ge3A_312 : i32 to vector<16xi32>
      %ge3A_314 = arith.cmpi sge, %add3A_304, %ge3A_313 : vector<16xi32>
      %jit3A_315 = arith.constant -1 : i32
      %broadcast_in_dim3A_316 = vector.broadcast %jit3A_315 : i32 to vector<16xi32>
      %select_n3A_317 = arith.select %ge3A_314, %sub3A_311, %broadcast_in_dim3A_316 : vector<16xi1>, vector<16xi32>
      %reduce_max3A_318 = arith.constant true
      %reduce_max3A_319 = vector.broadcast %reduce_max3A_318 : i1 to vector<16xi1>
      %reduce_max3A_320 = arith.constant -2147483648 : i32
      %reduce_max3A_321 = vector.broadcast %reduce_max3A_320 : i32 to vector<16xi32>
      %reduce_max3A_322 = arith.xori %select_n3A_317, %reduce_max3A_321 : vector<16xi32>
      %reduce_max3A_323 = tpu.scan <max>, %reduce_max3A_322 masked %reduce_max3A_319 : vector<16xi32>, vector<16xi1> -> vector<16xi32>
      %reduce_max3A_324 = arith.xori %reduce_max3A_323, %reduce_max3A_321 : vector<16xi32>
      %reduce_max3A_325 = vector.extract %reduce_max3A_324[15] : i32 from vector<16xi32>
      %max3A = arith.maxsi %while3A_285, %reduce_max3A_325 : i32
      %gt3A = arith.constant 1024 : i32
      %gt3A_326 = vector.broadcast %gt3A : i32 to vector<16xi32>
      %gt3A_327 = arith.cmpi sgt, %add3A_304, %gt3A_326 : vector<16xi32>
      %jit3A_328 = arith.constant -1 : i32
      %broadcast_in_dim3A_329 = vector.broadcast %jit3A_328 : i32 to vector<16xi32>
      %select_n3A_330 = arith.select %gt3A_327, %sub3A_311, %broadcast_in_dim3A_329 : vector<16xi1>, vector<16xi32>
      %reduce_max3A_331 = arith.constant true
      %reduce_max3A_332 = vector.broadcast %reduce_max3A_331 : i1 to vector<16xi1>
      %reduce_max3A_333 = arith.constant -2147483648 : i32
      %reduce_max3A_334 = vector.broadcast %reduce_max3A_333 : i32 to vector<16xi32>
      %reduce_max3A_335 = arith.xori %select_n3A_330, %reduce_max3A_334 : vector<16xi32>
      %reduce_max3A_336 = tpu.scan <max>, %reduce_max3A_335 masked %reduce_max3A_332 : vector<16xi32>, vector<16xi1> -> vector<16xi32>
      %reduce_max3A_337 = arith.xori %reduce_max3A_336, %reduce_max3A_334 : vector<16xi32>
      %reduce_max3A_338 = vector.extract %reduce_max3A_337[15] : i32 from vector<16xi32>
      %max3A_339 = arith.maxsi %while3A_286, %reduce_max3A_338 : i32
      %lt3A_340 = arith.constant 1024 : i32
      %lt3A_341 = vector.broadcast %lt3A_340 : i32 to vector<16xi32>
      %lt3A_342 = arith.cmpi slt, %sub3A_305, %lt3A_341 : vector<16xi32>
      %jit3A_343 = arith.constant 4096 : i32
      %broadcast_in_dim3A_344 = vector.broadcast %jit3A_343 : i32 to vector<16xi32>
      %select_n3A_345 = arith.select %lt3A_342, %sub3A_311, %broadcast_in_dim3A_344 : vector<16xi1>, vector<16xi32>
      %reduce_min3A = arith.constant true
      %reduce_min3A_346 = vector.broadcast %reduce_min3A : i1 to vector<16xi1>
      %reduce_min3A_347 = arith.constant -2147483648 : i32
      %reduce_min3A_348 = vector.broadcast %reduce_min3A_347 : i32 to vector<16xi32>
      %reduce_min3A_349 = arith.xori %select_n3A_345, %reduce_min3A_348 : vector<16xi32>
      %reduce_min3A_350 = tpu.scan <min>, %reduce_min3A_349 masked %reduce_min3A_346 : vector<16xi32>, vector<16xi1> -> vector<16xi32>
      %reduce_min3A_351 = arith.xori %reduce_min3A_350, %reduce_min3A_348 : vector<16xi32>
      %reduce_min3A_352 = vector.extract %reduce_min3A_351[15] : i32 from vector<16xi32>
      %min3A_353 = arith.minsi %while3A_287, %reduce_min3A_352 : i32
      %reduce_max3A_354 = arith.constant true
      %reduce_max3A_355 = vector.broadcast %reduce_max3A_354 : i1 to vector<16xi1>
      %reduce_max3A_356 = arith.constant -2147483648 : i32
      %reduce_max3A_357 = vector.broadcast %reduce_max3A_356 : i32 to vector<16xi32>
      %reduce_max3A_358 = arith.xori %add3A_304, %reduce_max3A_357 : vector<16xi32>
      %reduce_max3A_359 = tpu.scan <max>, %reduce_max3A_358 masked %reduce_max3A_355 : vector<16xi32>, vector<16xi1> -> vector<16xi32>
      %reduce_max3A_360 = arith.xori %reduce_max3A_359, %reduce_max3A_357 : vector<16xi32>
      %reduce_max3A_361 = vector.extract %reduce_max3A_360[15] : i32 from vector<16xi32>
      %add3A_362 = arith.addi %while3A_284, %reduce_max3A_361 : i32
      %sub3A_363 = arith.constant 1 : i32
      %sub3A_364 = arith.subi %while3A_283, %sub3A_363 : i32
      scf.yield %sub3A_364, %add3A_362, %max3A, %max3A_339, %min3A_353 : i32, i32, i32, i32, i32
    }
    %mul3A_26 = arith.constant 10880 : i32
    %mul3A_27 = arith.muli %and3A_2, %mul3A_26 : i32
    %scan3A_28 = arith.constant 0 : i32
    %scan3A_29 = arith.constant 170 : i32
    %scan3A_30 = arith.addi %scan3A_28, %scan3A_29 : i32
    %scan3A_31 = arith.constant 1 : i32
    %scan3A_32 = scf.for %scan3A_283 = %scan3A_28 to %scan3A_30 step %scan3A_31 iter_args(%scan3A_284 = %broadcast_in_dim3A_3) -> (vector<16xi32>)  : i32 {
      %mul3A_285 = arith.constant 4 : i32
      %mul3A_286 = arith.muli %scan3A_283, %mul3A_285 : i32
      %add3A_287 = arith.constant 0 : i32
      %add3A_288 = arith.addi %mul3A_286, %add3A_287 : i32
      %mul3A_289 = arith.constant 16 : i32
      %mul3A_290 = arith.muli %add3A_288, %mul3A_289 : i32
      %get3A_291 = arith.index_cast %mul3A_290 : i32 to index
      %get3A_292 = tpu.vector_load %arg12[%get3A_291] {strides = array<i32>} : memref<10880xf32, #tpu.memory_space<vmem>>, vector<16xf32>,
      %bitcast3A = vector.bitcast %get3A_292 : vector<16xf32> to vector<16xi32>
      %shift_right_arithmetic3A_293 = arith.constant 18 : i32
      %shift_right_arithmetic3A_294 = vector.broadcast %shift_right_arithmetic3A_293 : i32 to vector<16xi32>
      %shift_right_arithmetic3A_295 = arith.shrsi %bitcast3A, %shift_right_arithmetic3A_294 : vector<16xi32>
      %ge3A_296 = vector.broadcast %while3A_25#2 : i32 to vector<16xi32>
      %ge3A_297 = arith.cmpi sge, %shift_right_arithmetic3A_295, %ge3A_296 : vector<16xi32>
      %masked_cumsum3A = tpu.scan <sum>, %broadcast_in_dim3A_5 masked %ge3A_297 : vector<16xi32>, vector<16xi1> -> vector<16xi32>
      %add3A_298 = arith.addi %scan3A_284, %masked_cumsum3A : vector<16xi32>
      %sub3A_299 = arith.constant 1 : i32
      %sub3A_300 = vector.broadcast %sub3A_299 : i32 to vector<16xi32>
      %sub3A_301 = arith.subi %add3A_298, %sub3A_300 : vector<16xi32>
      %lt3A_302 = arith.constant 3072 : i32
      %lt3A_303 = vector.broadcast %lt3A_302 : i32 to vector<16xi32>
      %lt3A_304 = arith.cmpi slt, %sub3A_301, %lt3A_303 : vector<16xi32>
      %and3A_305 = arith.andi %ge3A_297, %lt3A_304 : vector<16xi1>
      tpu.vector_store_idx %arg16[%sub3A_301], %bitcast3A masked %and3A_305 : memref<6144xi32, #tpu.memory_space<vmem>>[vector<16xi32>], vector<16xi32>, vector<16xi1>
      %mul3A_306 = arith.constant 16 : i32
      %mul3A_307 = arith.muli %add3A_288, %mul3A_306 : i32
      %add3A_308 = arith.addi %mul3A_27, %mul3A_307 : i32
      %add3A_309 = vector.broadcast %add3A_308 : i32 to vector<16xi32>
      %add3A_310 = arith.addi %add3A_309, %iota3A : vector<16xi32>
      tpu.vector_store_idx %arg17[%sub3A_301], %add3A_310 masked %and3A_305 : memref<6144xi32, #tpu.memory_space<vmem>>[vector<16xi32>], vector<16xi32>, vector<16xi1>
      %all_reduce_population_count3A = tpu.all_reduce %ge3A_297 {dim = 0 : i64, kind = #tpu.reduction_kind<sum>} : vector<16xi1> -> vector<16xi32>
      %add3A_311 = arith.addi %scan3A_284, %all_reduce_population_count3A : vector<16xi32>
      %mul3A_312 = arith.constant 4 : i32
      %mul3A_313 = arith.muli %scan3A_283, %mul3A_312 : i32
      %add3A_314 = arith.constant 1 : i32
      %add3A_315 = arith.addi %mul3A_313, %add3A_314 : i32
      %mul3A_316 = arith.constant 16 : i32
      %mul3A_317 = arith.muli %add3A_315, %mul3A_316 : i32
      %get3A_318 = arith.index_cast %mul3A_317 : i32 to index
      %get3A_319 = tpu.vector_load %arg12[%get3A_318] {strides = array<i32>} : memref<10880xf32, #tpu.memory_space<vmem>>, vector<16xf32>,
      %bitcast3A_320 = vector.bitcast %get3A_319 : vector<16xf32> to vector<16xi32>
      %shift_right_arithmetic3A_321 = arith.constant 18 : i32
      %shift_right_arithmetic3A_322 = vector.broadcast %shift_right_arithmetic3A_321 : i32 to vector<16xi32>
      %shift_right_arithmetic3A_323 = arith.shrsi %bitcast3A_320, %shift_right_arithmetic3A_322 : vector<16xi32>
      %ge3A_324 = vector.broadcast %while3A_25#2 : i32 to vector<16xi32>
      %ge3A_325 = arith.cmpi sge, %shift_right_arithmetic3A_323, %ge3A_324 : vector<16xi32>
      %masked_cumsum3A_326 = tpu.scan <sum>, %broadcast_in_dim3A_5 masked %ge3A_325 : vector<16xi32>, vector<16xi1> -> vector<16xi32>
      %add3A_327 = arith.addi %add3A_311, %masked_cumsum3A_326 : vector<16xi32>
      %sub3A_328 = arith.constant 1 : i32
      %sub3A_329 = vector.broadcast %sub3A_328 : i32 to vector<16xi32>
      %sub3A_330 = arith.subi %add3A_327, %sub3A_329 : vector<16xi32>
      %lt3A_331 = arith.constant 3072 : i32
      %lt3A_332 = vector.broadcast %lt3A_331 : i32 to vector<16xi32>
      %lt3A_333 = arith.cmpi slt, %sub3A_330, %lt3A_332 : vector<16xi32>
      %and3A_334 = arith.andi %ge3A_325, %lt3A_333 : vector<16xi1>
      tpu.vector_store_idx %arg16[%sub3A_330], %bitcast3A_320 masked %and3A_334 : memref<6144xi32, #tpu.memory_space<vmem>>[vector<16xi32>], vector<16xi32>, vector<16xi1>
      %mul3A_335 = arith.constant 16 : i32
      %mul3A_336 = arith.muli %add3A_315, %mul3A_335 : i32
      %add3A_337 = arith.addi %mul3A_27, %mul3A_336 : i32
      %add3A_338 = vector.broadcast %add3A_337 : i32 to vector<16xi32>
      %add3A_339 = arith.addi %add3A_338, %iota3A : vector<16xi32>
      tpu.vector_store_idx %arg17[%sub3A_330], %add3A_339 masked %and3A_334 : memref<6144xi32, #tpu.memory_space<vmem>>[vector<16xi32>], vector<16xi32>, vector<16xi1>
      %all_reduce_population_count3A_340 = tpu.all_reduce %ge3A_325 {dim = 0 : i64, kind = #tpu.reduction_kind<sum>} : vector<16xi1> -> vector<16xi32>
      %add3A_341 = arith.addi %add3A_311, %all_reduce_population_count3A_340 : vector<16xi32>
      %mul3A_342 = arith.constant 4 : i32
      %mul3A_343 = arith.muli %scan3A_283, %mul3A_342 : i32
      %add3A_344 = arith.constant 2 : i32
      %add3A_345 = arith.addi %mul3A_343, %add3A_344 : i32
      %mul3A_346 = arith.constant 16 : i32
      %mul3A_347 = arith.muli %add3A_345, %mul3A_346 : i32
      %get3A_348 = arith.index_cast %mul3A_347 : i32 to index
      %get3A_349 = tpu.vector_load %arg12[%get3A_348] {strides = array<i32>} : memref<10880xf32, #tpu.memory_space<vmem>>, vector<16xf32>,
      %bitcast3A_350 = vector.bitcast %get3A_349 : vector<16xf32> to vector<16xi32>
      %shift_right_arithmetic3A_351 = arith.constant 18 : i32
      %shift_right_arithmetic3A_352 = vector.broadcast %shift_right_arithmetic3A_351 : i32 to vector<16xi32>
      %shift_right_arithmetic3A_353 = arith.shrsi %bitcast3A_350, %shift_right_arithmetic3A_352 : vector<16xi32>
      %ge3A_354 = vector.broadcast %while3A_25#2 : i32 to vector<16xi32>
      %ge3A_355 = arith.cmpi sge, %shift_right_arithmetic3A_353, %ge3A_354 : vector<16xi32>
      %masked_cumsum3A_356 = tpu.scan <sum>, %broadcast_in_dim3A_5 masked %ge3A_355 : vector<16xi32>, vector<16xi1> -> vector<16xi32>
      %add3A_357 = arith.addi %add3A_341, %masked_cumsum3A_356 : vector<16xi32>
      %sub3A_358 = arith.constant 1 : i32
      %sub3A_359 = vector.broadcast %sub3A_358 : i32 to vector<16xi32>
      %sub3A_360 = arith.subi %add3A_357, %sub3A_359 : vector<16xi32>
      %lt3A_361 = arith.constant 3072 : i32
      %lt3A_362 = vector.broadcast %lt3A_361 : i32 to vector<16xi32>
      %lt3A_363 = arith.cmpi slt, %sub3A_360, %lt3A_362 : vector<16xi32>
      %and3A_364 = arith.andi %ge3A_355, %lt3A_363 : vector<16xi1>
      tpu.vector_store_idx %arg16[%sub3A_360], %bitcast3A_350 masked %and3A_364 : memref<6144xi32, #tpu.memory_space<vmem>>[vector<16xi32>], vector<16xi32>, vector<16xi1>
      %mul3A_365 = arith.constant 16 : i32
      %mul3A_366 = arith.muli %add3A_345, %mul3A_365 : i32
      %add3A_367 = arith.addi %mul3A_27, %mul3A_366 : i32
      %add3A_368 = vector.broadcast %add3A_367 : i32 to vector<16xi32>
      %add3A_369 = arith.addi %add3A_368, %iota3A : vector<16xi32>
      tpu.vector_store_idx %arg17[%sub3A_360], %add3A_369 masked %and3A_364 : memref<6144xi32, #tpu.memory_space<vmem>>[vector<16xi32>], vector<16xi32>, vector<16xi1>
      %all_reduce_population_count3A_370 = tpu.all_reduce %ge3A_355 {dim = 0 : i64, kind = #tpu.reduction_kind<sum>} : vector<16xi1> -> vector<16xi32>
      %add3A_371 = arith.addi %add3A_341, %all_reduce_population_count3A_370 : vector<16xi32>
      %mul3A_372 = arith.constant 4 : i32
      %mul3A_373 = arith.muli %scan3A_283, %mul3A_372 : i32
      %add3A_374 = arith.constant 3 : i32
      %add3A_375 = arith.addi %mul3A_373, %add3A_374 : i32
      %mul3A_376 = arith.constant 16 : i32
      %mul3A_377 = arith.muli %add3A_375, %mul3A_376 : i32
      %get3A_378 = arith.index_cast %mul3A_377 : i32 to index
      %get3A_379 = tpu.vector_load %arg12[%get3A_378] {strides = array<i32>} : memref<10880xf32, #tpu.memory_space<vmem>>, vector<16xf32>,
      %bitcast3A_380 = vector.bitcast %get3A_379 : vector<16xf32> to vector<16xi32>
      %shift_right_arithmetic3A_381 = arith.constant 18 : i32
      %shift_right_arithmetic3A_382 = vector.broadcast %shift_right_arithmetic3A_381 : i32 to vector<16xi32>
      %shift_right_arithmetic3A_383 = arith.shrsi %bitcast3A_380, %shift_right_arithmetic3A_382 : vector<16xi32>
      %ge3A_384 = vector.broadcast %while3A_25#2 : i32 to vector<16xi32>
      %ge3A_385 = arith.cmpi sge, %shift_right_arithmetic3A_383, %ge3A_384 : vector<16xi32>
      %masked_cumsum3A_386 = tpu.scan <sum>, %broadcast_in_dim3A_5 masked %ge3A_385 : vector<16xi32>, vector<16xi1> -> vector<16xi32>
      %add3A_387 = arith.addi %add3A_371, %masked_cumsum3A_386 : vector<16xi32>
      %sub3A_388 = arith.constant 1 : i32
      %sub3A_389 = vector.broadcast %sub3A_388 : i32 to vector<16xi32>
      %sub3A_390 = arith.subi %add3A_387, %sub3A_389 : vector<16xi32>
      %lt3A_391 = arith.constant 3072 : i32
      %lt3A_392 = vector.broadcast %lt3A_391 : i32 to vector<16xi32>
      %lt3A_393 = arith.cmpi slt, %sub3A_390, %lt3A_392 : vector<16xi32>
      %and3A_394 = arith.andi %ge3A_385, %lt3A_393 : vector<16xi1>
      tpu.vector_store_idx %arg16[%sub3A_390], %bitcast3A_380 masked %and3A_394 : memref<6144xi32, #tpu.memory_space<vmem>>[vector<16xi32>], vector<16xi32>, vector<16xi1>
      %mul3A_395 = arith.constant 16 : i32
      %mul3A_396 = arith.muli %add3A_375, %mul3A_395 : i32
      %add3A_397 = arith.addi %mul3A_27, %mul3A_396 : i32
      %add3A_398 = vector.broadcast %add3A_397 : i32 to vector<16xi32>
      %add3A_399 = arith.addi %add3A_398, %iota3A : vector<16xi32>
      tpu.vector_store_idx %arg17[%sub3A_390], %add3A_399 masked %and3A_394 : memref<6144xi32, #tpu.memory_space<vmem>>[vector<16xi32>], vector<16xi32>, vector<16xi1>
      %all_reduce_population_count3A_400 = tpu.all_reduce %ge3A_385 {dim = 0 : i64, kind = #tpu.reduction_kind<sum>} : vector<16xi1> -> vector<16xi32>
      %add3A_401 = arith.addi %add3A_371, %all_reduce_population_count3A_400 : vector<16xi32>
      scf.yield %add3A_401 : vector<16xi32>
    }
    %scan3A_33 = arith.constant 170 : i32
    %min3A = arith.constant 3072 : i32
    %min3A_34 = vector.broadcast %min3A : i32 to vector<16xi32>
    %min3A_35 = arith.minsi %scan3A_32, %min3A_34 : vector<16xi32>
    %reduce_max3A = arith.constant true
    %reduce_max3A_36 = vector.broadcast %reduce_max3A : i1 to vector<16xi1>
    %reduce_max3A_37 = arith.constant -2147483648 : i32
    %reduce_max3A_38 = vector.broadcast %reduce_max3A_37 : i32 to vector<16xi32>
    %reduce_max3A_39 = arith.xori %min3A_35, %reduce_max3A_38 : vector<16xi32>
    %reduce_max3A_40 = tpu.scan <max>, %reduce_max3A_39 masked %reduce_max3A_36 : vector<16xi32>, vector<16xi1> -> vector<16xi32>
    %reduce_max3A_41 = arith.xori %reduce_max3A_40, %reduce_max3A_38 : vector<16xi32>
    %reduce_max3A_42 = vector.extract %reduce_max3A_41[15] : i32 from vector<16xi32>
    %add3A_43 = arith.constant 15 : i32
    %add3A_44 = arith.addi %reduce_max3A_42, %add3A_43 : i32
    %shift_right_arithmetic3A_45 = arith.constant 4 : i32
    %shift_right_arithmetic3A_46 = arith.shrsi %add3A_44, %shift_right_arithmetic3A_45 : i32
    %while3A_47 = arith.constant 0 : i32
    %while3A_48 = arith.subi %shift_right_arithmetic3A_46, %while3A_47 : i32
    %while3A_49 = arith.addi %while3A_47, %while3A_48 : i32
    %while3A_50 = arith.constant 1 : i32
    %while3A_51 = arith.divsi %while3A_48, %while3A_50 : i32
    %while3A_52 = arith.muli %while3A_51, %while3A_50 : i32
    %while3A_53 = arith.addi %while3A_47, %while3A_52 : i32
    %while3A_54 = arith.constant 1 : i32
    %while3A_55:2 = scf.for %while3A_283 = %while3A_47 to %while3A_53 step %while3A_54 iter_args(%while3A_284 = %broadcast_in_dim3A_3, %while3A_285 = %broadcast_in_dim3A_3) -> (vector<16xi32>, vector<16xi32>)  : i32 {
      %mul3A_286 = arith.constant 16 : i32
      %mul3A_287 = arith.muli %while3A_283, %mul3A_286 : i32
      %get3A_288 = arith.index_cast %mul3A_287 : i32 to index
      %get3A_289 = tpu.vector_load %arg16[%get3A_288] {strides = array<i32>} : memref<6144xi32, #tpu.memory_space<vmem>>, vector<16xi32>,
      %get3A_290 = arith.index_cast %mul3A_287 : i32 to index
      %get3A_291 = tpu.vector_load %arg17[%get3A_290] {strides = array<i32>} : memref<6144xi32, #tpu.memory_space<vmem>>, vector<16xi32>,
      %mul3A_292 = arith.constant 16 : i32
      %mul3A_293 = arith.muli %while3A_283, %mul3A_292 : i32
      %add3A_294 = vector.broadcast %mul3A_293 : i32 to vector<16xi32>
      %add3A_295 = arith.addi %add3A_294, %iota3A : vector<16xi32>
      %lt3A_296 = vector.broadcast %reduce_max3A_42 : i32 to vector<16xi32>
      %lt3A_297 = arith.cmpi slt, %add3A_295, %lt3A_296 : vector<16xi32>
      %shift_right_arithmetic3A_298 = arith.constant 18 : i32
      %shift_right_arithmetic3A_299 = vector.broadcast %shift_right_arithmetic3A_298 : i32 to vector<16xi32>
      %shift_right_arithmetic3A_300 = arith.shrsi %get3A_289, %shift_right_arithmetic3A_299 : vector<16xi32>
      %ge3A_301 = vector.broadcast %while3A_25#4 : i32 to vector<16xi32>
      %ge3A_302 = arith.cmpi sge, %shift_right_arithmetic3A_300, %ge3A_301 : vector<16xi32>
      %and3A_303 = arith.andi %ge3A_302, %lt3A_297 : vector<16xi1>
      %le3A = vector.broadcast %while3A_25#3 : i32 to vector<16xi32>
      %le3A_304 = arith.cmpi sle, %shift_right_arithmetic3A_300, %le3A : vector<16xi32>
      %and3A_305 = arith.andi %le3A_304, %lt3A_297 : vector<16xi1>
      %eq3A_306 = arith.constant 0 : i32
      %eq3A_307 = arith.cmpi eq, %and3A_2, %eq3A_306 : i32
      %select_n3A_308 = arith.select %eq3A_307, %and3A_303, %and3A_305 : vector<16xi1>
      %eq3A_309 = arith.constant 0 : i32
      %eq3A_310 = arith.cmpi eq, %and3A_2, %eq3A_309 : i32
      %select_n3A_311 = arith.select %eq3A_310, %and3A_305, %and3A_303 : vector<16xi1>
      %masked_cumsum3A = tpu.scan <sum>, %broadcast_in_dim3A_5 masked %select_n3A_308 : vector<16xi32>, vector<16xi1> -> vector<16xi32>
      %add3A_312 = arith.addi %while3A_284, %masked_cumsum3A : vector<16xi32>
      %sub3A_313 = arith.constant 1 : i32
      %sub3A_314 = vector.broadcast %sub3A_313 : i32 to vector<16xi32>
      %sub3A_315 = arith.subi %add3A_312, %sub3A_314 : vector<16xi32>
      %masked_cumsum3A_316 = tpu.scan <sum>, %broadcast_in_dim3A_5 masked %select_n3A_311 : vector<16xi32>, vector<16xi1> -> vector<16xi32>
      %add3A_317 = arith.addi %while3A_285, %masked_cumsum3A_316 : vector<16xi32>
      %sub3A_318 = arith.constant 1 : i32
      %sub3A_319 = vector.broadcast %sub3A_318 : i32 to vector<16xi32>
      %sub3A_320 = arith.subi %add3A_317, %sub3A_319 : vector<16xi32>
      %lt3A_321 = arith.constant 3072 : i32
      %lt3A_322 = vector.broadcast %lt3A_321 : i32 to vector<16xi32>
      %lt3A_323 = arith.cmpi slt, %sub3A_315, %lt3A_322 : vector<16xi32>
      %and3A_324 = arith.andi %select_n3A_308, %lt3A_323 : vector<16xi1>
      tpu.vector_store_idx %arg18[%sub3A_315], %get3A_289 masked %and3A_324 : memref<6144xi32, #tpu.memory_space<vmem>>[vector<16xi32>], vector<16xi32>, vector<16xi1>
      %lt3A_325 = arith.constant 3072 : i32
      %lt3A_326 = vector.broadcast %lt3A_325 : i32 to vector<16xi32>
      %lt3A_327 = arith.cmpi slt, %sub3A_315, %lt3A_326 : vector<16xi32>
      %and3A_328 = arith.andi %select_n3A_308, %lt3A_327 : vector<16xi1>
      tpu.vector_store_idx %arg19[%sub3A_315], %get3A_291 masked %and3A_328 : memref<6144xi32, #tpu.memory_space<vmem>>[vector<16xi32>], vector<16xi32>, vector<16xi1>
      %add3A_329 = arith.constant 3072 : i32
      %add3A_330 = vector.broadcast %add3A_329 : i32 to vector<16xi32>
      %add3A_331 = arith.addi %add3A_330, %sub3A_320 : vector<16xi32>
      %lt3A_332 = arith.constant 3072 : i32
      %lt3A_333 = vector.broadcast %lt3A_332 : i32 to vector<16xi32>
      %lt3A_334 = arith.cmpi slt, %sub3A_320, %lt3A_333 : vector<16xi32>
      %and3A_335 = arith.andi %select_n3A_311, %lt3A_334 : vector<16xi1>
      tpu.vector_store_idx %arg18[%add3A_331], %get3A_289 masked %and3A_335 : memref<6144xi32, #tpu.memory_space<vmem>>[vector<16xi32>], vector<16xi32>, vector<16xi1>
      %add3A_336 = arith.constant 3072 : i32
      %add3A_337 = vector.broadcast %add3A_336 : i32 to vector<16xi32>
      %add3A_338 = arith.addi %add3A_337, %sub3A_320 : vector<16xi32>
      %lt3A_339 = arith.constant 3072 : i32
      %lt3A_340 = vector.broadcast %lt3A_339 : i32 to vector<16xi32>
      %lt3A_341 = arith.cmpi slt, %sub3A_320, %lt3A_340 : vector<16xi32>
      %and3A_342 = arith.andi %select_n3A_311, %lt3A_341 : vector<16xi1>
      tpu.vector_store_idx %arg19[%add3A_338], %get3A_291 masked %and3A_342 : memref<6144xi32, #tpu.memory_space<vmem>>[vector<16xi32>], vector<16xi32>, vector<16xi1>
      %all_reduce_population_count3A = tpu.all_reduce %select_n3A_308 {dim = 0 : i64, kind = #tpu.reduction_kind<sum>} : vector<16xi1> -> vector<16xi32>
      %all_reduce_population_count3A_343 = tpu.all_reduce %select_n3A_311 {dim = 0 : i64, kind = #tpu.reduction_kind<sum>} : vector<16xi1> -> vector<16xi32>
      %add3A_344 = arith.addi %while3A_284, %all_reduce_population_count3A : vector<16xi32>
      %add3A_345 = arith.addi %while3A_285, %all_reduce_population_count3A_343 : vector<16xi32>
      scf.yield %add3A_344, %add3A_345 : vector<16xi32>, vector<16xi32>
    }
    %while3A_56 = arith.constant 1 : i32
    %while3A_57:2 = scf.for %while3A_283 = %while3A_53 to %while3A_49 step %while3A_56 iter_args(%while3A_284 = %while3A_55#0, %while3A_285 = %while3A_55#1) -> (vector<16xi32>, vector<16xi32>)  : i32 {
      %mul3A_286 = arith.constant 16 : i32
      %mul3A_287 = arith.muli %while3A_283, %mul3A_286 : i32
      %get3A_288 = arith.index_cast %mul3A_287 : i32 to index
      %get3A_289 = tpu.vector_load %arg16[%get3A_288] {strides = array<i32>} : memref<6144xi32, #tpu.memory_space<vmem>>, vector<16xi32>,
      %get3A_290 = arith.index_cast %mul3A_287 : i32 to index
      %get3A_291 = tpu.vector_load %arg17[%get3A_290] {strides = array<i32>} : memref<6144xi32, #tpu.memory_space<vmem>>, vector<16xi32>,
      %mul3A_292 = arith.constant 16 : i32
      %mul3A_293 = arith.muli %while3A_283, %mul3A_292 : i32
      %add3A_294 = vector.broadcast %mul3A_293 : i32 to vector<16xi32>
      %add3A_295 = arith.addi %add3A_294, %iota3A : vector<16xi32>
      %lt3A_296 = vector.broadcast %reduce_max3A_42 : i32 to vector<16xi32>
      %lt3A_297 = arith.cmpi slt, %add3A_295, %lt3A_296 : vector<16xi32>
      %shift_right_arithmetic3A_298 = arith.constant 18 : i32
      %shift_right_arithmetic3A_299 = vector.broadcast %shift_right_arithmetic3A_298 : i32 to vector<16xi32>
      %shift_right_arithmetic3A_300 = arith.shrsi %get3A_289, %shift_right_arithmetic3A_299 : vector<16xi32>
      %ge3A_301 = vector.broadcast %while3A_25#4 : i32 to vector<16xi32>
      %ge3A_302 = arith.cmpi sge, %shift_right_arithmetic3A_300, %ge3A_301 : vector<16xi32>
      %and3A_303 = arith.andi %ge3A_302, %lt3A_297 : vector<16xi1>
      %le3A = vector.broadcast %while3A_25#3 : i32 to vector<16xi32>
      %le3A_304 = arith.cmpi sle, %shift_right_arithmetic3A_300, %le3A : vector<16xi32>
      %and3A_305 = arith.andi %le3A_304, %lt3A_297 : vector<16xi1>
      %eq3A_306 = arith.constant 0 : i32
      %eq3A_307 = arith.cmpi eq, %and3A_2, %eq3A_306 : i32
      %select_n3A_308 = arith.select %eq3A_307, %and3A_303, %and3A_305 : vector<16xi1>
      %eq3A_309 = arith.constant 0 : i32
      %eq3A_310 = arith.cmpi eq, %and3A_2, %eq3A_309 : i32
      %select_n3A_311 = arith.select %eq3A_310, %and3A_305, %and3A_303 : vector<16xi1>
      %masked_cumsum3A = tpu.scan <sum>, %broadcast_in_dim3A_5 masked %select_n3A_308 : vector<16xi32>, vector<16xi1> -> vector<16xi32>
      %add3A_312 = arith.addi %while3A_284, %masked_cumsum3A : vector<16xi32>
      %sub3A_313 = arith.constant 1 : i32
      %sub3A_314 = vector.broadcast %sub3A_313 : i32 to vector<16xi32>
      %sub3A_315 = arith.subi %add3A_312, %sub3A_314 : vector<16xi32>
      %masked_cumsum3A_316 = tpu.scan <sum>, %broadcast_in_dim3A_5 masked %select_n3A_311 : vector<16xi32>, vector<16xi1> -> vector<16xi32>
      %add3A_317 = arith.addi %while3A_285, %masked_cumsum3A_316 : vector<16xi32>
      %sub3A_318 = arith.constant 1 : i32
      %sub3A_319 = vector.broadcast %sub3A_318 : i32 to vector<16xi32>
      %sub3A_320 = arith.subi %add3A_317, %sub3A_319 : vector<16xi32>
      %lt3A_321 = arith.constant 3072 : i32
      %lt3A_322 = vector.broadcast %lt3A_321 : i32 to vector<16xi32>
      %lt3A_323 = arith.cmpi slt, %sub3A_315, %lt3A_322 : vector<16xi32>
      %and3A_324 = arith.andi %select_n3A_308, %lt3A_323 : vector<16xi1>
      tpu.vector_store_idx %arg18[%sub3A_315], %get3A_289 masked %and3A_324 : memref<6144xi32, #tpu.memory_space<vmem>>[vector<16xi32>], vector<16xi32>, vector<16xi1>
      %lt3A_325 = arith.constant 3072 : i32
      %lt3A_326 = vector.broadcast %lt3A_325 : i32 to vector<16xi32>
      %lt3A_327 = arith.cmpi slt, %sub3A_315, %lt3A_326 : vector<16xi32>
      %and3A_328 = arith.andi %select_n3A_308, %lt3A_327 : vector<16xi1>
      tpu.vector_store_idx %arg19[%sub3A_315], %get3A_291 masked %and3A_328 : memref<6144xi32, #tpu.memory_space<vmem>>[vector<16xi32>], vector<16xi32>, vector<16xi1>
      %add3A_329 = arith.constant 3072 : i32
      %add3A_330 = vector.broadcast %add3A_329 : i32 to vector<16xi32>
      %add3A_331 = arith.addi %add3A_330, %sub3A_320 : vector<16xi32>
      %lt3A_332 = arith.constant 3072 : i32
      %lt3A_333 = vector.broadcast %lt3A_332 : i32 to vector<16xi32>
      %lt3A_334 = arith.cmpi slt, %sub3A_320, %lt3A_333 : vector<16xi32>
      %and3A_335 = arith.andi %select_n3A_311, %lt3A_334 : vector<16xi1>
      tpu.vector_store_idx %arg18[%add3A_331], %get3A_289 masked %and3A_335 : memref<6144xi32, #tpu.memory_space<vmem>>[vector<16xi32>], vector<16xi32>, vector<16xi1>
      %add3A_336 = arith.constant 3072 : i32
      %add3A_337 = vector.broadcast %add3A_336 : i32 to vector<16xi32>
      %add3A_338 = arith.addi %add3A_337, %sub3A_320 : vector<16xi32>
      %lt3A_339 = arith.constant 3072 : i32
      %lt3A_340 = vector.broadcast %lt3A_339 : i32 to vector<16xi32>
      %lt3A_341 = arith.cmpi slt, %sub3A_320, %lt3A_340 : vector<16xi32>
      %and3A_342 = arith.andi %select_n3A_311, %lt3A_341 : vector<16xi1>
      tpu.vector_store_idx %arg19[%add3A_338], %get3A_291 masked %and3A_342 : memref<6144xi32, #tpu.memory_space<vmem>>[vector<16xi32>], vector<16xi32>, vector<16xi1>
      %all_reduce_population_count3A = tpu.all_reduce %select_n3A_308 {dim = 0 : i64, kind = #tpu.reduction_kind<sum>} : vector<16xi1> -> vector<16xi32>
      %all_reduce_population_count3A_343 = tpu.all_reduce %select_n3A_311 {dim = 0 : i64, kind = #tpu.reduction_kind<sum>} : vector<16xi1> -> vector<16xi32>
      %add3A_344 = arith.addi %while3A_284, %all_reduce_population_count3A : vector<16xi32>
      %add3A_345 = arith.addi %while3A_285, %all_reduce_population_count3A_343 : vector<16xi32>
      scf.yield %add3A_344, %add3A_345 : vector<16xi32>, vector<16xi32>
    }
    %min3A_58 = arith.constant 3072 : i32
    %min3A_59 = vector.broadcast %min3A_58 : i32 to vector<16xi32>
    %min3A_60 = arith.minsi %while3A_57#0, %min3A_59 : vector<16xi32>
    %reduce_max3A_61 = arith.constant true
    %reduce_max3A_62 = vector.broadcast %reduce_max3A_61 : i1 to vector<16xi1>
    %reduce_max3A_63 = arith.constant -2147483648 : i32
    %reduce_max3A_64 = vector.broadcast %reduce_max3A_63 : i32 to vector<16xi32>
    %reduce_max3A_65 = arith.xori %min3A_60, %reduce_max3A_64 : vector<16xi32>
    %reduce_max3A_66 = tpu.scan <max>, %reduce_max3A_65 masked %reduce_max3A_62 : vector<16xi32>, vector<16xi1> -> vector<16xi32>
    %reduce_max3A_67 = arith.xori %reduce_max3A_66, %reduce_max3A_64 : vector<16xi32>
    %reduce_max3A_68 = vector.extract %reduce_max3A_67[15] : i32 from vector<16xi32>
    %min3A_69 = arith.constant 3072 : i32
    %min3A_70 = vector.broadcast %min3A_69 : i32 to vector<16xi32>
    %min3A_71 = arith.minsi %while3A_57#1, %min3A_70 : vector<16xi32>
    %swap3A = arith.constant 0 : index
    %swap3A_72 = tpu.vector_load %arg15[%swap3A] {strides = array<i32>} : memref<128xi32, #tpu.memory_space<vmem>>, vector<16xi32>,
    tpu.vector_store %arg15[%swap3A], %min3A_71 {strides = array<i32>} : memref<128xi32, #tpu.memory_space<vmem>>, vector<16xi32>,
    "tpu.region"() ({
      %run_scoped3A = tpu.sem_alloc : memref<!tpu.dma_semaphore, #tpu.memory_space<semaphore_mem>>
      %dma_start3A_283 = arith.constant 3072 : i32
      %dma_start3A_284 = tpu.memref_slice %arg18[%dma_start3A_283] : memref<6144xi32, #tpu.memory_space<vmem>> -> memref<3072xi32, #tpu.memory_space<vmem>>
      %dma_start3A_285 = arith.constant 0 : i32
      %dma_start3A_286 = tpu.memref_slice %arg28[%arg1, %dma_start3A_285] : memref<16x3072xi32, #tpu.memory_space<vmem_shared>> -> memref<1x3072xi32, #tpu.memory_space<vmem_shared>>
      %dma_start3A_287 = tpu.memref_squeeze %dma_start3A_286 : memref<1x3072xi32, #tpu.memory_space<vmem_shared>> -> memref<3072xi32, #tpu.memory_space<vmem_shared>>
      %dma_start3A_288 = arith.constant 0 : i32
      %dma_start3A_289 = tpu.memref_slice %arg28[%arg1, %dma_start3A_288] : memref<16x3072xi32, #tpu.memory_space<vmem_shared>> -> memref<1x3072xi32, #tpu.memory_space<vmem_shared>>
      %dma_start3A_290 = tpu.memref_squeeze %dma_start3A_289 : memref<1x3072xi32, #tpu.memory_space<vmem_shared>> -> memref<3072xi32, #tpu.memory_space<vmem_shared>>
      %dma_start3A_291 = arith.constant 3072 : i32
      %dma_start3A_292 = tpu.memref_slice %arg18[%dma_start3A_291] : memref<6144xi32, #tpu.memory_space<vmem>> -> memref<3072xi32, #tpu.memory_space<vmem>>
      tpu.enqueue_dma source(%dma_start3A_292 : memref<3072xi32, #tpu.memory_space<vmem>>) target(%dma_start3A_290 : memref<3072xi32, #tpu.memory_space<vmem_shared>>) target_semaphore(%run_scoped3A : memref<!tpu.dma_semaphore, #tpu.memory_space<semaphore_mem>>)
      %dma_wait3A_293 = arith.constant 3072 : i32
      %dma_wait3A_294 = tpu.memref_slice %arg18[%dma_wait3A_293] : memref<6144xi32, #tpu.memory_space<vmem>> -> memref<3072xi32, #tpu.memory_space<vmem>>
      %dma_wait3A_295 = arith.constant 0 : i32
      %dma_wait3A_296 = tpu.memref_slice %arg28[%arg1, %dma_wait3A_295] : memref<16x3072xi32, #tpu.memory_space<vmem_shared>> -> memref<1x3072xi32, #tpu.memory_space<vmem_shared>>
      %dma_wait3A_297 = tpu.memref_squeeze %dma_wait3A_296 : memref<1x3072xi32, #tpu.memory_space<vmem_shared>> -> memref<3072xi32, #tpu.memory_space<vmem_shared>>
      %dma_wait3A_298 = arith.constant 0 : i32
      %dma_wait3A_299 = tpu.memref_slice %arg28[%arg1, %dma_wait3A_298] : memref<16x3072xi32, #tpu.memory_space<vmem_shared>> -> memref<1x3072xi32, #tpu.memory_space<vmem_shared>>
      %dma_wait3A_300 = tpu.memref_squeeze %dma_wait3A_299 : memref<1x3072xi32, #tpu.memory_space<vmem_shared>> -> memref<3072xi32, #tpu.memory_space<vmem_shared>>
      %dma_wait3A_301 = arith.constant 3072 : i32
      %dma_wait3A_302 = tpu.memref_slice %arg18[%dma_wait3A_301] : memref<6144xi32, #tpu.memory_space<vmem>> -> memref<3072xi32, #tpu.memory_space<vmem>>
      tpu.wait_dma2 semaphore(%run_scoped3A : memref<!tpu.dma_semaphore, #tpu.memory_space<semaphore_mem>>) src(%dma_wait3A_302 : memref<3072xi32, #tpu.memory_space<vmem>>) dst(%dma_wait3A_300 : memref<3072xi32, #tpu.memory_space<vmem_shared>>)
      tpu.yield
    }) : () -> ()
    "tpu.region"() ({
      %run_scoped3A = tpu.sem_alloc : memref<!tpu.dma_semaphore, #tpu.memory_space<semaphore_mem>>
      %dma_start3A_283 = arith.constant 3072 : i32
      %dma_start3A_284 = tpu.memref_slice %arg19[%dma_start3A_283] : memref<6144xi32, #tpu.memory_space<vmem>> -> memref<3072xi32, #tpu.memory_space<vmem>>
      %dma_start3A_285 = arith.constant 0 : i32
      %dma_start3A_286 = tpu.memref_slice %arg29[%arg1, %dma_start3A_285] : memref<16x3072xi32, #tpu.memory_space<vmem_shared>> -> memref<1x3072xi32, #tpu.memory_space<vmem_shared>>
      %dma_start3A_287 = tpu.memref_squeeze %dma_start3A_286 : memref<1x3072xi32, #tpu.memory_space<vmem_shared>> -> memref<3072xi32, #tpu.memory_space<vmem_shared>>
      %dma_start3A_288 = arith.constant 0 : i32
      %dma_start3A_289 = tpu.memref_slice %arg29[%arg1, %dma_start3A_288] : memref<16x3072xi32, #tpu.memory_space<vmem_shared>> -> memref<1x3072xi32, #tpu.memory_space<vmem_shared>>
      %dma_start3A_290 = tpu.memref_squeeze %dma_start3A_289 : memref<1x3072xi32, #tpu.memory_space<vmem_shared>> -> memref<3072xi32, #tpu.memory_space<vmem_shared>>
      %dma_start3A_291 = arith.constant 3072 : i32
      %dma_start3A_292 = tpu.memref_slice %arg19[%dma_start3A_291] : memref<6144xi32, #tpu.memory_space<vmem>> -> memref<3072xi32, #tpu.memory_space<vmem>>
      tpu.enqueue_dma source(%dma_start3A_292 : memref<3072xi32, #tpu.memory_space<vmem>>) target(%dma_start3A_290 : memref<3072xi32, #tpu.memory_space<vmem_shared>>) target_semaphore(%run_scoped3A : memref<!tpu.dma_semaphore, #tpu.memory_space<semaphore_mem>>)
      %dma_wait3A_293 = arith.constant 3072 : i32
      %dma_wait3A_294 = tpu.memref_slice %arg19[%dma_wait3A_293] : memref<6144xi32, #tpu.memory_space<vmem>> -> memref<3072xi32, #tpu.memory_space<vmem>>
      %dma_wait3A_295 = arith.constant 0 : i32
      %dma_wait3A_296 = tpu.memref_slice %arg29[%arg1, %dma_wait3A_295] : memref<16x3072xi32, #tpu.memory_space<vmem_shared>> -> memref<1x3072xi32, #tpu.memory_space<vmem_shared>>
      %dma_wait3A_297 = tpu.memref_squeeze %dma_wait3A_296 : memref<1x3072xi32, #tpu.memory_space<vmem_shared>> -> memref<3072xi32, #tpu.memory_space<vmem_shared>>
      %dma_wait3A_298 = arith.constant 0 : i32
      %dma_wait3A_299 = tpu.memref_slice %arg29[%arg1, %dma_wait3A_298] : memref<16x3072xi32, #tpu.memory_space<vmem_shared>> -> memref<1x3072xi32, #tpu.memory_space<vmem_shared>>
      %dma_wait3A_300 = tpu.memref_squeeze %dma_wait3A_299 : memref<1x3072xi32, #tpu.memory_space<vmem_shared>> -> memref<3072xi32, #tpu.memory_space<vmem_shared>>
      %dma_wait3A_301 = arith.constant 3072 : i32
      %dma_wait3A_302 = tpu.memref_slice %arg19[%dma_wait3A_301] : memref<6144xi32, #tpu.memory_space<vmem>> -> memref<3072xi32, #tpu.memory_space<vmem>>
      tpu.wait_dma2 semaphore(%run_scoped3A : memref<!tpu.dma_semaphore, #tpu.memory_space<semaphore_mem>>) src(%dma_wait3A_302 : memref<3072xi32, #tpu.memory_space<vmem>>) dst(%dma_wait3A_300 : memref<3072xi32, #tpu.memory_space<vmem_shared>>)
      tpu.yield
    }) : () -> ()
    "tpu.region"() ({
      %run_scoped3A = tpu.sem_alloc : memref<!tpu.dma_semaphore, #tpu.memory_space<semaphore_mem>>
      %dma_start3A_283 = arith.constant 0 : i32
      %dma_start3A_284 = tpu.memref_slice %arg30[%arg1, %dma_start3A_283] : memref<16x128xi32, #tpu.memory_space<vmem_shared>> -> memref<1x128xi32, #tpu.memory_space<vmem_shared>>
      %dma_start3A_285 = tpu.memref_squeeze %dma_start3A_284 : memref<1x128xi32, #tpu.memory_space<vmem_shared>> -> memref<128xi32, #tpu.memory_space<vmem_shared>>
      %dma_start3A_286 = arith.constant 0 : i32
      %dma_start3A_287 = tpu.memref_slice %arg30[%arg1, %dma_start3A_286] : memref<16x128xi32, #tpu.memory_space<vmem_shared>> -> memref<1x128xi32, #tpu.memory_space<vmem_shared>>
      %dma_start3A_288 = tpu.memref_squeeze %dma_start3A_287 : memref<1x128xi32, #tpu.memory_space<vmem_shared>> -> memref<128xi32, #tpu.memory_space<vmem_shared>>
      tpu.enqueue_dma source(%arg15 : memref<128xi32, #tpu.memory_space<vmem>>) target(%dma_start3A_288 : memref<128xi32, #tpu.memory_space<vmem_shared>>) target_semaphore(%run_scoped3A : memref<!tpu.dma_semaphore, #tpu.memory_space<semaphore_mem>>)
      %dma_wait3A_289 = arith.constant 0 : i32
      %dma_wait3A_290 = tpu.memref_slice %arg30[%arg1, %dma_wait3A_289] : memref<16x128xi32, #tpu.memory_space<vmem_shared>> -> memref<1x128xi32, #tpu.memory_space<vmem_shared>>
      %dma_wait3A_291 = tpu.memref_squeeze %dma_wait3A_290 : memref<1x128xi32, #tpu.memory_space<vmem_shared>> -> memref<128xi32, #tpu.memory_space<vmem_shared>>
      %dma_wait3A_292 = arith.constant 0 : i32
      %dma_wait3A_293 = tpu.memref_slice %arg30[%arg1, %dma_wait3A_292] : memref<16x128xi32, #tpu.memory_space<vmem_shared>> -> memref<1x128xi32, #tpu.memory_space<vmem_shared>>
      %dma_wait3A_294 = tpu.memref_squeeze %dma_wait3A_293 : memref<1x128xi32, #tpu.memory_space<vmem_shared>> -> memref<128xi32, #tpu.memory_space<vmem_shared>>
      tpu.wait_dma2 semaphore(%run_scoped3A : memref<!tpu.dma_semaphore, #tpu.memory_space<semaphore_mem>>) src(%arg15 : memref<128xi32, #tpu.memory_space<vmem>>) dst(%dma_wait3A_294 : memref<128xi32, #tpu.memory_space<vmem_shared>>)
      tpu.yield
    }) : () -> ()
    %barrier3A_73 = arith.constant 0 : index
    tpu.barrier barrier_id(%barrier3A_73)
    %xor3A_74 = arith.constant 1 : i32
    %xor3A_75 = arith.xori %arg1, %xor3A_74 : i32
    "tpu.region"() ({
      %run_scoped3A = tpu.sem_alloc : memref<!tpu.dma_semaphore, #tpu.memory_space<semaphore_mem>>
      %dma_start3A_283 = arith.constant 3072 : i32
      %dma_start3A_284 = tpu.memref_slice %arg18[%dma_start3A_283] : memref<6144xi32, #tpu.memory_space<vmem>> -> memref<3072xi32, #tpu.memory_space<vmem>>
      %dma_start3A_285 = arith.constant 0 : i32
      %dma_start3A_286 = tpu.memref_slice %arg28[%xor3A_75, %dma_start3A_285] : memref<16x3072xi32, #tpu.memory_space<vmem_shared>> -> memref<1x3072xi32, #tpu.memory_space<vmem_shared>>
      %dma_start3A_287 = tpu.memref_squeeze %dma_start3A_286 : memref<1x3072xi32, #tpu.memory_space<vmem_shared>> -> memref<3072xi32, #tpu.memory_space<vmem_shared>>
      %dma_start3A_288 = arith.constant 3072 : i32
      %dma_start3A_289 = tpu.memref_slice %arg18[%dma_start3A_288] : memref<6144xi32, #tpu.memory_space<vmem>> -> memref<3072xi32, #tpu.memory_space<vmem>>
      %dma_start3A_290 = arith.constant 0 : i32
      %dma_start3A_291 = tpu.memref_slice %arg28[%xor3A_75, %dma_start3A_290] : memref<16x3072xi32, #tpu.memory_space<vmem_shared>> -> memref<1x3072xi32, #tpu.memory_space<vmem_shared>>
      %dma_start3A_292 = tpu.memref_squeeze %dma_start3A_291 : memref<1x3072xi32, #tpu.memory_space<vmem_shared>> -> memref<3072xi32, #tpu.memory_space<vmem_shared>>
      tpu.enqueue_dma source(%dma_start3A_292 : memref<3072xi32, #tpu.memory_space<vmem_shared>>) target(%dma_start3A_289 : memref<3072xi32, #tpu.memory_space<vmem>>) target_semaphore(%run_scoped3A : memref<!tpu.dma_semaphore, #tpu.memory_space<semaphore_mem>>)
      %dma_wait3A_293 = arith.constant 3072 : i32
      %dma_wait3A_294 = tpu.memref_slice %arg18[%dma_wait3A_293] : memref<6144xi32, #tpu.memory_space<vmem>> -> memref<3072xi32, #tpu.memory_space<vmem>>
      %dma_wait3A_295 = arith.constant 0 : i32
      %dma_wait3A_296 = tpu.memref_slice %arg28[%xor3A_75, %dma_wait3A_295] : memref<16x3072xi32, #tpu.memory_space<vmem_shared>> -> memref<1x3072xi32, #tpu.memory_space<vmem_shared>>
      %dma_wait3A_297 = tpu.memref_squeeze %dma_wait3A_296 : memref<1x3072xi32, #tpu.memory_space<vmem_shared>> -> memref<3072xi32, #tpu.memory_space<vmem_shared>>
      %dma_wait3A_298 = arith.constant 3072 : i32
      %dma_wait3A_299 = tpu.memref_slice %arg18[%dma_wait3A_298] : memref<6144xi32, #tpu.memory_space<vmem>> -> memref<3072xi32, #tpu.memory_space<vmem>>
      %dma_wait3A_300 = arith.constant 0 : i32
      %dma_wait3A_301 = tpu.memref_slice %arg28[%xor3A_75, %dma_wait3A_300] : memref<16x3072xi32, #tpu.memory_space<vmem_shared>> -> memref<1x3072xi32, #tpu.memory_space<vmem_shared>>
      %dma_wait3A_302 = tpu.memref_squeeze %dma_wait3A_301 : memref<1x3072xi32, #tpu.memory_space<vmem_shared>> -> memref<3072xi32, #tpu.memory_space<vmem_shared>>
      tpu.wait_dma2 semaphore(%run_scoped3A : memref<!tpu.dma_semaphore, #tpu.memory_space<semaphore_mem>>) src(%dma_wait3A_302 : memref<3072xi32, #tpu.memory_space<vmem_shared>>) dst(%dma_wait3A_299 : memref<3072xi32, #tpu.memory_space<vmem>>)
      tpu.yield
    }) : () -> ()
    %xor3A_76 = arith.constant 1 : i32
    %xor3A_77 = arith.xori %arg1, %xor3A_76 : i32
    "tpu.region"() ({
      %run_scoped3A = tpu.sem_alloc : memref<!tpu.dma_semaphore, #tpu.memory_space<semaphore_mem>>
      %dma_start3A_283 = arith.constant 3072 : i32
      %dma_start3A_284 = tpu.memref_slice %arg19[%dma_start3A_283] : memref<6144xi32, #tpu.memory_space<vmem>> -> memref<3072xi32, #tpu.memory_space<vmem>>
      %dma_start3A_285 = arith.constant 0 : i32
      %dma_start3A_286 = tpu.memref_slice %arg29[%xor3A_77, %dma_start3A_285] : memref<16x3072xi32, #tpu.memory_space<vmem_shared>> -> memref<1x3072xi32, #tpu.memory_space<vmem_shared>>
      %dma_start3A_287 = tpu.memref_squeeze %dma_start3A_286 : memref<1x3072xi32, #tpu.memory_space<vmem_shared>> -> memref<3072xi32, #tpu.memory_space<vmem_shared>>
      %dma_start3A_288 = arith.constant 3072 : i32
      %dma_start3A_289 = tpu.memref_slice %arg19[%dma_start3A_288] : memref<6144xi32, #tpu.memory_space<vmem>> -> memref<3072xi32, #tpu.memory_space<vmem>>
      %dma_start3A_290 = arith.constant 0 : i32
      %dma_start3A_291 = tpu.memref_slice %arg29[%xor3A_77, %dma_start3A_290] : memref<16x3072xi32, #tpu.memory_space<vmem_shared>> -> memref<1x3072xi32, #tpu.memory_space<vmem_shared>>
      %dma_start3A_292 = tpu.memref_squeeze %dma_start3A_291 : memref<1x3072xi32, #tpu.memory_space<vmem_shared>> -> memref<3072xi32, #tpu.memory_space<vmem_shared>>
      tpu.enqueue_dma source(%dma_start3A_292 : memref<3072xi32, #tpu.memory_space<vmem_shared>>) target(%dma_start3A_289 : memref<3072xi32, #tpu.memory_space<vmem>>) target_semaphore(%run_scoped3A : memref<!tpu.dma_semaphore, #tpu.memory_space<semaphore_mem>>)
      %dma_wait3A_293 = arith.constant 3072 : i32
      %dma_wait3A_294 = tpu.memref_slice %arg19[%dma_wait3A_293] : memref<6144xi32, #tpu.memory_space<vmem>> -> memref<3072xi32, #tpu.memory_space<vmem>>
      %dma_wait3A_295 = arith.constant 0 : i32
      %dma_wait3A_296 = tpu.memref_slice %arg29[%xor3A_77, %dma_wait3A_295] : memref<16x3072xi32, #tpu.memory_space<vmem_shared>> -> memref<1x3072xi32, #tpu.memory_space<vmem_shared>>
      %dma_wait3A_297 = tpu.memref_squeeze %dma_wait3A_296 : memref<1x3072xi32, #tpu.memory_space<vmem_shared>> -> memref<3072xi32, #tpu.memory_space<vmem_shared>>
      %dma_wait3A_298 = arith.constant 3072 : i32
      %dma_wait3A_299 = tpu.memref_slice %arg19[%dma_wait3A_298] : memref<6144xi32, #tpu.memory_space<vmem>> -> memref<3072xi32, #tpu.memory_space<vmem>>
      %dma_wait3A_300 = arith.constant 0 : i32
      %dma_wait3A_301 = tpu.memref_slice %arg29[%xor3A_77, %dma_wait3A_300] : memref<16x3072xi32, #tpu.memory_space<vmem_shared>> -> memref<1x3072xi32, #tpu.memory_space<vmem_shared>>
      %dma_wait3A_302 = tpu.memref_squeeze %dma_wait3A_301 : memref<1x3072xi32, #tpu.memory_space<vmem_shared>> -> memref<3072xi32, #tpu.memory_space<vmem_shared>>
      tpu.wait_dma2 semaphore(%run_scoped3A : memref<!tpu.dma_semaphore, #tpu.memory_space<semaphore_mem>>) src(%dma_wait3A_302 : memref<3072xi32, #tpu.memory_space<vmem_shared>>) dst(%dma_wait3A_299 : memref<3072xi32, #tpu.memory_space<vmem>>)
      tpu.yield
    }) : () -> ()
    %xor3A_78 = arith.constant 1 : i32
    %xor3A_79 = arith.xori %arg1, %xor3A_78 : i32
    "tpu.region"() ({
      %run_scoped3A = tpu.sem_alloc : memref<!tpu.dma_semaphore, #tpu.memory_space<semaphore_mem>>
      %dma_start3A_283 = arith.constant 0 : i32
      %dma_start3A_284 = tpu.memref_slice %arg30[%xor3A_79, %dma_start3A_283] : memref<16x128xi32, #tpu.memory_space<vmem_shared>> -> memref<1x128xi32, #tpu.memory_space<vmem_shared>>
      %dma_start3A_285 = tpu.memref_squeeze %dma_start3A_284 : memref<1x128xi32, #tpu.memory_space<vmem_shared>> -> memref<128xi32, #tpu.memory_space<vmem_shared>>
      %dma_start3A_286 = arith.constant 0 : i32
      %dma_start3A_287 = tpu.memref_slice %arg30[%xor3A_79, %dma_start3A_286] : memref<16x128xi32, #tpu.memory_space<vmem_shared>> -> memref<1x128xi32, #tpu.memory_space<vmem_shared>>
      %dma_start3A_288 = tpu.memref_squeeze %dma_start3A_287 : memref<1x128xi32, #tpu.memory_space<vmem_shared>> -> memref<128xi32, #tpu.memory_space<vmem_shared>>
      tpu.enqueue_dma source(%dma_start3A_288 : memref<128xi32, #tpu.memory_space<vmem_shared>>) target(%arg15 : memref<128xi32, #tpu.memory_space<vmem>>) target_semaphore(%run_scoped3A : memref<!tpu.dma_semaphore, #tpu.memory_space<semaphore_mem>>)
      %dma_wait3A_289 = arith.constant 0 : i32
      %dma_wait3A_290 = tpu.memref_slice %arg30[%xor3A_79, %dma_wait3A_289] : memref<16x128xi32, #tpu.memory_space<vmem_shared>> -> memref<1x128xi32, #tpu.memory_space<vmem_shared>>
      %dma_wait3A_291 = tpu.memref_squeeze %dma_wait3A_290 : memref<1x128xi32, #tpu.memory_space<vmem_shared>> -> memref<128xi32, #tpu.memory_space<vmem_shared>>
      %dma_wait3A_292 = arith.constant 0 : i32
      %dma_wait3A_293 = tpu.memref_slice %arg30[%xor3A_79, %dma_wait3A_292] : memref<16x128xi32, #tpu.memory_space<vmem_shared>> -> memref<1x128xi32, #tpu.memory_space<vmem_shared>>
      %dma_wait3A_294 = tpu.memref_squeeze %dma_wait3A_293 : memref<1x128xi32, #tpu.memory_space<vmem_shared>> -> memref<128xi32, #tpu.memory_space<vmem_shared>>
      tpu.wait_dma2 semaphore(%run_scoped3A : memref<!tpu.dma_semaphore, #tpu.memory_space<semaphore_mem>>) src(%dma_wait3A_294 : memref<128xi32, #tpu.memory_space<vmem_shared>>) dst(%arg15 : memref<128xi32, #tpu.memory_space<vmem>>)
      tpu.yield
    }) : () -> ()
    %get3A = arith.constant 0 : index
    %get3A_80 = tpu.vector_load %arg15[%get3A] {strides = array<i32>} : memref<128xi32, #tpu.memory_space<vmem>>, vector<16xi32>,
    %reduce_max3A_81 = arith.constant true
    %reduce_max3A_82 = vector.broadcast %reduce_max3A_81 : i1 to vector<16xi1>
    %reduce_max3A_83 = arith.constant -2147483648 : i32
    %reduce_max3A_84 = vector.broadcast %reduce_max3A_83 : i32 to vector<16xi32>
    %reduce_max3A_85 = arith.xori %get3A_80, %reduce_max3A_84 : vector<16xi32>
    %reduce_max3A_86 = tpu.scan <max>, %reduce_max3A_85 masked %reduce_max3A_82 : vector<16xi32>, vector<16xi1> -> vector<16xi32>
    %reduce_max3A_87 = arith.xori %reduce_max3A_86, %reduce_max3A_84 : vector<16xi32>
    %reduce_max3A_88 = vector.extract %reduce_max3A_87[15] : i32 from vector<16xi32>
    %mul3A_89 = arith.constant 3072 : i32
    %mul3A_90 = arith.muli %and3A_2, %mul3A_89 : i32
    %sub3A = arith.constant 3072 : i32
    %sub3A_91 = arith.subi %sub3A, %mul3A_90 : i32
    %eq3A = arith.constant 0 : i32
    %eq3A_92 = arith.cmpi eq, %and3A_2, %eq3A : i32
    %select_n3A = arith.select %eq3A_92, %reduce_max3A_68, %reduce_max3A_88 : i32
    %eq3A_93 = arith.constant 0 : i32
    %eq3A_94 = arith.cmpi eq, %and3A_2, %eq3A_93 : i32
    %select_n3A_95 = arith.select %eq3A_94, %reduce_max3A_88, %reduce_max3A_68 : i32
    %add3A_96 = arith.addi %select_n3A, %select_n3A_95 : i32
    %add3A_97 = arith.constant 15 : i32
    %add3A_98 = arith.addi %add3A_96, %add3A_97 : i32
    %shift_right_arithmetic3A_99 = arith.constant 4 : i32
    %shift_right_arithmetic3A_100 = arith.shrsi %add3A_98, %shift_right_arithmetic3A_99 : i32
    %scan3A_101 = arith.constant 0 : i32
    %scan3A_102 = arith.constant 0 : i32
    %scan3A_103 = arith.constant 32 : i32
    %scan3A_104 = arith.addi %scan3A_102, %scan3A_103 : i32
    %scan3A_105 = arith.constant 1 : i32
    scf.for %scan3A_283 = %scan3A_102 to %scan3A_104 step %scan3A_105  : i32 {
      %mul3A_284 = arith.constant 16 : i32
      %mul3A_285 = arith.muli %scan3A_283, %mul3A_284 : i32
      %swap3A_286 = arith.index_cast %mul3A_285 : i32 to index
      %swap3A_287 = tpu.vector_load %arg20[%swap3A_286] {strides = array<i32>} : memref<512xi32, #tpu.memory_space<vmem>>, vector<16xi32>,
      tpu.vector_store %arg20[%swap3A_286], %broadcast_in_dim3A_3 {strides = array<i32>} : memref<512xi32, #tpu.memory_space<vmem>>, vector<16xi32>,
    }
    %scan3A_106 = arith.constant 32 : i32
    %add3A_107 = arith.constant 15 : i32
    %add3A_108 = arith.addi %select_n3A, %add3A_107 : i32
    %shift_right_arithmetic3A_109 = arith.constant 4 : i32
    %shift_right_arithmetic3A_110 = arith.shrsi %add3A_108, %shift_right_arithmetic3A_109 : i32
    %while3A_111 = arith.constant 0 : i32
    %while3A_112 = arith.constant 0 : i32
    %while3A_113 = arith.subi %shift_right_arithmetic3A_110, %while3A_112 : i32
    %while3A_114 = arith.addi %while3A_112, %while3A_113 : i32
    %while3A_115 = arith.constant 1 : i32
    %while3A_116 = arith.divsi %while3A_113, %while3A_115 : i32
    %while3A_117 = arith.muli %while3A_116, %while3A_115 : i32
    %while3A_118 = arith.addi %while3A_112, %while3A_117 : i32
    %while3A_119 = arith.constant 1 : i32
    scf.for %while3A_283 = %while3A_112 to %while3A_118 step %while3A_119  : i32 {
      %mul3A_284 = arith.constant 16 : i32
      %mul3A_285 = arith.muli %while3A_283, %mul3A_284 : i32
      %add3A_286 = vector.broadcast %mul3A_285 : i32 to vector<16xi32>
      %add3A_287 = arith.addi %add3A_286, %iota3A : vector<16xi32>
      %lt3A_288 = vector.broadcast %select_n3A : i32 to vector<16xi32>
      %lt3A_289 = arith.cmpi slt, %add3A_287, %lt3A_288 : vector<16xi32>
      %mul3A_290 = arith.constant 16 : i32
      %mul3A_291 = arith.muli %while3A_283, %mul3A_290 : i32
      %add3A_292 = arith.addi %mul3A_90, %mul3A_291 : i32
      %get3A_293 = arith.index_cast %add3A_292 : i32 to index
      %get3A_294 = tpu.vector_load %arg18[%get3A_293] {strides = array<i32>} : memref<6144xi32, #tpu.memory_space<vmem>>, vector<16xi32>,
      %not3A = arith.constant dense<-1> : vector<16xi32>
      %not3A_295 = arith.xori %get3A_294, %not3A : vector<16xi32>
      %and3A_296 = arith.constant 511 : i32
      %and3A_297 = vector.broadcast %and3A_296 : i32 to vector<16xi32>
      %and3A_298 = arith.andi %not3A_295, %and3A_297 : vector<16xi32>
      %unique3A, %unique3A_299 = tpu.scan_count mask(%lt3A_289 : vector<16xi1>) value(%and3A_298 : vector<16xi32>) : vector<16xi1>, vector<16xi32>
      tpu.vector_store_idx %arg20[%and3A_298], %unique3A_299 masked %unique3A {add = true} : memref<512xi32, #tpu.memory_space<vmem>>[vector<16xi32>], vector<16xi32>, vector<16xi1>
    }
    %while3A_120 = arith.constant 1 : i32
    scf.for %while3A_283 = %while3A_118 to %while3A_114 step %while3A_120  : i32 {
      %mul3A_284 = arith.constant 16 : i32
      %mul3A_285 = arith.muli %while3A_283, %mul3A_284 : i32
      %add3A_286 = vector.broadcast %mul3A_285 : i32 to vector<16xi32>
      %add3A_287 = arith.addi %add3A_286, %iota3A : vector<16xi32>
      %lt3A_288 = vector.broadcast %select_n3A : i32 to vector<16xi32>
      %lt3A_289 = arith.cmpi slt, %add3A_287, %lt3A_288 : vector<16xi32>
      %mul3A_290 = arith.constant 16 : i32
      %mul3A_291 = arith.muli %while3A_283, %mul3A_290 : i32
      %add3A_292 = arith.addi %mul3A_90, %mul3A_291 : i32
      %get3A_293 = arith.index_cast %add3A_292 : i32 to index
      %get3A_294 = tpu.vector_load %arg18[%get3A_293] {strides = array<i32>} : memref<6144xi32, #tpu.memory_space<vmem>>, vector<16xi32>,
      %not3A = arith.constant dense<-1> : vector<16xi32>
      %not3A_295 = arith.xori %get3A_294, %not3A : vector<16xi32>
      %and3A_296 = arith.constant 511 : i32
      %and3A_297 = vector.broadcast %and3A_296 : i32 to vector<16xi32>
      %and3A_298 = arith.andi %not3A_295, %and3A_297 : vector<16xi32>
      %unique3A, %unique3A_299 = tpu.scan_count mask(%lt3A_289 : vector<16xi1>) value(%and3A_298 : vector<16xi32>) : vector<16xi1>, vector<16xi32>
      tpu.vector_store_idx %arg20[%and3A_298], %unique3A_299 masked %unique3A {add = true} : memref<512xi32, #tpu.memory_space<vmem>>[vector<16xi32>], vector<16xi32>, vector<16xi1>
    }
    %add3A_121 = arith.constant 15 : i32
    %add3A_122 = arith.addi %select_n3A_95, %add3A_121 : i32
    %shift_right_arithmetic3A_123 = arith.constant 4 : i32
    %shift_right_arithmetic3A_124 = arith.shrsi %add3A_122, %shift_right_arithmetic3A_123 : i32
    %while3A_125 = arith.constant 0 : i32
    %while3A_126 = arith.constant 0 : i32
    %while3A_127 = arith.subi %shift_right_arithmetic3A_124, %while3A_126 : i32
    %while3A_128 = arith.addi %while3A_126, %while3A_127 : i32
    %while3A_129 = arith.constant 1 : i32
    %while3A_130 = arith.divsi %while3A_127, %while3A_129 : i32
    %while3A_131 = arith.muli %while3A_130, %while3A_129 : i32
    %while3A_132 = arith.addi %while3A_126, %while3A_131 : i32
    %while3A_133 = arith.constant 1 : i32
    scf.for %while3A_283 = %while3A_126 to %while3A_132 step %while3A_133  : i32 {
      %mul3A_284 = arith.constant 16 : i32
      %mul3A_285 = arith.muli %while3A_283, %mul3A_284 : i32
      %add3A_286 = vector.broadcast %mul3A_285 : i32 to vector<16xi32>
      %add3A_287 = arith.addi %add3A_286, %iota3A : vector<16xi32>
      %lt3A_288 = vector.broadcast %select_n3A_95 : i32 to vector<16xi32>
      %lt3A_289 = arith.cmpi slt, %add3A_287, %lt3A_288 : vector<16xi32>
      %mul3A_290 = arith.constant 16 : i32
      %mul3A_291 = arith.muli %while3A_283, %mul3A_290 : i32
      %add3A_292 = arith.addi %sub3A_91, %mul3A_291 : i32
      %get3A_293 = arith.index_cast %add3A_292 : i32 to index
      %get3A_294 = tpu.vector_load %arg18[%get3A_293] {strides = array<i32>} : memref<6144xi32, #tpu.memory_space<vmem>>, vector<16xi32>,
      %not3A = arith.constant dense<-1> : vector<16xi32>
      %not3A_295 = arith.xori %get3A_294, %not3A : vector<16xi32>
      %and3A_296 = arith.constant 511 : i32
      %and3A_297 = vector.broadcast %and3A_296 : i32 to vector<16xi32>
      %and3A_298 = arith.andi %not3A_295, %and3A_297 : vector<16xi32>
      %unique3A, %unique3A_299 = tpu.scan_count mask(%lt3A_289 : vector<16xi1>) value(%and3A_298 : vector<16xi32>) : vector<16xi1>, vector<16xi32>
      tpu.vector_store_idx %arg20[%and3A_298], %unique3A_299 masked %unique3A {add = true} : memref<512xi32, #tpu.memory_space<vmem>>[vector<16xi32>], vector<16xi32>, vector<16xi1>
    }
    %while3A_134 = arith.constant 1 : i32
    scf.for %while3A_283 = %while3A_132 to %while3A_128 step %while3A_134  : i32 {
      %mul3A_284 = arith.constant 16 : i32
      %mul3A_285 = arith.muli %while3A_283, %mul3A_284 : i32
      %add3A_286 = vector.broadcast %mul3A_285 : i32 to vector<16xi32>
      %add3A_287 = arith.addi %add3A_286, %iota3A : vector<16xi32>
      %lt3A_288 = vector.broadcast %select_n3A_95 : i32 to vector<16xi32>
      %lt3A_289 = arith.cmpi slt, %add3A_287, %lt3A_288 : vector<16xi32>
      %mul3A_290 = arith.constant 16 : i32
      %mul3A_291 = arith.muli %while3A_283, %mul3A_290 : i32
      %add3A_292 = arith.addi %sub3A_91, %mul3A_291 : i32
      %get3A_293 = arith.index_cast %add3A_292 : i32 to index
      %get3A_294 = tpu.vector_load %arg18[%get3A_293] {strides = array<i32>} : memref<6144xi32, #tpu.memory_space<vmem>>, vector<16xi32>,
      %not3A = arith.constant dense<-1> : vector<16xi32>
      %not3A_295 = arith.xori %get3A_294, %not3A : vector<16xi32>
      %and3A_296 = arith.constant 511 : i32
      %and3A_297 = vector.broadcast %and3A_296 : i32 to vector<16xi32>
      %and3A_298 = arith.andi %not3A_295, %and3A_297 : vector<16xi32>
      %unique3A, %unique3A_299 = tpu.scan_count mask(%lt3A_289 : vector<16xi1>) value(%and3A_298 : vector<16xi32>) : vector<16xi1>, vector<16xi32>
      tpu.vector_store_idx %arg20[%and3A_298], %unique3A_299 masked %unique3A {add = true} : memref<512xi32, #tpu.memory_space<vmem>>[vector<16xi32>], vector<16xi32>, vector<16xi1>
    }
    %scan3A_135 = arith.constant 0 : i32
    %scan3A_136 = arith.constant 32 : i32
    %scan3A_137 = arith.addi %scan3A_135, %scan3A_136 : i32
    %scan3A_138 = arith.constant 1 : i32
    %scan3A_139 = scf.for %scan3A_283 = %scan3A_135 to %scan3A_137 step %scan3A_138 iter_args(%scan3A_284 = %broadcast_in_dim3A_3) -> (vector<16xi32>)  : i32 {
      %mul3A_285 = arith.constant 16 : i32
      %mul3A_286 = arith.muli %scan3A_283, %mul3A_285 : i32
      %get3A_287 = arith.index_cast %mul3A_286 : i32 to index
      %get3A_288 = tpu.vector_load %arg20[%get3A_287] {strides = array<i32>} : memref<512xi32, #tpu.memory_space<vmem>>, vector<16xi32>,
      %broadcast_in_dim3A_289 = arith.constant true
      %broadcast_in_dim3A_290 = vector.broadcast %broadcast_in_dim3A_289 : i1 to vector<16xi1>
      %masked_cumsum3A = tpu.scan <sum>, %get3A_288 masked %broadcast_in_dim3A_290 : vector<16xi32>, vector<16xi1> -> vector<16xi32>
      %sub3A_291 = arith.subi %masked_cumsum3A, %get3A_288 : vector<16xi32>
      %add3A_292 = arith.addi %sub3A_291, %scan3A_284 : vector<16xi32>
      %mul3A_293 = arith.constant 16 : i32
      %mul3A_294 = arith.muli %scan3A_283, %mul3A_293 : i32
      %swap3A_295 = arith.index_cast %mul3A_294 : i32 to index
      %swap3A_296 = tpu.vector_load %arg20[%swap3A_295] {strides = array<i32>} : memref<512xi32, #tpu.memory_space<vmem>>, vector<16xi32>,
      tpu.vector_store %arg20[%swap3A_295], %add3A_292 {strides = array<i32>} : memref<512xi32, #tpu.memory_space<vmem>>, vector<16xi32>,
      %reduce_max3A_297 = arith.constant true
      %reduce_max3A_298 = vector.broadcast %reduce_max3A_297 : i1 to vector<16xi1>
      %reduce_max3A_299 = arith.constant -2147483648 : i32
      %reduce_max3A_300 = vector.broadcast %reduce_max3A_299 : i32 to vector<16xi32>
      %reduce_max3A_301 = arith.xori %masked_cumsum3A, %reduce_max3A_300 : vector<16xi32>
      %reduce_max3A_302 = tpu.scan <max>, %reduce_max3A_301 masked %reduce_max3A_298 : vector<16xi32>, vector<16xi1> -> vector<16xi32>
      %reduce_max3A_303 = arith.xori %reduce_max3A_302, %reduce_max3A_300 : vector<16xi32>
      %reduce_max3A_304 = vector.extract %reduce_max3A_303[15] : i32 from vector<16xi32>
      %broadcast_in_dim3A_305 = vector.broadcast %reduce_max3A_304 : i32 to vector<16xi32>
      %add3A_306 = arith.addi %scan3A_284, %broadcast_in_dim3A_305 : vector<16xi32>
      scf.yield %add3A_306 : vector<16xi32>
    }
    %scan3A_140 = arith.constant 32 : i32
    %add3A_141 = arith.constant 15 : i32
    %add3A_142 = arith.addi %select_n3A, %add3A_141 : i32
    %shift_right_arithmetic3A_143 = arith.constant 4 : i32
    %shift_right_arithmetic3A_144 = arith.shrsi %add3A_142, %shift_right_arithmetic3A_143 : i32
    %while3A_145 = arith.constant 0 : i32
    %while3A_146 = arith.constant 0 : i32
    %while3A_147 = arith.subi %shift_right_arithmetic3A_144, %while3A_146 : i32
    %while3A_148 = arith.addi %while3A_146, %while3A_147 : i32
    %while3A_149 = arith.constant 1 : i32
    %while3A_150 = arith.divsi %while3A_147, %while3A_149 : i32
    %while3A_151 = arith.muli %while3A_150, %while3A_149 : i32
    %while3A_152 = arith.addi %while3A_146, %while3A_151 : i32
    %while3A_153 = arith.constant 1 : i32
    scf.for %while3A_283 = %while3A_146 to %while3A_152 step %while3A_153  : i32 {
      %mul3A_284 = arith.constant 16 : i32
      %mul3A_285 = arith.muli %while3A_283, %mul3A_284 : i32
      %add3A_286 = vector.broadcast %mul3A_285 : i32 to vector<16xi32>
      %add3A_287 = arith.addi %add3A_286, %iota3A : vector<16xi32>
      %lt3A_288 = vector.broadcast %select_n3A : i32 to vector<16xi32>
      %lt3A_289 = arith.cmpi slt, %add3A_287, %lt3A_288 : vector<16xi32>
      %mul3A_290 = arith.constant 16 : i32
      %mul3A_291 = arith.muli %while3A_283, %mul3A_290 : i32
      %add3A_292 = arith.addi %mul3A_90, %mul3A_291 : i32
      %get3A_293 = arith.index_cast %add3A_292 : i32 to index
      %get3A_294 = tpu.vector_load %arg18[%get3A_293] {strides = array<i32>} : memref<6144xi32, #tpu.memory_space<vmem>>, vector<16xi32>,
      %mul3A_295 = arith.constant 16 : i32
      %mul3A_296 = arith.muli %while3A_283, %mul3A_295 : i32
      %add3A_297 = arith.addi %mul3A_90, %mul3A_296 : i32
      %get3A_298 = arith.index_cast %add3A_297 : i32 to index
      %get3A_299 = tpu.vector_load %arg19[%get3A_298] {strides = array<i32>} : memref<6144xi32, #tpu.memory_space<vmem>>, vector<16xi32>,
      %not3A = arith.constant dense<-1> : vector<16xi32>
      %not3A_300 = arith.xori %get3A_294, %not3A : vector<16xi32>
      %and3A_301 = arith.constant 511 : i32
      %and3A_302 = vector.broadcast %and3A_301 : i32 to vector<16xi32>
      %and3A_303 = arith.andi %not3A_300, %and3A_302 : vector<16xi32>
      %unique3A, %unique3A_304 = tpu.scan_count mask(%lt3A_289 : vector<16xi1>) value(%and3A_303 : vector<16xi32>) : vector<16xi1>, vector<16xi32>
      %gather3A_305 = tpu.vector_load_idx %arg20[%and3A_303] : memref<512xi32, #tpu.memory_space<vmem>>[vector<16xi32>], vector<16xi32>,
      %add3A_306 = arith.addi %gather3A_305, %unique3A_304 : vector<16xi32>
      %sub3A_307 = arith.constant 1 : i32
      %sub3A_308 = vector.broadcast %sub3A_307 : i32 to vector<16xi32>
      %sub3A_309 = arith.subi %add3A_306, %sub3A_308 : vector<16xi32>
      tpu.vector_store_idx %arg16[%sub3A_309], %get3A_294 masked %lt3A_289 : memref<6144xi32, #tpu.memory_space<vmem>>[vector<16xi32>], vector<16xi32>, vector<16xi1>
      tpu.vector_store_idx %arg17[%sub3A_309], %get3A_299 masked %lt3A_289 : memref<6144xi32, #tpu.memory_space<vmem>>[vector<16xi32>], vector<16xi32>, vector<16xi1>
      tpu.vector_store_idx %arg20[%and3A_303], %unique3A_304 masked %unique3A {add = true} : memref<512xi32, #tpu.memory_space<vmem>>[vector<16xi32>], vector<16xi32>, vector<16xi1>
    }
    %while3A_154 = arith.constant 1 : i32
    scf.for %while3A_283 = %while3A_152 to %while3A_148 step %while3A_154  : i32 {
      %mul3A_284 = arith.constant 16 : i32
      %mul3A_285 = arith.muli %while3A_283, %mul3A_284 : i32
      %add3A_286 = vector.broadcast %mul3A_285 : i32 to vector<16xi32>
      %add3A_287 = arith.addi %add3A_286, %iota3A : vector<16xi32>
      %lt3A_288 = vector.broadcast %select_n3A : i32 to vector<16xi32>
      %lt3A_289 = arith.cmpi slt, %add3A_287, %lt3A_288 : vector<16xi32>
      %mul3A_290 = arith.constant 16 : i32
      %mul3A_291 = arith.muli %while3A_283, %mul3A_290 : i32
      %add3A_292 = arith.addi %mul3A_90, %mul3A_291 : i32
      %get3A_293 = arith.index_cast %add3A_292 : i32 to index
      %get3A_294 = tpu.vector_load %arg18[%get3A_293] {strides = array<i32>} : memref<6144xi32, #tpu.memory_space<vmem>>, vector<16xi32>,
      %mul3A_295 = arith.constant 16 : i32
      %mul3A_296 = arith.muli %while3A_283, %mul3A_295 : i32
      %add3A_297 = arith.addi %mul3A_90, %mul3A_296 : i32
      %get3A_298 = arith.index_cast %add3A_297 : i32 to index
      %get3A_299 = tpu.vector_load %arg19[%get3A_298] {strides = array<i32>} : memref<6144xi32, #tpu.memory_space<vmem>>, vector<16xi32>,
      %not3A = arith.constant dense<-1> : vector<16xi32>
      %not3A_300 = arith.xori %get3A_294, %not3A : vector<16xi32>
      %and3A_301 = arith.constant 511 : i32
      %and3A_302 = vector.broadcast %and3A_301 : i32 to vector<16xi32>
      %and3A_303 = arith.andi %not3A_300, %and3A_302 : vector<16xi32>
      %unique3A, %unique3A_304 = tpu.scan_count mask(%lt3A_289 : vector<16xi1>) value(%and3A_303 : vector<16xi32>) : vector<16xi1>, vector<16xi32>
      %gather3A_305 = tpu.vector_load_idx %arg20[%and3A_303] : memref<512xi32, #tpu.memory_space<vmem>>[vector<16xi32>], vector<16xi32>,
      %add3A_306 = arith.addi %gather3A_305, %unique3A_304 : vector<16xi32>
      %sub3A_307 = arith.constant 1 : i32
      %sub3A_308 = vector.broadcast %sub3A_307 : i32 to vector<16xi32>
      %sub3A_309 = arith.subi %add3A_306, %sub3A_308 : vector<16xi32>
      tpu.vector_store_idx %arg16[%sub3A_309], %get3A_294 masked %lt3A_289 : memref<6144xi32, #tpu.memory_space<vmem>>[vector<16xi32>], vector<16xi32>, vector<16xi1>
      tpu.vector_store_idx %arg17[%sub3A_309], %get3A_299 masked %lt3A_289 : memref<6144xi32, #tpu.memory_space<vmem>>[vector<16xi32>], vector<16xi32>, vector<16xi1>
      tpu.vector_store_idx %arg20[%and3A_303], %unique3A_304 masked %unique3A {add = true} : memref<512xi32, #tpu.memory_space<vmem>>[vector<16xi32>], vector<16xi32>, vector<16xi1>
    }
    %add3A_155 = arith.constant 15 : i32
    %add3A_156 = arith.addi %select_n3A_95, %add3A_155 : i32
    %shift_right_arithmetic3A_157 = arith.constant 4 : i32
    %shift_right_arithmetic3A_158 = arith.shrsi %add3A_156, %shift_right_arithmetic3A_157 : i32
    %while3A_159 = arith.constant 0 : i32
    %while3A_160 = arith.constant 0 : i32
    %while3A_161 = arith.subi %shift_right_arithmetic3A_158, %while3A_160 : i32
    %while3A_162 = arith.addi %while3A_160, %while3A_161 : i32
    %while3A_163 = arith.constant 1 : i32
    %while3A_164 = arith.divsi %while3A_161, %while3A_163 : i32
    %while3A_165 = arith.muli %while3A_164, %while3A_163 : i32
    %while3A_166 = arith.addi %while3A_160, %while3A_165 : i32
    %while3A_167 = arith.constant 1 : i32
    scf.for %while3A_283 = %while3A_160 to %while3A_166 step %while3A_167  : i32 {
      %mul3A_284 = arith.constant 16 : i32
      %mul3A_285 = arith.muli %while3A_283, %mul3A_284 : i32
      %add3A_286 = vector.broadcast %mul3A_285 : i32 to vector<16xi32>
      %add3A_287 = arith.addi %add3A_286, %iota3A : vector<16xi32>
      %lt3A_288 = vector.broadcast %select_n3A_95 : i32 to vector<16xi32>
      %lt3A_289 = arith.cmpi slt, %add3A_287, %lt3A_288 : vector<16xi32>
      %mul3A_290 = arith.constant 16 : i32
      %mul3A_291 = arith.muli %while3A_283, %mul3A_290 : i32
      %add3A_292 = arith.addi %sub3A_91, %mul3A_291 : i32
      %get3A_293 = arith.index_cast %add3A_292 : i32 to index
      %get3A_294 = tpu.vector_load %arg18[%get3A_293] {strides = array<i32>} : memref<6144xi32, #tpu.memory_space<vmem>>, vector<16xi32>,
      %mul3A_295 = arith.constant 16 : i32
      %mul3A_296 = arith.muli %while3A_283, %mul3A_295 : i32
      %add3A_297 = arith.addi %sub3A_91, %mul3A_296 : i32
      %get3A_298 = arith.index_cast %add3A_297 : i32 to index
      %get3A_299 = tpu.vector_load %arg19[%get3A_298] {strides = array<i32>} : memref<6144xi32, #tpu.memory_space<vmem>>, vector<16xi32>,
      %not3A = arith.constant dense<-1> : vector<16xi32>
      %not3A_300 = arith.xori %get3A_294, %not3A : vector<16xi32>
      %and3A_301 = arith.constant 511 : i32
      %and3A_302 = vector.broadcast %and3A_301 : i32 to vector<16xi32>
      %and3A_303 = arith.andi %not3A_300, %and3A_302 : vector<16xi32>
      %unique3A, %unique3A_304 = tpu.scan_count mask(%lt3A_289 : vector<16xi1>) value(%and3A_303 : vector<16xi32>) : vector<16xi1>, vector<16xi32>
      %gather3A_305 = tpu.vector_load_idx %arg20[%and3A_303] : memref<512xi32, #tpu.memory_space<vmem>>[vector<16xi32>], vector<16xi32>,
      %add3A_306 = arith.addi %gather3A_305, %unique3A_304 : vector<16xi32>
      %sub3A_307 = arith.constant 1 : i32
      %sub3A_308 = vector.broadcast %sub3A_307 : i32 to vector<16xi32>
      %sub3A_309 = arith.subi %add3A_306, %sub3A_308 : vector<16xi32>
      tpu.vector_store_idx %arg16[%sub3A_309], %get3A_294 masked %lt3A_289 : memref<6144xi32, #tpu.memory_space<vmem>>[vector<16xi32>], vector<16xi32>, vector<16xi1>
      tpu.vector_store_idx %arg17[%sub3A_309], %get3A_299 masked %lt3A_289 : memref<6144xi32, #tpu.memory_space<vmem>>[vector<16xi32>], vector<16xi32>, vector<16xi1>
      tpu.vector_store_idx %arg20[%and3A_303], %unique3A_304 masked %unique3A {add = true} : memref<512xi32, #tpu.memory_space<vmem>>[vector<16xi32>], vector<16xi32>, vector<16xi1>
    }
    %while3A_168 = arith.constant 1 : i32
    scf.for %while3A_283 = %while3A_166 to %while3A_162 step %while3A_168  : i32 {
      %mul3A_284 = arith.constant 16 : i32
      %mul3A_285 = arith.muli %while3A_283, %mul3A_284 : i32
      %add3A_286 = vector.broadcast %mul3A_285 : i32 to vector<16xi32>
      %add3A_287 = arith.addi %add3A_286, %iota3A : vector<16xi32>
      %lt3A_288 = vector.broadcast %select_n3A_95 : i32 to vector<16xi32>
      %lt3A_289 = arith.cmpi slt, %add3A_287, %lt3A_288 : vector<16xi32>
      %mul3A_290 = arith.constant 16 : i32
      %mul3A_291 = arith.muli %while3A_283, %mul3A_290 : i32
      %add3A_292 = arith.addi %sub3A_91, %mul3A_291 : i32
      %get3A_293 = arith.index_cast %add3A_292 : i32 to index
      %get3A_294 = tpu.vector_load %arg18[%get3A_293] {strides = array<i32>} : memref<6144xi32, #tpu.memory_space<vmem>>, vector<16xi32>,
      %mul3A_295 = arith.constant 16 : i32
      %mul3A_296 = arith.muli %while3A_283, %mul3A_295 : i32
      %add3A_297 = arith.addi %sub3A_91, %mul3A_296 : i32
      %get3A_298 = arith.index_cast %add3A_297 : i32 to index
      %get3A_299 = tpu.vector_load %arg19[%get3A_298] {strides = array<i32>} : memref<6144xi32, #tpu.memory_space<vmem>>, vector<16xi32>,
      %not3A = arith.constant dense<-1> : vector<16xi32>
      %not3A_300 = arith.xori %get3A_294, %not3A : vector<16xi32>
      %and3A_301 = arith.constant 511 : i32
      %and3A_302 = vector.broadcast %and3A_301 : i32 to vector<16xi32>
      %and3A_303 = arith.andi %not3A_300, %and3A_302 : vector<16xi32>
      %unique3A, %unique3A_304 = tpu.scan_count mask(%lt3A_289 : vector<16xi1>) value(%and3A_303 : vector<16xi32>) : vector<16xi1>, vector<16xi32>
      %gather3A_305 = tpu.vector_load_idx %arg20[%and3A_303] : memref<512xi32, #tpu.memory_space<vmem>>[vector<16xi32>], vector<16xi32>,
      %add3A_306 = arith.addi %gather3A_305, %unique3A_304 : vector<16xi32>
      %sub3A_307 = arith.constant 1 : i32
      %sub3A_308 = vector.broadcast %sub3A_307 : i32 to vector<16xi32>
      %sub3A_309 = arith.subi %add3A_306, %sub3A_308 : vector<16xi32>
      tpu.vector_store_idx %arg16[%sub3A_309], %get3A_294 masked %lt3A_289 : memref<6144xi32, #tpu.memory_space<vmem>>[vector<16xi32>], vector<16xi32>, vector<16xi1>
      tpu.vector_store_idx %arg17[%sub3A_309], %get3A_299 masked %lt3A_289 : memref<6144xi32, #tpu.memory_space<vmem>>[vector<16xi32>], vector<16xi32>, vector<16xi1>
      tpu.vector_store_idx %arg20[%and3A_303], %unique3A_304 masked %unique3A {add = true} : memref<512xi32, #tpu.memory_space<vmem>>[vector<16xi32>], vector<16xi32>, vector<16xi1>
    }
    %and3A_169 = arith.constant -16 : i32
    %and3A_170 = arith.andi %add3A_96, %and3A_169 : i32
    %add3A_171 = vector.broadcast %and3A_170 : i32 to vector<16xi32>
    %add3A_172 = arith.addi %add3A_171, %iota3A : vector<16xi32>
    %ge3A = vector.broadcast %add3A_96 : i32 to vector<16xi32>
    %ge3A_173 = arith.cmpi sge, %add3A_172, %ge3A : vector<16xi32>
    %add3A_174 = vector.broadcast %and3A_170 : i32 to vector<16xi32>
    %add3A_175 = arith.addi %add3A_174, %iota3A : vector<16xi32>
    %lt3A = arith.constant 6144 : i32
    %lt3A_176 = vector.broadcast %lt3A : i32 to vector<16xi32>
    %lt3A_177 = arith.cmpi slt, %add3A_175, %lt3A_176 : vector<16xi32>
    %and3A_178 = arith.andi %ge3A_173, %lt3A_177 : vector<16xi1>
    %add3A_179 = vector.broadcast %and3A_170 : i32 to vector<16xi32>
    %add3A_180 = arith.addi %add3A_179, %iota3A : vector<16xi32>
    tpu.vector_store_idx %arg16[%add3A_180], %broadcast_in_dim3A_3 masked %and3A_178 : memref<6144xi32, #tpu.memory_space<vmem>>[vector<16xi32>], vector<16xi32>, vector<16xi1>
    %add3A_181 = vector.broadcast %and3A_170 : i32 to vector<16xi32>
    %add3A_182 = arith.addi %add3A_181, %iota3A : vector<16xi32>
    %broadcast_in_dim3A_183 = arith.constant 21760 : i32
    %broadcast_in_dim3A_184 = vector.broadcast %broadcast_in_dim3A_183 : i32 to vector<16xi32>
    tpu.vector_store_idx %arg17[%add3A_182], %broadcast_in_dim3A_184 masked %and3A_178 : memref<6144xi32, #tpu.memory_space<vmem>>[vector<16xi32>], vector<16xi32>, vector<16xi1>
    %scan3A_185 = arith.constant 0 : i32
    %scan3A_186 = arith.constant 0 : i32
    %scan3A_187 = arith.constant 32 : i32
    %scan3A_188 = arith.addi %scan3A_186, %scan3A_187 : i32
    %scan3A_189 = arith.constant 1 : i32
    scf.for %scan3A_283 = %scan3A_186 to %scan3A_188 step %scan3A_189  : i32 {
      %mul3A_284 = arith.constant 16 : i32
      %mul3A_285 = arith.muli %scan3A_283, %mul3A_284 : i32
      %swap3A_286 = arith.index_cast %mul3A_285 : i32 to index
      %swap3A_287 = tpu.vector_load %arg20[%swap3A_286] {strides = array<i32>} : memref<512xi32, #tpu.memory_space<vmem>>, vector<16xi32>,
      tpu.vector_store %arg20[%swap3A_286], %broadcast_in_dim3A_3 {strides = array<i32>} : memref<512xi32, #tpu.memory_space<vmem>>, vector<16xi32>,
    }
    %scan3A_190 = arith.constant 32 : i32
    %while3A_191 = arith.constant 0 : i32
    %while3A_192 = arith.constant 0 : i32
    %while3A_193 = arith.subi %shift_right_arithmetic3A_100, %while3A_192 : i32
    %while3A_194 = arith.addi %while3A_192, %while3A_193 : i32
    %while3A_195 = arith.constant 1 : i32
    %while3A_196 = arith.divsi %while3A_193, %while3A_195 : i32
    %while3A_197 = arith.muli %while3A_196, %while3A_195 : i32
    %while3A_198 = arith.addi %while3A_192, %while3A_197 : i32
    %while3A_199 = arith.constant 1 : i32
    scf.for %while3A_283 = %while3A_192 to %while3A_198 step %while3A_199  : i32 {
      %mul3A_284 = arith.constant 16 : i32
      %mul3A_285 = arith.muli %while3A_283, %mul3A_284 : i32
      %get3A_286 = arith.index_cast %mul3A_285 : i32 to index
      %get3A_287 = tpu.vector_load %arg16[%get3A_286] {strides = array<i32>} : memref<6144xi32, #tpu.memory_space<vmem>>, vector<16xi32>,
      %not3A = arith.constant dense<-1> : vector<16xi32>
      %not3A_288 = arith.xori %get3A_287, %not3A : vector<16xi32>
      %shift_right_arithmetic3A_289 = arith.constant 9 : i32
      %shift_right_arithmetic3A_290 = vector.broadcast %shift_right_arithmetic3A_289 : i32 to vector<16xi32>
      %shift_right_arithmetic3A_291 = arith.shrsi %not3A_288, %shift_right_arithmetic3A_290 : vector<16xi32>
      %and3A_292 = arith.constant 511 : i32
      %and3A_293 = vector.broadcast %and3A_292 : i32 to vector<16xi32>
      %and3A_294 = arith.andi %shift_right_arithmetic3A_291, %and3A_293 : vector<16xi32>
      %broadcast_in_dim3A_295 = arith.constant true
      %broadcast_in_dim3A_296 = vector.broadcast %broadcast_in_dim3A_295 : i1 to vector<16xi1>
      %unique3A, %unique3A_297 = tpu.scan_count mask(%broadcast_in_dim3A_296 : vector<16xi1>) value(%and3A_294 : vector<16xi32>) : vector<16xi1>, vector<16xi32>
      tpu.vector_store_idx %arg20[%and3A_294], %unique3A_297 masked %unique3A {add = true} : memref<512xi32, #tpu.memory_space<vmem>>[vector<16xi32>], vector<16xi32>, vector<16xi1>
    }
    %while3A_200 = arith.constant 1 : i32
    scf.for %while3A_283 = %while3A_198 to %while3A_194 step %while3A_200  : i32 {
      %mul3A_284 = arith.constant 16 : i32
      %mul3A_285 = arith.muli %while3A_283, %mul3A_284 : i32
      %get3A_286 = arith.index_cast %mul3A_285 : i32 to index
      %get3A_287 = tpu.vector_load %arg16[%get3A_286] {strides = array<i32>} : memref<6144xi32, #tpu.memory_space<vmem>>, vector<16xi32>,
      %not3A = arith.constant dense<-1> : vector<16xi32>
      %not3A_288 = arith.xori %get3A_287, %not3A : vector<16xi32>
      %shift_right_arithmetic3A_289 = arith.constant 9 : i32
      %shift_right_arithmetic3A_290 = vector.broadcast %shift_right_arithmetic3A_289 : i32 to vector<16xi32>
      %shift_right_arithmetic3A_291 = arith.shrsi %not3A_288, %shift_right_arithmetic3A_290 : vector<16xi32>
      %and3A_292 = arith.constant 511 : i32
      %and3A_293 = vector.broadcast %and3A_292 : i32 to vector<16xi32>
      %and3A_294 = arith.andi %shift_right_arithmetic3A_291, %and3A_293 : vector<16xi32>
      %broadcast_in_dim3A_295 = arith.constant true
      %broadcast_in_dim3A_296 = vector.broadcast %broadcast_in_dim3A_295 : i1 to vector<16xi1>
      %unique3A, %unique3A_297 = tpu.scan_count mask(%broadcast_in_dim3A_296 : vector<16xi1>) value(%and3A_294 : vector<16xi32>) : vector<16xi1>, vector<16xi32>
      tpu.vector_store_idx %arg20[%and3A_294], %unique3A_297 masked %unique3A {add = true} : memref<512xi32, #tpu.memory_space<vmem>>[vector<16xi32>], vector<16xi32>, vector<16xi1>
    }
    %scan3A_201 = arith.constant 0 : i32
    %scan3A_202 = arith.constant 32 : i32
    %scan3A_203 = arith.addi %scan3A_201, %scan3A_202 : i32
    %scan3A_204 = arith.constant 1 : i32
    %scan3A_205 = scf.for %scan3A_283 = %scan3A_201 to %scan3A_203 step %scan3A_204 iter_args(%scan3A_284 = %broadcast_in_dim3A_3) -> (vector<16xi32>)  : i32 {
      %mul3A_285 = arith.constant 16 : i32
      %mul3A_286 = arith.muli %scan3A_283, %mul3A_285 : i32
      %get3A_287 = arith.index_cast %mul3A_286 : i32 to index
      %get3A_288 = tpu.vector_load %arg20[%get3A_287] {strides = array<i32>} : memref<512xi32, #tpu.memory_space<vmem>>, vector<16xi32>,
      %broadcast_in_dim3A_289 = arith.constant true
      %broadcast_in_dim3A_290 = vector.broadcast %broadcast_in_dim3A_289 : i1 to vector<16xi1>
      %masked_cumsum3A = tpu.scan <sum>, %get3A_288 masked %broadcast_in_dim3A_290 : vector<16xi32>, vector<16xi1> -> vector<16xi32>
      %sub3A_291 = arith.subi %masked_cumsum3A, %get3A_288 : vector<16xi32>
      %add3A_292 = arith.addi %sub3A_291, %scan3A_284 : vector<16xi32>
      %mul3A_293 = arith.constant 16 : i32
      %mul3A_294 = arith.muli %scan3A_283, %mul3A_293 : i32
      %swap3A_295 = arith.index_cast %mul3A_294 : i32 to index
      %swap3A_296 = tpu.vector_load %arg20[%swap3A_295] {strides = array<i32>} : memref<512xi32, #tpu.memory_space<vmem>>, vector<16xi32>,
      tpu.vector_store %arg20[%swap3A_295], %add3A_292 {strides = array<i32>} : memref<512xi32, #tpu.memory_space<vmem>>, vector<16xi32>,
      %reduce_max3A_297 = arith.constant true
      %reduce_max3A_298 = vector.broadcast %reduce_max3A_297 : i1 to vector<16xi1>
      %reduce_max3A_299 = arith.constant -2147483648 : i32
      %reduce_max3A_300 = vector.broadcast %reduce_max3A_299 : i32 to vector<16xi32>
      %reduce_max3A_301 = arith.xori %masked_cumsum3A, %reduce_max3A_300 : vector<16xi32>
      %reduce_max3A_302 = tpu.scan <max>, %reduce_max3A_301 masked %reduce_max3A_298 : vector<16xi32>, vector<16xi1> -> vector<16xi32>
      %reduce_max3A_303 = arith.xori %reduce_max3A_302, %reduce_max3A_300 : vector<16xi32>
      %reduce_max3A_304 = vector.extract %reduce_max3A_303[15] : i32 from vector<16xi32>
      %broadcast_in_dim3A_305 = vector.broadcast %reduce_max3A_304 : i32 to vector<16xi32>
      %add3A_306 = arith.addi %scan3A_284, %broadcast_in_dim3A_305 : vector<16xi32>
      scf.yield %add3A_306 : vector<16xi32>
    }
    %scan3A_206 = arith.constant 32 : i32
    %while3A_207 = arith.constant 0 : i32
    %while3A_208 = arith.constant 0 : i32
    %while3A_209 = arith.subi %shift_right_arithmetic3A_100, %while3A_208 : i32
    %while3A_210 = arith.addi %while3A_208, %while3A_209 : i32
    %while3A_211 = arith.constant 1 : i32
    %while3A_212 = arith.divsi %while3A_209, %while3A_211 : i32
    %while3A_213 = arith.muli %while3A_212, %while3A_211 : i32
    %while3A_214 = arith.addi %while3A_208, %while3A_213 : i32
    %while3A_215 = arith.constant 1 : i32
    scf.for %while3A_283 = %while3A_208 to %while3A_214 step %while3A_215  : i32 {
      %mul3A_284 = arith.constant 16 : i32
      %mul3A_285 = arith.muli %while3A_283, %mul3A_284 : i32
      %get3A_286 = arith.index_cast %mul3A_285 : i32 to index
      %get3A_287 = tpu.vector_load %arg16[%get3A_286] {strides = array<i32>} : memref<6144xi32, #tpu.memory_space<vmem>>, vector<16xi32>,
      %mul3A_288 = arith.constant 16 : i32
      %mul3A_289 = arith.muli %while3A_283, %mul3A_288 : i32
      %get3A_290 = arith.index_cast %mul3A_289 : i32 to index
      %get3A_291 = tpu.vector_load %arg17[%get3A_290] {strides = array<i32>} : memref<6144xi32, #tpu.memory_space<vmem>>, vector<16xi32>,
      %not3A = arith.constant dense<-1> : vector<16xi32>
      %not3A_292 = arith.xori %get3A_287, %not3A : vector<16xi32>
      %shift_right_arithmetic3A_293 = arith.constant 9 : i32
      %shift_right_arithmetic3A_294 = vector.broadcast %shift_right_arithmetic3A_293 : i32 to vector<16xi32>
      %shift_right_arithmetic3A_295 = arith.shrsi %not3A_292, %shift_right_arithmetic3A_294 : vector<16xi32>
      %and3A_296 = arith.constant 511 : i32
      %and3A_297 = vector.broadcast %and3A_296 : i32 to vector<16xi32>
      %and3A_298 = arith.andi %shift_right_arithmetic3A_295, %and3A_297 : vector<16xi32>
      %broadcast_in_dim3A_299 = arith.constant true
      %broadcast_in_dim3A_300 = vector.broadcast %broadcast_in_dim3A_299 : i1 to vector<16xi1>
      %unique3A, %unique3A_301 = tpu.scan_count mask(%broadcast_in_dim3A_300 : vector<16xi1>) value(%and3A_298 : vector<16xi32>) : vector<16xi1>, vector<16xi32>
      %gather3A_302 = tpu.vector_load_idx %arg20[%and3A_298] : memref<512xi32, #tpu.memory_space<vmem>>[vector<16xi32>], vector<16xi32>,
      %add3A_303 = arith.addi %gather3A_302, %unique3A_301 : vector<16xi32>
      %sub3A_304 = arith.constant 1 : i32
      %sub3A_305 = vector.broadcast %sub3A_304 : i32 to vector<16xi32>
      %sub3A_306 = arith.subi %add3A_303, %sub3A_305 : vector<16xi32>
      tpu.vector_store_idx %arg18[%sub3A_306], %get3A_287 : memref<6144xi32, #tpu.memory_space<vmem>>[vector<16xi32>], vector<16xi32>,
      tpu.vector_store_idx %arg19[%sub3A_306], %get3A_291 : memref<6144xi32, #tpu.memory_space<vmem>>[vector<16xi32>], vector<16xi32>,
      tpu.vector_store_idx %arg20[%and3A_298], %unique3A_301 masked %unique3A {add = true} : memref<512xi32, #tpu.memory_space<vmem>>[vector<16xi32>], vector<16xi32>, vector<16xi1>
    }
    %while3A_216 = arith.constant 1 : i32
    scf.for %while3A_283 = %while3A_214 to %while3A_210 step %while3A_216  : i32 {
      %mul3A_284 = arith.constant 16 : i32
      %mul3A_285 = arith.muli %while3A_283, %mul3A_284 : i32
      %get3A_286 = arith.index_cast %mul3A_285 : i32 to index
      %get3A_287 = tpu.vector_load %arg16[%get3A_286] {strides = array<i32>} : memref<6144xi32, #tpu.memory_space<vmem>>, vector<16xi32>,
      %mul3A_288 = arith.constant 16 : i32
      %mul3A_289 = arith.muli %while3A_283, %mul3A_288 : i32
      %get3A_290 = arith.index_cast %mul3A_289 : i32 to index
      %get3A_291 = tpu.vector_load %arg17[%get3A_290] {strides = array<i32>} : memref<6144xi32, #tpu.memory_space<vmem>>, vector<16xi32>,
      %not3A = arith.constant dense<-1> : vector<16xi32>
      %not3A_292 = arith.xori %get3A_287, %not3A : vector<16xi32>
      %shift_right_arithmetic3A_293 = arith.constant 9 : i32
      %shift_right_arithmetic3A_294 = vector.broadcast %shift_right_arithmetic3A_293 : i32 to vector<16xi32>
      %shift_right_arithmetic3A_295 = arith.shrsi %not3A_292, %shift_right_arithmetic3A_294 : vector<16xi32>
      %and3A_296 = arith.constant 511 : i32
      %and3A_297 = vector.broadcast %and3A_296 : i32 to vector<16xi32>
      %and3A_298 = arith.andi %shift_right_arithmetic3A_295, %and3A_297 : vector<16xi32>
      %broadcast_in_dim3A_299 = arith.constant true
      %broadcast_in_dim3A_300 = vector.broadcast %broadcast_in_dim3A_299 : i1 to vector<16xi1>
      %unique3A, %unique3A_301 = tpu.scan_count mask(%broadcast_in_dim3A_300 : vector<16xi1>) value(%and3A_298 : vector<16xi32>) : vector<16xi1>, vector<16xi32>
      %gather3A_302 = tpu.vector_load_idx %arg20[%and3A_298] : memref<512xi32, #tpu.memory_space<vmem>>[vector<16xi32>], vector<16xi32>,
      %add3A_303 = arith.addi %gather3A_302, %unique3A_301 : vector<16xi32>
      %sub3A_304 = arith.constant 1 : i32
      %sub3A_305 = vector.broadcast %sub3A_304 : i32 to vector<16xi32>
      %sub3A_306 = arith.subi %add3A_303, %sub3A_305 : vector<16xi32>
      tpu.vector_store_idx %arg18[%sub3A_306], %get3A_287 : memref<6144xi32, #tpu.memory_space<vmem>>[vector<16xi32>], vector<16xi32>,
      tpu.vector_store_idx %arg19[%sub3A_306], %get3A_291 : memref<6144xi32, #tpu.memory_space<vmem>>[vector<16xi32>], vector<16xi32>,
      tpu.vector_store_idx %arg20[%and3A_298], %unique3A_301 masked %unique3A {add = true} : memref<512xi32, #tpu.memory_space<vmem>>[vector<16xi32>], vector<16xi32>, vector<16xi1>
    }
    %broadcast_in_dim3A_217 = vector.broadcast %while3A_25#3 : i32 to vector<16xi32>
    %gather3A = tpu.vector_load_idx %arg14[%broadcast_in_dim3A_217] : memref<4096xi32, #tpu.memory_space<vmem>>[vector<16xi32>], vector<16xi32>,
    %eq3A_218 = arith.constant 0 : i32
    %eq3A_219 = arith.cmpi eq, %and3A_2, %eq3A_218 : i32
    %select_n3A_220 = arith.select %eq3A_219, %broadcast_in_dim3A_3, %gather3A : vector<16xi32>
    %while3A_221 = arith.constant 0 : i32
    %while3A_222 = arith.constant 0 : i32
    %while3A_223 = arith.subi %shift_right_arithmetic3A_100, %while3A_222 : i32
    %while3A_224 = arith.addi %while3A_222, %while3A_223 : i32
    %while3A_225 = arith.constant 1 : i32
    %while3A_226 = arith.divsi %while3A_223, %while3A_225 : i32
    %while3A_227 = arith.muli %while3A_226, %while3A_225 : i32
    %while3A_228 = arith.addi %while3A_222, %while3A_227 : i32
    %while3A_229 = arith.constant 1 : i32
    scf.for %while3A_283 = %while3A_222 to %while3A_228 step %while3A_229  : i32 {
      %mul3A_284 = arith.constant 16 : i32
      %mul3A_285 = arith.muli %while3A_283, %mul3A_284 : i32
      %get3A_286 = arith.index_cast %mul3A_285 : i32 to index
      %get3A_287 = tpu.vector_load %arg18[%get3A_286] {strides = array<i32>} : memref<6144xi32, #tpu.memory_space<vmem>>, vector<16xi32>,
      %mul3A_288 = arith.constant 16 : i32
      %mul3A_289 = arith.muli %while3A_283, %mul3A_288 : i32
      %get3A_290 = arith.index_cast %mul3A_289 : i32 to index
      %get3A_291 = tpu.vector_load %arg19[%get3A_290] {strides = array<i32>} : memref<6144xi32, #tpu.memory_space<vmem>>, vector<16xi32>,
      %shift_right_arithmetic3A_292 = arith.constant 18 : i32
      %shift_right_arithmetic3A_293 = vector.broadcast %shift_right_arithmetic3A_292 : i32 to vector<16xi32>
      %shift_right_arithmetic3A_294 = arith.shrsi %get3A_287, %shift_right_arithmetic3A_293 : vector<16xi32>
      %ge3A_295 = vector.broadcast %while3A_25#2 : i32 to vector<16xi32>
      %ge3A_296 = arith.cmpi sge, %shift_right_arithmetic3A_294, %ge3A_295 : vector<16xi32>
      %unique3A, %unique3A_297 = tpu.scan_count mask(%ge3A_296 : vector<16xi1>) value(%shift_right_arithmetic3A_294 : vector<16xi32>) : vector<16xi1>, vector<16xi32>
      %gather3A_298 = tpu.vector_load_idx %arg14[%shift_right_arithmetic3A_294] : memref<4096xi32, #tpu.memory_space<vmem>>[vector<16xi32>], vector<16xi32>,
      %add3A_299 = arith.addi %gather3A_298, %unique3A_297 : vector<16xi32>
      %sub3A_300 = arith.constant 1 : i32
      %sub3A_301 = vector.broadcast %sub3A_300 : i32 to vector<16xi32>
      %sub3A_302 = arith.subi %add3A_299, %sub3A_301 : vector<16xi32>
      %sub3A_303 = arith.subi %sub3A_302, %select_n3A_220 : vector<16xi32>
      %ge3A_304 = arith.constant 0 : i32
      %ge3A_305 = vector.broadcast %ge3A_304 : i32 to vector<16xi32>
      %ge3A_306 = arith.cmpi sge, %sub3A_303, %ge3A_305 : vector<16xi32>
      %lt3A_307 = arith.constant 6144 : i32
      %lt3A_308 = vector.broadcast %lt3A_307 : i32 to vector<16xi32>
      %lt3A_309 = arith.cmpi slt, %sub3A_303, %lt3A_308 : vector<16xi32>
      %and3A_310 = arith.andi %ge3A_306, %lt3A_309 : vector<16xi1>
      %and3A_311 = arith.andi %ge3A_296, %and3A_310 : vector<16xi1>
      tpu.vector_store_idx %arg16[%sub3A_303], %get3A_287 masked %and3A_311 : memref<6144xi32, #tpu.memory_space<vmem>>[vector<16xi32>], vector<16xi32>, vector<16xi1>
      tpu.vector_store_idx %arg17[%sub3A_303], %get3A_291 masked %and3A_311 : memref<6144xi32, #tpu.memory_space<vmem>>[vector<16xi32>], vector<16xi32>, vector<16xi1>
      %and3A_312 = arith.andi %unique3A, %ge3A_296 : vector<16xi1>
      tpu.vector_store_idx %arg14[%shift_right_arithmetic3A_294], %unique3A_297 masked %and3A_312 {add = true} : memref<4096xi32, #tpu.memory_space<vmem>>[vector<16xi32>], vector<16xi32>, vector<16xi1>
    }
    %while3A_230 = arith.constant 1 : i32
    scf.for %while3A_283 = %while3A_228 to %while3A_224 step %while3A_230  : i32 {
      %mul3A_284 = arith.constant 16 : i32
      %mul3A_285 = arith.muli %while3A_283, %mul3A_284 : i32
      %get3A_286 = arith.index_cast %mul3A_285 : i32 to index
      %get3A_287 = tpu.vector_load %arg18[%get3A_286] {strides = array<i32>} : memref<6144xi32, #tpu.memory_space<vmem>>, vector<16xi32>,
      %mul3A_288 = arith.constant 16 : i32
      %mul3A_289 = arith.muli %while3A_283, %mul3A_288 : i32
      %get3A_290 = arith.index_cast %mul3A_289 : i32 to index
      %get3A_291 = tpu.vector_load %arg19[%get3A_290] {strides = array<i32>} : memref<6144xi32, #tpu.memory_space<vmem>>, vector<16xi32>,
      %shift_right_arithmetic3A_292 = arith.constant 18 : i32
      %shift_right_arithmetic3A_293 = vector.broadcast %shift_right_arithmetic3A_292 : i32 to vector<16xi32>
      %shift_right_arithmetic3A_294 = arith.shrsi %get3A_287, %shift_right_arithmetic3A_293 : vector<16xi32>
      %ge3A_295 = vector.broadcast %while3A_25#2 : i32 to vector<16xi32>
      %ge3A_296 = arith.cmpi sge, %shift_right_arithmetic3A_294, %ge3A_295 : vector<16xi32>
      %unique3A, %unique3A_297 = tpu.scan_count mask(%ge3A_296 : vector<16xi1>) value(%shift_right_arithmetic3A_294 : vector<16xi32>) : vector<16xi1>, vector<16xi32>
      %gather3A_298 = tpu.vector_load_idx %arg14[%shift_right_arithmetic3A_294] : memref<4096xi32, #tpu.memory_space<vmem>>[vector<16xi32>], vector<16xi32>,
      %add3A_299 = arith.addi %gather3A_298, %unique3A_297 : vector<16xi32>
      %sub3A_300 = arith.constant 1 : i32
      %sub3A_301 = vector.broadcast %sub3A_300 : i32 to vector<16xi32>
      %sub3A_302 = arith.subi %add3A_299, %sub3A_301 : vector<16xi32>
      %sub3A_303 = arith.subi %sub3A_302, %select_n3A_220 : vector<16xi32>
      %ge3A_304 = arith.constant 0 : i32
      %ge3A_305 = vector.broadcast %ge3A_304 : i32 to vector<16xi32>
      %ge3A_306 = arith.cmpi sge, %sub3A_303, %ge3A_305 : vector<16xi32>
      %lt3A_307 = arith.constant 6144 : i32
      %lt3A_308 = vector.broadcast %lt3A_307 : i32 to vector<16xi32>
      %lt3A_309 = arith.cmpi slt, %sub3A_303, %lt3A_308 : vector<16xi32>
      %and3A_310 = arith.andi %ge3A_306, %lt3A_309 : vector<16xi1>
      %and3A_311 = arith.andi %ge3A_296, %and3A_310 : vector<16xi1>
      tpu.vector_store_idx %arg16[%sub3A_303], %get3A_287 masked %and3A_311 : memref<6144xi32, #tpu.memory_space<vmem>>[vector<16xi32>], vector<16xi32>, vector<16xi1>
      tpu.vector_store_idx %arg17[%sub3A_303], %get3A_291 masked %and3A_311 : memref<6144xi32, #tpu.memory_space<vmem>>[vector<16xi32>], vector<16xi32>, vector<16xi1>
      %and3A_312 = arith.andi %unique3A, %ge3A_296 : vector<16xi1>
      tpu.vector_store_idx %arg14[%shift_right_arithmetic3A_294], %unique3A_297 masked %and3A_312 {add = true} : memref<4096xi32, #tpu.memory_space<vmem>>[vector<16xi32>], vector<16xi32>, vector<16xi1>
    }
    %eq3A_231 = arith.constant 0 : i32
    %eq3A_232 = arith.cmpi eq, %and3A_2, %eq3A_231 : i32
    %reduce_max3A_233 = arith.constant true
    %reduce_max3A_234 = vector.broadcast %reduce_max3A_233 : i1 to vector<16xi1>
    %reduce_max3A_235 = arith.constant -2147483648 : i32
    %reduce_max3A_236 = vector.broadcast %reduce_max3A_235 : i32 to vector<16xi32>
    %reduce_max3A_237 = arith.xori %gather3A, %reduce_max3A_236 : vector<16xi32>
    %reduce_max3A_238 = tpu.scan <max>, %reduce_max3A_237 masked %reduce_max3A_234 : vector<16xi32>, vector<16xi1> -> vector<16xi32>
    %reduce_max3A_239 = arith.xori %reduce_max3A_238, %reduce_max3A_236 : vector<16xi32>
    %reduce_max3A_240 = vector.extract %reduce_max3A_239[15] : i32 from vector<16xi32>
    %sub3A_241 = arith.constant 1024 : i32
    %sub3A_242 = arith.subi %sub3A_241, %reduce_max3A_240 : i32
    %jit3A = arith.constant 0 : i32
    %select_n3A_243 = arith.select %eq3A_232, %jit3A, %sub3A_242 : i32
    %eq3A_244 = arith.constant 0 : i32
    %eq3A_245 = arith.cmpi eq, %and3A_2, %eq3A_244 : i32
    %jit3A_246 = arith.constant 1024 : i32
    %jit3A_247 = arith.constant 976 : i32
    %select_n3A_248 = arith.select %eq3A_245, %jit3A_246, %jit3A_247 : i32
    %scan3A_249 = arith.constant 0 : i32
    %scan3A_250 = arith.constant 0 : i32
    %scan3A_251 = arith.constant 16 : i32
    %scan3A_252 = arith.addi %scan3A_250, %scan3A_251 : i32
    %scan3A_253 = arith.constant 1 : i32
    scf.for %scan3A_283 = %scan3A_250 to %scan3A_252 step %scan3A_253  : i32 {
      %mul3A_284 = arith.constant 4 : i32
      %mul3A_285 = arith.muli %scan3A_283, %mul3A_284 : i32
      %add3A_286 = arith.constant 0 : i32
      %add3A_287 = arith.addi %mul3A_285, %add3A_286 : i32
      %mul3A_288 = arith.constant 16 : i32
      %mul3A_289 = arith.muli %add3A_287, %mul3A_288 : i32
      %add3A_290 = arith.addi %select_n3A_243, %mul3A_289 : i32
      %add3A_291 = vector.broadcast %add3A_290 : i32 to vector<16xi32>
      %add3A_292 = arith.addi %add3A_291, %iota3A : vector<16xi32>
      %gather3A_293 = tpu.vector_load_idx %arg17[%add3A_292] : memref<6144xi32, #tpu.memory_space<vmem>>[vector<16xi32>], vector<16xi32>,
      %mul3A_294 = arith.constant 16 : i32
      %mul3A_295 = arith.muli %add3A_287, %mul3A_294 : i32
      %add3A_296 = vector.broadcast %mul3A_295 : i32 to vector<16xi32>
      %add3A_297 = arith.addi %add3A_296, %iota3A : vector<16xi32>
      %lt3A_298 = vector.broadcast %select_n3A_248 : i32 to vector<16xi32>
      %lt3A_299 = arith.cmpi slt, %add3A_297, %lt3A_298 : vector<16xi32>
      %mul3A_300 = arith.constant 21760 : i32
      %mul3A_301 = arith.muli %add3A, %mul3A_300 : i32
      %add3A_302 = vector.broadcast %mul3A_301 : i32 to vector<16xi32>
      %add3A_303 = arith.addi %gather3A_293, %add3A_302 : vector<16xi32>
      %select_n3A_304 = arith.select %lt3A_299, %add3A_303, %broadcast_in_dim3A_3 : vector<16xi1>, vector<16xi32>
      %mul3A_305 = arith.constant 16 : i32
      %mul3A_306 = arith.muli %add3A_287, %mul3A_305 : i32
      %swap3A_307 = arith.index_cast %mul3A_306 : i32 to index
      %swap3A_308 = tpu.vector_load %arg21[%swap3A_307] {strides = array<i32>} : memref<1024xi32, #tpu.memory_space<vmem>>, vector<16xi32>,
      tpu.vector_store %arg21[%swap3A_307], %select_n3A_304 {strides = array<i32>} : memref<1024xi32, #tpu.memory_space<vmem>>, vector<16xi32>,
      %mul3A_309 = arith.constant 4 : i32
      %mul3A_310 = arith.muli %scan3A_283, %mul3A_309 : i32
      %add3A_311 = arith.constant 1 : i32
      %add3A_312 = arith.addi %mul3A_310, %add3A_311 : i32
      %mul3A_313 = arith.constant 16 : i32
      %mul3A_314 = arith.muli %add3A_312, %mul3A_313 : i32
      %add3A_315 = arith.addi %select_n3A_243, %mul3A_314 : i32
      %add3A_316 = vector.broadcast %add3A_315 : i32 to vector<16xi32>
      %add3A_317 = arith.addi %add3A_316, %iota3A : vector<16xi32>
      %gather3A_318 = tpu.vector_load_idx %arg17[%add3A_317] : memref<6144xi32, #tpu.memory_space<vmem>>[vector<16xi32>], vector<16xi32>,
      %mul3A_319 = arith.constant 16 : i32
      %mul3A_320 = arith.muli %add3A_312, %mul3A_319 : i32
      %add3A_321 = vector.broadcast %mul3A_320 : i32 to vector<16xi32>
      %add3A_322 = arith.addi %add3A_321, %iota3A : vector<16xi32>
      %lt3A_323 = vector.broadcast %select_n3A_248 : i32 to vector<16xi32>
      %lt3A_324 = arith.cmpi slt, %add3A_322, %lt3A_323 : vector<16xi32>
      %mul3A_325 = arith.constant 21760 : i32
      %mul3A_326 = arith.muli %add3A, %mul3A_325 : i32
      %add3A_327 = vector.broadcast %mul3A_326 : i32 to vector<16xi32>
      %add3A_328 = arith.addi %gather3A_318, %add3A_327 : vector<16xi32>
      %select_n3A_329 = arith.select %lt3A_324, %add3A_328, %broadcast_in_dim3A_3 : vector<16xi1>, vector<16xi32>
      %mul3A_330 = arith.constant 16 : i32
      %mul3A_331 = arith.muli %add3A_312, %mul3A_330 : i32
      %swap3A_332 = arith.index_cast %mul3A_331 : i32 to index
      %swap3A_333 = tpu.vector_load %arg21[%swap3A_332] {strides = array<i32>} : memref<1024xi32, #tpu.memory_space<vmem>>, vector<16xi32>,
      tpu.vector_store %arg21[%swap3A_332], %select_n3A_329 {strides = array<i32>} : memref<1024xi32, #tpu.memory_space<vmem>>, vector<16xi32>,
      %mul3A_334 = arith.constant 4 : i32
      %mul3A_335 = arith.muli %scan3A_283, %mul3A_334 : i32
      %add3A_336 = arith.constant 2 : i32
      %add3A_337 = arith.addi %mul3A_335, %add3A_336 : i32
      %mul3A_338 = arith.constant 16 : i32
      %mul3A_339 = arith.muli %add3A_337, %mul3A_338 : i32
      %add3A_340 = arith.addi %select_n3A_243, %mul3A_339 : i32
      %add3A_341 = vector.broadcast %add3A_340 : i32 to vector<16xi32>
      %add3A_342 = arith.addi %add3A_341, %iota3A : vector<16xi32>
      %gather3A_343 = tpu.vector_load_idx %arg17[%add3A_342] : memref<6144xi32, #tpu.memory_space<vmem>>[vector<16xi32>], vector<16xi32>,
      %mul3A_344 = arith.constant 16 : i32
      %mul3A_345 = arith.muli %add3A_337, %mul3A_344 : i32
      %add3A_346 = vector.broadcast %mul3A_345 : i32 to vector<16xi32>
      %add3A_347 = arith.addi %add3A_346, %iota3A : vector<16xi32>
      %lt3A_348 = vector.broadcast %select_n3A_248 : i32 to vector<16xi32>
      %lt3A_349 = arith.cmpi slt, %add3A_347, %lt3A_348 : vector<16xi32>
      %mul3A_350 = arith.constant 21760 : i32
      %mul3A_351 = arith.muli %add3A, %mul3A_350 : i32
      %add3A_352 = vector.broadcast %mul3A_351 : i32 to vector<16xi32>
      %add3A_353 = arith.addi %gather3A_343, %add3A_352 : vector<16xi32>
      %select_n3A_354 = arith.select %lt3A_349, %add3A_353, %broadcast_in_dim3A_3 : vector<16xi1>, vector<16xi32>
      %mul3A_355 = arith.constant 16 : i32
      %mul3A_356 = arith.muli %add3A_337, %mul3A_355 : i32
      %swap3A_357 = arith.index_cast %mul3A_356 : i32 to index
      %swap3A_358 = tpu.vector_load %arg21[%swap3A_357] {strides = array<i32>} : memref<1024xi32, #tpu.memory_space<vmem>>, vector<16xi32>,
      tpu.vector_store %arg21[%swap3A_357], %select_n3A_354 {strides = array<i32>} : memref<1024xi32, #tpu.memory_space<vmem>>, vector<16xi32>,
      %mul3A_359 = arith.constant 4 : i32
      %mul3A_360 = arith.muli %scan3A_283, %mul3A_359 : i32
      %add3A_361 = arith.constant 3 : i32
      %add3A_362 = arith.addi %mul3A_360, %add3A_361 : i32
      %mul3A_363 = arith.constant 16 : i32
      %mul3A_364 = arith.muli %add3A_362, %mul3A_363 : i32
      %add3A_365 = arith.addi %select_n3A_243, %mul3A_364 : i32
      %add3A_366 = vector.broadcast %add3A_365 : i32 to vector<16xi32>
      %add3A_367 = arith.addi %add3A_366, %iota3A : vector<16xi32>
      %gather3A_368 = tpu.vector_load_idx %arg17[%add3A_367] : memref<6144xi32, #tpu.memory_space<vmem>>[vector<16xi32>], vector<16xi32>,
      %mul3A_369 = arith.constant 16 : i32
      %mul3A_370 = arith.muli %add3A_362, %mul3A_369 : i32
      %add3A_371 = vector.broadcast %mul3A_370 : i32 to vector<16xi32>
      %add3A_372 = arith.addi %add3A_371, %iota3A : vector<16xi32>
      %lt3A_373 = vector.broadcast %select_n3A_248 : i32 to vector<16xi32>
      %lt3A_374 = arith.cmpi slt, %add3A_372, %lt3A_373 : vector<16xi32>
      %mul3A_375 = arith.constant 21760 : i32
      %mul3A_376 = arith.muli %add3A, %mul3A_375 : i32
      %add3A_377 = vector.broadcast %mul3A_376 : i32 to vector<16xi32>
      %add3A_378 = arith.addi %gather3A_368, %add3A_377 : vector<16xi32>
      %select_n3A_379 = arith.select %lt3A_374, %add3A_378, %broadcast_in_dim3A_3 : vector<16xi1>, vector<16xi32>
      %mul3A_380 = arith.constant 16 : i32
      %mul3A_381 = arith.muli %add3A_362, %mul3A_380 : i32
      %swap3A_382 = arith.index_cast %mul3A_381 : i32 to index
      %swap3A_383 = tpu.vector_load %arg21[%swap3A_382] {strides = array<i32>} : memref<1024xi32, #tpu.memory_space<vmem>>, vector<16xi32>,
      tpu.vector_store %arg21[%swap3A_382], %select_n3A_379 {strides = array<i32>} : memref<1024xi32, #tpu.memory_space<vmem>>, vector<16xi32>,
    }
    %scan3A_254 = arith.constant 16 : i32
    %dma_start3A = arith.constant 0 : i32
    %dma_start3A_255 = tpu.memref_slice %arg3[%dma_start3A] : memref<348160xf32, #tpu.memory_space<hbm>> -> memref<348160xf32, #tpu.memory_space<hbm>>
    tpu.enqueue_indirect_dma source(%dma_start3A_255 : memref<348160xf32, #tpu.memory_space<hbm>>) target(%arg22 : memref<1024xf32, #tpu.memory_space<vmem>>) offsets(%arg21 : memref<1024xi32, #tpu.memory_space<vmem>>) semaphore(%arg31 : memref<!tpu.dma_semaphore, #tpu.memory_space<semaphore_mem>>)
    %dma_start3A_256 = arith.constant 0 : i32
    %dma_start3A_257 = tpu.memref_slice %arg4[%dma_start3A_256] : memref<348160xf32, #tpu.memory_space<hbm>> -> memref<348160xf32, #tpu.memory_space<hbm>>
    tpu.enqueue_indirect_dma source(%dma_start3A_257 : memref<348160xf32, #tpu.memory_space<hbm>>) target(%arg23 : memref<1024xf32, #tpu.memory_space<vmem>>) offsets(%arg21 : memref<1024xi32, #tpu.memory_space<vmem>>) semaphore(%arg31 : memref<!tpu.dma_semaphore, #tpu.memory_space<semaphore_mem>>)
    %dma_start3A_258 = arith.constant 0 : i32
    %dma_start3A_259 = tpu.memref_slice %arg5[%dma_start3A_258] : memref<348160xf32, #tpu.memory_space<hbm>> -> memref<348160xf32, #tpu.memory_space<hbm>>
    tpu.enqueue_indirect_dma source(%dma_start3A_259 : memref<348160xf32, #tpu.memory_space<hbm>>) target(%arg24 : memref<1024xf32, #tpu.memory_space<vmem>>) offsets(%arg21 : memref<1024xi32, #tpu.memory_space<vmem>>) semaphore(%arg31 : memref<!tpu.dma_semaphore, #tpu.memory_space<semaphore_mem>>)
    %dma_start3A_260 = arith.constant 0 : i32
    %dma_start3A_261 = tpu.memref_slice %arg6[%dma_start3A_260] : memref<348160xf32, #tpu.memory_space<hbm>> -> memref<348160xf32, #tpu.memory_space<hbm>>
    tpu.enqueue_indirect_dma source(%dma_start3A_261 : memref<348160xf32, #tpu.memory_space<hbm>>) target(%arg25 : memref<1024xf32, #tpu.memory_space<vmem>>) offsets(%arg21 : memref<1024xi32, #tpu.memory_space<vmem>>) semaphore(%arg31 : memref<!tpu.dma_semaphore, #tpu.memory_space<semaphore_mem>>)
    %dma_wait3A = arith.constant 0 : i32
    %dma_wait3A_262 = tpu.memref_slice %arg3[%dma_wait3A] : memref<348160xf32, #tpu.memory_space<hbm>> -> memref<348160xf32, #tpu.memory_space<hbm>>
    tpu.wait_indirect_dma semaphore(%arg31 : memref<!tpu.dma_semaphore, #tpu.memory_space<semaphore_mem>>) src(%dma_wait3A_262 : memref<348160xf32, #tpu.memory_space<hbm>>) dst(%arg22 : memref<1024xf32, #tpu.memory_space<vmem>>)
    %dma_wait3A_263 = arith.constant 0 : i32
    %dma_wait3A_264 = tpu.memref_slice %arg4[%dma_wait3A_263] : memref<348160xf32, #tpu.memory_space<hbm>> -> memref<348160xf32, #tpu.memory_space<hbm>>
    tpu.wait_indirect_dma semaphore(%arg31 : memref<!tpu.dma_semaphore, #tpu.memory_space<semaphore_mem>>) src(%dma_wait3A_264 : memref<348160xf32, #tpu.memory_space<hbm>>) dst(%arg23 : memref<1024xf32, #tpu.memory_space<vmem>>)
    %dma_wait3A_265 = arith.constant 0 : i32
    %dma_wait3A_266 = tpu.memref_slice %arg5[%dma_wait3A_265] : memref<348160xf32, #tpu.memory_space<hbm>> -> memref<348160xf32, #tpu.memory_space<hbm>>
    tpu.wait_indirect_dma semaphore(%arg31 : memref<!tpu.dma_semaphore, #tpu.memory_space<semaphore_mem>>) src(%dma_wait3A_266 : memref<348160xf32, #tpu.memory_space<hbm>>) dst(%arg24 : memref<1024xf32, #tpu.memory_space<vmem>>)
    %dma_wait3A_267 = arith.constant 0 : i32
    %dma_wait3A_268 = tpu.memref_slice %arg6[%dma_wait3A_267] : memref<348160xf32, #tpu.memory_space<hbm>> -> memref<348160xf32, #tpu.memory_space<hbm>>
    tpu.wait_indirect_dma semaphore(%arg31 : memref<!tpu.dma_semaphore, #tpu.memory_space<semaphore_mem>>) src(%dma_wait3A_268 : memref<348160xf32, #tpu.memory_space<hbm>>) dst(%arg25 : memref<1024xf32, #tpu.memory_space<vmem>>)
    %scan3A_269 = arith.constant 0 : i32
    %scan3A_270 = arith.constant 0 : i32
    %scan3A_271 = arith.constant 32 : i32
    %scan3A_272 = arith.addi %scan3A_270, %scan3A_271 : i32
    %scan3A_273 = arith.constant 1 : i32
    scf.for %scan3A_283 = %scan3A_270 to %scan3A_272 step %scan3A_273  : i32 {
      %mul3A_284 = arith.constant 2 : i32
      %mul3A_285 = arith.muli %scan3A_283, %mul3A_284 : i32
      %add3A_286 = arith.constant 0 : i32
      %add3A_287 = arith.addi %mul3A_285, %add3A_286 : i32
      %mul3A_288 = arith.constant 16 : i32
      %mul3A_289 = arith.muli %add3A_287, %mul3A_288 : i32
      %mul3A_290 = arith.constant 16 : i32
      %mul3A_291 = arith.muli %add3A_287, %mul3A_290 : i32
      %add3A_292 = arith.addi %select_n3A_243, %mul3A_291 : i32
      %add3A_293 = vector.broadcast %add3A_292 : i32 to vector<16xi32>
      %add3A_294 = arith.addi %add3A_293, %iota3A : vector<16xi32>
      %gather3A_295 = tpu.vector_load_idx %arg17[%add3A_294] : memref<6144xi32, #tpu.memory_space<vmem>>[vector<16xi32>], vector<16xi32>,
      %gather3A_296 = tpu.vector_load_idx %arg16[%add3A_294] : memref<6144xi32, #tpu.memory_space<vmem>>[vector<16xi32>], vector<16xi32>,
      %ge3A_297 = arith.constant 16384 : i32
      %ge3A_298 = vector.broadcast %ge3A_297 : i32 to vector<16xi32>
      %ge3A_299 = arith.cmpi sge, %gather3A_295, %ge3A_298 : vector<16xi32>
      %convert_element_type3A_300 = arith.extui %ge3A_299 : vector<16xi1> to vector<16xi32>
      %ge3A_301 = arith.constant 20480 : i32
      %ge3A_302 = vector.broadcast %ge3A_301 : i32 to vector<16xi32>
      %ge3A_303 = arith.cmpi sge, %gather3A_295, %ge3A_302 : vector<16xi32>
      %convert_element_type3A_304 = arith.extui %ge3A_303 : vector<16xi1> to vector<16xi32>
      %add3A_305 = arith.addi %convert_element_type3A_300, %convert_element_type3A_304 : vector<16xi32>
      %ge3A_306 = arith.constant 21504 : i32
      %ge3A_307 = vector.broadcast %ge3A_306 : i32 to vector<16xi32>
      %ge3A_308 = arith.cmpi sge, %gather3A_295, %ge3A_307 : vector<16xi32>
      %convert_element_type3A_309 = arith.extui %ge3A_308 : vector<16xi1> to vector<16xi32>
      %add3A_310 = arith.addi %add3A_305, %convert_element_type3A_309 : vector<16xi32>
      %eq3A_311 = arith.constant 0 : i32
      %eq3A_312 = vector.broadcast %eq3A_311 : i32 to vector<16xi32>
      %eq3A_313 = arith.cmpi eq, %add3A_310, %eq3A_312 : vector<16xi32>
      %eq3A_314 = arith.constant 1 : i32
      %eq3A_315 = vector.broadcast %eq3A_314 : i32 to vector<16xi32>
      %eq3A_316 = arith.cmpi eq, %add3A_310, %eq3A_315 : vector<16xi32>
      %eq3A_317 = arith.constant 2 : i32
      %eq3A_318 = vector.broadcast %eq3A_317 : i32 to vector<16xi32>
      %eq3A_319 = arith.cmpi eq, %add3A_310, %eq3A_318 : vector<16xi32>
      %jit3A_320 = arith.constant 20480 : i32
      %jit3A_321 = arith.constant 21504 : i32
      %broadcast_in_dim3A_322 = vector.broadcast %jit3A_320 : i32 to vector<16xi32>
      %broadcast_in_dim3A_323 = vector.broadcast %jit3A_321 : i32 to vector<16xi32>
      %select_n3A_324 = arith.select %eq3A_319, %broadcast_in_dim3A_322, %broadcast_in_dim3A_323 : vector<16xi1>, vector<16xi32>
      %jit3A_325 = arith.constant 16384 : i32
      %broadcast_in_dim3A_326 = vector.broadcast %jit3A_325 : i32 to vector<16xi32>
      %select_n3A_327 = arith.select %eq3A_316, %broadcast_in_dim3A_326, %select_n3A_324 : vector<16xi1>, vector<16xi32>
      %jit3A_328 = arith.constant 0 : i32
      %broadcast_in_dim3A_329 = vector.broadcast %jit3A_328 : i32 to vector<16xi32>
      %select_n3A_330 = arith.select %eq3A_313, %broadcast_in_dim3A_329, %select_n3A_327 : vector<16xi1>, vector<16xi32>
      %sub3A_331 = arith.constant 7 : i32
      %sub3A_332 = vector.broadcast %sub3A_331 : i32 to vector<16xi32>
      %sub3A_333 = arith.subi %sub3A_332, %add3A_310 : vector<16xi32>
      %sub3A_334 = arith.subi %gather3A_295, %select_n3A_330 : vector<16xi32>
      %shift_left3A = arith.constant 1 : i32
      %shift_left3A_335 = vector.broadcast %shift_left3A : i32 to vector<16xi32>
      %shift_left3A_336 = arith.shli %shift_left3A_335, %sub3A_333 : vector<16xi32>
      %sub3A_337 = arith.constant 1 : i32
      %sub3A_338 = vector.broadcast %sub3A_337 : i32 to vector<16xi32>
      %sub3A_339 = arith.subi %shift_left3A_336, %sub3A_338 : vector<16xi32>
      %and3A_340 = arith.andi %sub3A_334, %sub3A_339 : vector<16xi32>
      %convert_element_type3A_341 = arith.sitofp %and3A_340 : vector<16xi32> to vector<16xf32>
      %shift_right_arithmetic3A_342 = arith.shrsi %sub3A_334, %sub3A_333 : vector<16xi32>
      %convert_element_type3A_343 = arith.sitofp %shift_right_arithmetic3A_342 : vector<16xi32> to vector<16xf32>
      %shift_left3A_344 = arith.constant 8 : i32
      %shift_left3A_345 = vector.broadcast %shift_left3A_344 : i32 to vector<16xi32>
      %shift_left3A_346 = arith.shli %shift_left3A_345, %add3A_310 : vector<16xi32>
      %convert_element_type3A_347 = arith.sitofp %shift_left3A_346 : vector<16xi32> to vector<16xf32>
      %add3A_348 = arith.constant 5.000000e-01 : f32
      %add3A_349 = vector.broadcast %add3A_348 : f32 to vector<16xf32>
      %add3A_350 = arith.addf %convert_element_type3A_341, %add3A_349 : vector<16xf32>
      %mul3A_351 = arith.mulf %add3A_350, %convert_element_type3A_347 : vector<16xf32>
      %get3A_352 = arith.index_cast %mul3A_289 : i32 to index
      %get3A_353 = tpu.vector_load %arg22[%get3A_352] {strides = array<i32>} : memref<1024xf32, #tpu.memory_space<vmem>>, vector<16xf32>,
      %mul3A_354 = arith.mulf %get3A_353, %convert_element_type3A_347 : vector<16xf32>
      %add3A_355 = arith.addf %mul3A_351, %mul3A_354 : vector<16xf32>
      %swap3A_356 = arith.index_cast %mul3A_289 : i32 to index
      %swap3A_357 = tpu.vector_load %arg22[%swap3A_356] {strides = array<i32>} : memref<1024xf32, #tpu.memory_space<vmem>>, vector<16xf32>,
      tpu.vector_store %arg22[%swap3A_356], %add3A_355 {strides = array<i32>} : memref<1024xf32, #tpu.memory_space<vmem>>, vector<16xf32>,
      %add3A_358 = arith.constant 5.000000e-01 : f32
      %add3A_359 = vector.broadcast %add3A_358 : f32 to vector<16xf32>
      %add3A_360 = arith.addf %convert_element_type3A_343, %add3A_359 : vector<16xf32>
      %mul3A_361 = arith.mulf %add3A_360, %convert_element_type3A_347 : vector<16xf32>
      %get3A_362 = arith.index_cast %mul3A_289 : i32 to index
      %get3A_363 = tpu.vector_load %arg23[%get3A_362] {strides = array<i32>} : memref<1024xf32, #tpu.memory_space<vmem>>, vector<16xf32>,
      %mul3A_364 = arith.mulf %get3A_363, %convert_element_type3A_347 : vector<16xf32>
      %add3A_365 = arith.addf %mul3A_361, %mul3A_364 : vector<16xf32>
      %swap3A_366 = arith.index_cast %mul3A_289 : i32 to index
      %swap3A_367 = tpu.vector_load %arg23[%swap3A_366] {strides = array<i32>} : memref<1024xf32, #tpu.memory_space<vmem>>, vector<16xf32>,
      tpu.vector_store %arg23[%swap3A_366], %add3A_365 {strides = array<i32>} : memref<1024xf32, #tpu.memory_space<vmem>>, vector<16xf32>,
      %get3A_368 = arith.index_cast %mul3A_289 : i32 to index
      %get3A_369 = tpu.vector_load %arg24[%get3A_368] {strides = array<i32>} : memref<1024xf32, #tpu.memory_space<vmem>>, vector<16xf32>,
      %mul3A_370 = arith.mulf %get3A_369, %convert_element_type3A_347 : vector<16xf32>
      %swap3A_371 = arith.index_cast %mul3A_289 : i32 to index
      %swap3A_372 = tpu.vector_load %arg24[%swap3A_371] {strides = array<i32>} : memref<1024xf32, #tpu.memory_space<vmem>>, vector<16xf32>,
      tpu.vector_store %arg24[%swap3A_371], %mul3A_370 {strides = array<i32>} : memref<1024xf32, #tpu.memory_space<vmem>>, vector<16xf32>,
      %get3A_373 = arith.index_cast %mul3A_289 : i32 to index
      %get3A_374 = tpu.vector_load %arg25[%get3A_373] {strides = array<i32>} : memref<1024xf32, #tpu.memory_space<vmem>>, vector<16xf32>,
      %mul3A_375 = arith.mulf %get3A_374, %convert_element_type3A_347 : vector<16xf32>
      %swap3A_376 = arith.index_cast %mul3A_289 : i32 to index
      %swap3A_377 = tpu.vector_load %arg25[%swap3A_376] {strides = array<i32>} : memref<1024xf32, #tpu.memory_space<vmem>>, vector<16xf32>,
      tpu.vector_store %arg25[%swap3A_376], %mul3A_375 {strides = array<i32>} : memref<1024xf32, #tpu.memory_space<vmem>>, vector<16xf32>,
      %bitcast3A = vector.bitcast %gather3A_296 : vector<16xi32> to vector<16xf32>
      %swap3A_378 = arith.index_cast %mul3A_289 : i32 to index
      %swap3A_379 = tpu.vector_load %arg26[%swap3A_378] {strides = array<i32>} : memref<1024xf32, #tpu.memory_space<vmem>>, vector<16xf32>,
      tpu.vector_store %arg26[%swap3A_378], %bitcast3A {strides = array<i32>} : memref<1024xf32, #tpu.memory_space<vmem>>, vector<16xf32>,
      %mul3A_380 = arith.constant 2 : i32
      %mul3A_381 = arith.muli %scan3A_283, %mul3A_380 : i32
      %add3A_382 = arith.constant 1 : i32
      %add3A_383 = arith.addi %mul3A_381, %add3A_382 : i32
      %mul3A_384 = arith.constant 16 : i32
      %mul3A_385 = arith.muli %add3A_383, %mul3A_384 : i32
      %mul3A_386 = arith.constant 16 : i32
      %mul3A_387 = arith.muli %add3A_383, %mul3A_386 : i32
      %add3A_388 = arith.addi %select_n3A_243, %mul3A_387 : i32
      %add3A_389 = vector.broadcast %add3A_388 : i32 to vector<16xi32>
      %add3A_390 = arith.addi %add3A_389, %iota3A : vector<16xi32>
      %gather3A_391 = tpu.vector_load_idx %arg17[%add3A_390] : memref<6144xi32, #tpu.memory_space<vmem>>[vector<16xi32>], vector<16xi32>,
      %gather3A_392 = tpu.vector_load_idx %arg16[%add3A_390] : memref<6144xi32, #tpu.memory_space<vmem>>[vector<16xi32>], vector<16xi32>,
      %ge3A_393 = arith.constant 16384 : i32
      %ge3A_394 = vector.broadcast %ge3A_393 : i32 to vector<16xi32>
      %ge3A_395 = arith.cmpi sge, %gather3A_391, %ge3A_394 : vector<16xi32>
      %convert_element_type3A_396 = arith.extui %ge3A_395 : vector<16xi1> to vector<16xi32>
      %ge3A_397 = arith.constant 20480 : i32
      %ge3A_398 = vector.broadcast %ge3A_397 : i32 to vector<16xi32>
      %ge3A_399 = arith.cmpi sge, %gather3A_391, %ge3A_398 : vector<16xi32>
      %convert_element_type3A_400 = arith.extui %ge3A_399 : vector<16xi1> to vector<16xi32>
      %add3A_401 = arith.addi %convert_element_type3A_396, %convert_element_type3A_400 : vector<16xi32>
      %ge3A_402 = arith.constant 21504 : i32
      %ge3A_403 = vector.broadcast %ge3A_402 : i32 to vector<16xi32>
      %ge3A_404 = arith.cmpi sge, %gather3A_391, %ge3A_403 : vector<16xi32>
      %convert_element_type3A_405 = arith.extui %ge3A_404 : vector<16xi1> to vector<16xi32>
      %add3A_406 = arith.addi %add3A_401, %convert_element_type3A_405 : vector<16xi32>
      %eq3A_407 = arith.constant 0 : i32
      %eq3A_408 = vector.broadcast %eq3A_407 : i32 to vector<16xi32>
      %eq3A_409 = arith.cmpi eq, %add3A_406, %eq3A_408 : vector<16xi32>
      %eq3A_410 = arith.constant 1 : i32
      %eq3A_411 = vector.broadcast %eq3A_410 : i32 to vector<16xi32>
      %eq3A_412 = arith.cmpi eq, %add3A_406, %eq3A_411 : vector<16xi32>
      %eq3A_413 = arith.constant 2 : i32
      %eq3A_414 = vector.broadcast %eq3A_413 : i32 to vector<16xi32>
      %eq3A_415 = arith.cmpi eq, %add3A_406, %eq3A_414 : vector<16xi32>
      %jit3A_416 = arith.constant 20480 : i32
      %jit3A_417 = arith.constant 21504 : i32
      %broadcast_in_dim3A_418 = vector.broadcast %jit3A_416 : i32 to vector<16xi32>
      %broadcast_in_dim3A_419 = vector.broadcast %jit3A_417 : i32 to vector<16xi32>
      %select_n3A_420 = arith.select %eq3A_415, %broadcast_in_dim3A_418, %broadcast_in_dim3A_419 : vector<16xi1>, vector<16xi32>
      %jit3A_421 = arith.constant 16384 : i32
      %broadcast_in_dim3A_422 = vector.broadcast %jit3A_421 : i32 to vector<16xi32>
      %select_n3A_423 = arith.select %eq3A_412, %broadcast_in_dim3A_422, %select_n3A_420 : vector<16xi1>, vector<16xi32>
      %jit3A_424 = arith.constant 0 : i32
      %broadcast_in_dim3A_425 = vector.broadcast %jit3A_424 : i32 to vector<16xi32>
      %select_n3A_426 = arith.select %eq3A_409, %broadcast_in_dim3A_425, %select_n3A_423 : vector<16xi1>, vector<16xi32>
      %sub3A_427 = arith.constant 7 : i32
      %sub3A_428 = vector.broadcast %sub3A_427 : i32 to vector<16xi32>
      %sub3A_429 = arith.subi %sub3A_428, %add3A_406 : vector<16xi32>
      %sub3A_430 = arith.subi %gather3A_391, %select_n3A_426 : vector<16xi32>
      %shift_left3A_431 = arith.constant 1 : i32
      %shift_left3A_432 = vector.broadcast %shift_left3A_431 : i32 to vector<16xi32>
      %shift_left3A_433 = arith.shli %shift_left3A_432, %sub3A_429 : vector<16xi32>
      %sub3A_434 = arith.constant 1 : i32
      %sub3A_435 = vector.broadcast %sub3A_434 : i32 to vector<16xi32>
      %sub3A_436 = arith.subi %shift_left3A_433, %sub3A_435 : vector<16xi32>
      %and3A_437 = arith.andi %sub3A_430, %sub3A_436 : vector<16xi32>
      %convert_element_type3A_438 = arith.sitofp %and3A_437 : vector<16xi32> to vector<16xf32>
      %shift_right_arithmetic3A_439 = arith.shrsi %sub3A_430, %sub3A_429 : vector<16xi32>
      %convert_element_type3A_440 = arith.sitofp %shift_right_arithmetic3A_439 : vector<16xi32> to vector<16xf32>
      %shift_left3A_441 = arith.constant 8 : i32
      %shift_left3A_442 = vector.broadcast %shift_left3A_441 : i32 to vector<16xi32>
      %shift_left3A_443 = arith.shli %shift_left3A_442, %add3A_406 : vector<16xi32>
      %convert_element_type3A_444 = arith.sitofp %shift_left3A_443 : vector<16xi32> to vector<16xf32>
      %add3A_445 = arith.constant 5.000000e-01 : f32
      %add3A_446 = vector.broadcast %add3A_445 : f32 to vector<16xf32>
      %add3A_447 = arith.addf %convert_element_type3A_438, %add3A_446 : vector<16xf32>
      %mul3A_448 = arith.mulf %add3A_447, %convert_element_type3A_444 : vector<16xf32>
      %get3A_449 = arith.index_cast %mul3A_385 : i32 to index
      %get3A_450 = tpu.vector_load %arg22[%get3A_449] {strides = array<i32>} : memref<1024xf32, #tpu.memory_space<vmem>>, vector<16xf32>,
      %mul3A_451 = arith.mulf %get3A_450, %convert_element_type3A_444 : vector<16xf32>
      %add3A_452 = arith.addf %mul3A_448, %mul3A_451 : vector<16xf32>
      %swap3A_453 = arith.index_cast %mul3A_385 : i32 to index
      %swap3A_454 = tpu.vector_load %arg22[%swap3A_453] {strides = array<i32>} : memref<1024xf32, #tpu.memory_space<vmem>>, vector<16xf32>,
      tpu.vector_store %arg22[%swap3A_453], %add3A_452 {strides = array<i32>} : memref<1024xf32, #tpu.memory_space<vmem>>, vector<16xf32>,
      %add3A_455 = arith.constant 5.000000e-01 : f32
      %add3A_456 = vector.broadcast %add3A_455 : f32 to vector<16xf32>
      %add3A_457 = arith.addf %convert_element_type3A_440, %add3A_456 : vector<16xf32>
      %mul3A_458 = arith.mulf %add3A_457, %convert_element_type3A_444 : vector<16xf32>
      %get3A_459 = arith.index_cast %mul3A_385 : i32 to index
      %get3A_460 = tpu.vector_load %arg23[%get3A_459] {strides = array<i32>} : memref<1024xf32, #tpu.memory_space<vmem>>, vector<16xf32>,
      %mul3A_461 = arith.mulf %get3A_460, %convert_element_type3A_444 : vector<16xf32>
      %add3A_462 = arith.addf %mul3A_458, %mul3A_461 : vector<16xf32>
      %swap3A_463 = arith.index_cast %mul3A_385 : i32 to index
      %swap3A_464 = tpu.vector_load %arg23[%swap3A_463] {strides = array<i32>} : memref<1024xf32, #tpu.memory_space<vmem>>, vector<16xf32>,
      tpu.vector_store %arg23[%swap3A_463], %add3A_462 {strides = array<i32>} : memref<1024xf32, #tpu.memory_space<vmem>>, vector<16xf32>,
      %get3A_465 = arith.index_cast %mul3A_385 : i32 to index
      %get3A_466 = tpu.vector_load %arg24[%get3A_465] {strides = array<i32>} : memref<1024xf32, #tpu.memory_space<vmem>>, vector<16xf32>,
      %mul3A_467 = arith.mulf %get3A_466, %convert_element_type3A_444 : vector<16xf32>
      %swap3A_468 = arith.index_cast %mul3A_385 : i32 to index
      %swap3A_469 = tpu.vector_load %arg24[%swap3A_468] {strides = array<i32>} : memref<1024xf32, #tpu.memory_space<vmem>>, vector<16xf32>,
      tpu.vector_store %arg24[%swap3A_468], %mul3A_467 {strides = array<i32>} : memref<1024xf32, #tpu.memory_space<vmem>>, vector<16xf32>,
      %get3A_470 = arith.index_cast %mul3A_385 : i32 to index
      %get3A_471 = tpu.vector_load %arg25[%get3A_470] {strides = array<i32>} : memref<1024xf32, #tpu.memory_space<vmem>>, vector<16xf32>,
      %mul3A_472 = arith.mulf %get3A_471, %convert_element_type3A_444 : vector<16xf32>
      %swap3A_473 = arith.index_cast %mul3A_385 : i32 to index
      %swap3A_474 = tpu.vector_load %arg25[%swap3A_473] {strides = array<i32>} : memref<1024xf32, #tpu.memory_space<vmem>>, vector<16xf32>,
      tpu.vector_store %arg25[%swap3A_473], %mul3A_472 {strides = array<i32>} : memref<1024xf32, #tpu.memory_space<vmem>>, vector<16xf32>,
      %bitcast3A_475 = vector.bitcast %gather3A_392 : vector<16xi32> to vector<16xf32>
      %swap3A_476 = arith.index_cast %mul3A_385 : i32 to index
      %swap3A_477 = tpu.vector_load %arg26[%swap3A_476] {strides = array<i32>} : memref<1024xf32, #tpu.memory_space<vmem>>, vector<16xf32>,
      tpu.vector_store %arg26[%swap3A_476], %bitcast3A_475 {strides = array<i32>} : memref<1024xf32, #tpu.memory_space<vmem>>, vector<16xf32>,
    }
    %scan3A_274 = arith.constant 32 : i32
    %eq3A_275 = arith.constant 0 : i32
    %eq3A_276 = arith.cmpi eq, %and3A_2, %eq3A_275 : i32
    %convert_element_type3A = arith.extui %eq3A_276 : i1 to i32
    %cond3A = arith.constant 0 : i32
    %cond3A_277 = arith.cmpi ne, %convert_element_type3A, %cond3A : i32
    scf.if %cond3A_277 {
      "tpu.region"() ({
        %run_scoped3A = tpu.sem_alloc : memref<!tpu.dma_semaphore, #tpu.memory_space<semaphore_mem>>
        %dma_start3A_283 = arith.constant 0 : i32
        %dma_start3A_284 = tpu.memref_slice %arg7[%add3A, %dma_start3A_283] : memref<16x2048xf32, #tpu.memory_space<hbm>> -> memref<1x1024xf32, #tpu.memory_space<hbm>>
        %dma_start3A_285 = tpu.memref_squeeze %dma_start3A_284 : memref<1x1024xf32, #tpu.memory_space<hbm>> -> memref<1024xf32, #tpu.memory_space<hbm>>
        %dma_start3A_286 = arith.constant 0 : i32
        %dma_start3A_287 = tpu.memref_slice %arg7[%add3A, %dma_start3A_286] : memref<16x2048xf32, #tpu.memory_space<hbm>> -> memref<1x1024xf32, #tpu.memory_space<hbm>>
        %dma_start3A_288 = tpu.memref_squeeze %dma_start3A_287 : memref<1x1024xf32, #tpu.memory_space<hbm>> -> memref<1024xf32, #tpu.memory_space<hbm>>
        tpu.enqueue_dma source(%arg22 : memref<1024xf32, #tpu.memory_space<vmem>>) target(%dma_start3A_288 : memref<1024xf32, #tpu.memory_space<hbm>>) target_semaphore(%run_scoped3A : memref<!tpu.dma_semaphore, #tpu.memory_space<semaphore_mem>>)
        %dma_wait3A_289 = arith.constant 0 : i32
        %dma_wait3A_290 = tpu.memref_slice %arg7[%add3A, %dma_wait3A_289] : memref<16x2048xf32, #tpu.memory_space<hbm>> -> memref<1x1024xf32, #tpu.memory_space<hbm>>
        %dma_wait3A_291 = tpu.memref_squeeze %dma_wait3A_290 : memref<1x1024xf32, #tpu.memory_space<hbm>> -> memref<1024xf32, #tpu.memory_space<hbm>>
        %dma_wait3A_292 = arith.constant 0 : i32
        %dma_wait3A_293 = tpu.memref_slice %arg7[%add3A, %dma_wait3A_292] : memref<16x2048xf32, #tpu.memory_space<hbm>> -> memref<1x1024xf32, #tpu.memory_space<hbm>>
        %dma_wait3A_294 = tpu.memref_squeeze %dma_wait3A_293 : memref<1x1024xf32, #tpu.memory_space<hbm>> -> memref<1024xf32, #tpu.memory_space<hbm>>
        tpu.wait_dma2 semaphore(%run_scoped3A : memref<!tpu.dma_semaphore, #tpu.memory_space<semaphore_mem>>) src(%arg22 : memref<1024xf32, #tpu.memory_space<vmem>>) dst(%dma_wait3A_294 : memref<1024xf32, #tpu.memory_space<hbm>>)
        tpu.yield
      }) : () -> ()
      "tpu.region"() ({
        %run_scoped3A = tpu.sem_alloc : memref<!tpu.dma_semaphore, #tpu.memory_space<semaphore_mem>>
        %dma_start3A_283 = arith.constant 0 : i32
        %dma_start3A_284 = tpu.memref_slice %arg8[%add3A, %dma_start3A_283] : memref<16x2048xf32, #tpu.memory_space<hbm>> -> memref<1x1024xf32, #tpu.memory_space<hbm>>
        %dma_start3A_285 = tpu.memref_squeeze %dma_start3A_284 : memref<1x1024xf32, #tpu.memory_space<hbm>> -> memref<1024xf32, #tpu.memory_space<hbm>>
        %dma_start3A_286 = arith.constant 0 : i32
        %dma_start3A_287 = tpu.memref_slice %arg8[%add3A, %dma_start3A_286] : memref<16x2048xf32, #tpu.memory_space<hbm>> -> memref<1x1024xf32, #tpu.memory_space<hbm>>
        %dma_start3A_288 = tpu.memref_squeeze %dma_start3A_287 : memref<1x1024xf32, #tpu.memory_space<hbm>> -> memref<1024xf32, #tpu.memory_space<hbm>>
        tpu.enqueue_dma source(%arg23 : memref<1024xf32, #tpu.memory_space<vmem>>) target(%dma_start3A_288 : memref<1024xf32, #tpu.memory_space<hbm>>) target_semaphore(%run_scoped3A : memref<!tpu.dma_semaphore, #tpu.memory_space<semaphore_mem>>)
        %dma_wait3A_289 = arith.constant 0 : i32
        %dma_wait3A_290 = tpu.memref_slice %arg8[%add3A, %dma_wait3A_289] : memref<16x2048xf32, #tpu.memory_space<hbm>> -> memref<1x1024xf32, #tpu.memory_space<hbm>>
        %dma_wait3A_291 = tpu.memref_squeeze %dma_wait3A_290 : memref<1x1024xf32, #tpu.memory_space<hbm>> -> memref<1024xf32, #tpu.memory_space<hbm>>
        %dma_wait3A_292 = arith.constant 0 : i32
        %dma_wait3A_293 = tpu.memref_slice %arg8[%add3A, %dma_wait3A_292] : memref<16x2048xf32, #tpu.memory_space<hbm>> -> memref<1x1024xf32, #tpu.memory_space<hbm>>
        %dma_wait3A_294 = tpu.memref_squeeze %dma_wait3A_293 : memref<1x1024xf32, #tpu.memory_space<hbm>> -> memref<1024xf32, #tpu.memory_space<hbm>>
        tpu.wait_dma2 semaphore(%run_scoped3A : memref<!tpu.dma_semaphore, #tpu.memory_space<semaphore_mem>>) src(%arg23 : memref<1024xf32, #tpu.memory_space<vmem>>) dst(%dma_wait3A_294 : memref<1024xf32, #tpu.memory_space<hbm>>)
        tpu.yield
      }) : () -> ()
      "tpu.region"() ({
        %run_scoped3A = tpu.sem_alloc : memref<!tpu.dma_semaphore, #tpu.memory_space<semaphore_mem>>
        %dma_start3A_283 = arith.constant 0 : i32
        %dma_start3A_284 = tpu.memref_slice %arg9[%add3A, %dma_start3A_283] : memref<16x2048xf32, #tpu.memory_space<hbm>> -> memref<1x1024xf32, #tpu.memory_space<hbm>>
        %dma_start3A_285 = tpu.memref_squeeze %dma_start3A_284 : memref<1x1024xf32, #tpu.memory_space<hbm>> -> memref<1024xf32, #tpu.memory_space<hbm>>
        %dma_start3A_286 = arith.constant 0 : i32
        %dma_start3A_287 = tpu.memref_slice %arg9[%add3A, %dma_start3A_286] : memref<16x2048xf32, #tpu.memory_space<hbm>> -> memref<1x1024xf32, #tpu.memory_space<hbm>>
        %dma_start3A_288 = tpu.memref_squeeze %dma_start3A_287 : memref<1x1024xf32, #tpu.memory_space<hbm>> -> memref<1024xf32, #tpu.memory_space<hbm>>
        tpu.enqueue_dma source(%arg24 : memref<1024xf32, #tpu.memory_space<vmem>>) target(%dma_start3A_288 : memref<1024xf32, #tpu.memory_space<hbm>>) target_semaphore(%run_scoped3A : memref<!tpu.dma_semaphore, #tpu.memory_space<semaphore_mem>>)
        %dma_wait3A_289 = arith.constant 0 : i32
        %dma_wait3A_290 = tpu.memref_slice %arg9[%add3A, %dma_wait3A_289] : memref<16x2048xf32, #tpu.memory_space<hbm>> -> memref<1x1024xf32, #tpu.memory_space<hbm>>
        %dma_wait3A_291 = tpu.memref_squeeze %dma_wait3A_290 : memref<1x1024xf32, #tpu.memory_space<hbm>> -> memref<1024xf32, #tpu.memory_space<hbm>>
        %dma_wait3A_292 = arith.constant 0 : i32
        %dma_wait3A_293 = tpu.memref_slice %arg9[%add3A, %dma_wait3A_292] : memref<16x2048xf32, #tpu.memory_space<hbm>> -> memref<1x1024xf32, #tpu.memory_space<hbm>>
        %dma_wait3A_294 = tpu.memref_squeeze %dma_wait3A_293 : memref<1x1024xf32, #tpu.memory_space<hbm>> -> memref<1024xf32, #tpu.memory_space<hbm>>
        tpu.wait_dma2 semaphore(%run_scoped3A : memref<!tpu.dma_semaphore, #tpu.memory_space<semaphore_mem>>) src(%arg24 : memref<1024xf32, #tpu.memory_space<vmem>>) dst(%dma_wait3A_294 : memref<1024xf32, #tpu.memory_space<hbm>>)
        tpu.yield
      }) : () -> ()
      "tpu.region"() ({
        %run_scoped3A = tpu.sem_alloc : memref<!tpu.dma_semaphore, #tpu.memory_space<semaphore_mem>>
        %dma_start3A_283 = arith.constant 0 : i32
        %dma_start3A_284 = tpu.memref_slice %arg10[%add3A, %dma_start3A_283] : memref<16x2048xf32, #tpu.memory_space<hbm>> -> memref<1x1024xf32, #tpu.memory_space<hbm>>
        %dma_start3A_285 = tpu.memref_squeeze %dma_start3A_284 : memref<1x1024xf32, #tpu.memory_space<hbm>> -> memref<1024xf32, #tpu.memory_space<hbm>>
        %dma_start3A_286 = arith.constant 0 : i32
        %dma_start3A_287 = tpu.memref_slice %arg10[%add3A, %dma_start3A_286] : memref<16x2048xf32, #tpu.memory_space<hbm>> -> memref<1x1024xf32, #tpu.memory_space<hbm>>
        %dma_start3A_288 = tpu.memref_squeeze %dma_start3A_287 : memref<1x1024xf32, #tpu.memory_space<hbm>> -> memref<1024xf32, #tpu.memory_space<hbm>>
        tpu.enqueue_dma source(%arg25 : memref<1024xf32, #tpu.memory_space<vmem>>) target(%dma_start3A_288 : memref<1024xf32, #tpu.memory_space<hbm>>) target_semaphore(%run_scoped3A : memref<!tpu.dma_semaphore, #tpu.memory_space<semaphore_mem>>)
        %dma_wait3A_289 = arith.constant 0 : i32
        %dma_wait3A_290 = tpu.memref_slice %arg10[%add3A, %dma_wait3A_289] : memref<16x2048xf32, #tpu.memory_space<hbm>> -> memref<1x1024xf32, #tpu.memory_space<hbm>>
        %dma_wait3A_291 = tpu.memref_squeeze %dma_wait3A_290 : memref<1x1024xf32, #tpu.memory_space<hbm>> -> memref<1024xf32, #tpu.memory_space<hbm>>
        %dma_wait3A_292 = arith.constant 0 : i32
        %dma_wait3A_293 = tpu.memref_slice %arg10[%add3A, %dma_wait3A_292] : memref<16x2048xf32, #tpu.memory_space<hbm>> -> memref<1x1024xf32, #tpu.memory_space<hbm>>
        %dma_wait3A_294 = tpu.memref_squeeze %dma_wait3A_293 : memref<1x1024xf32, #tpu.memory_space<hbm>> -> memref<1024xf32, #tpu.memory_space<hbm>>
        tpu.wait_dma2 semaphore(%run_scoped3A : memref<!tpu.dma_semaphore, #tpu.memory_space<semaphore_mem>>) src(%arg25 : memref<1024xf32, #tpu.memory_space<vmem>>) dst(%dma_wait3A_294 : memref<1024xf32, #tpu.memory_space<hbm>>)
        tpu.yield
      }) : () -> ()
      "tpu.region"() ({
        %run_scoped3A = tpu.sem_alloc : memref<!tpu.dma_semaphore, #tpu.memory_space<semaphore_mem>>
        %dma_start3A_283 = arith.constant 0 : i32
        %dma_start3A_284 = tpu.memref_slice %arg11[%add3A, %dma_start3A_283] : memref<16x2048xf32, #tpu.memory_space<hbm>> -> memref<1x1024xf32, #tpu.memory_space<hbm>>
        %dma_start3A_285 = tpu.memref_squeeze %dma_start3A_284 : memref<1x1024xf32, #tpu.memory_space<hbm>> -> memref<1024xf32, #tpu.memory_space<hbm>>
        %dma_start3A_286 = arith.constant 0 : i32
        %dma_start3A_287 = tpu.memref_slice %arg11[%add3A, %dma_start3A_286] : memref<16x2048xf32, #tpu.memory_space<hbm>> -> memref<1x1024xf32, #tpu.memory_space<hbm>>
        %dma_start3A_288 = tpu.memref_squeeze %dma_start3A_287 : memref<1x1024xf32, #tpu.memory_space<hbm>> -> memref<1024xf32, #tpu.memory_space<hbm>>
        tpu.enqueue_dma source(%arg26 : memref<1024xf32, #tpu.memory_space<vmem>>) target(%dma_start3A_288 : memref<1024xf32, #tpu.memory_space<hbm>>) target_semaphore(%run_scoped3A : memref<!tpu.dma_semaphore, #tpu.memory_space<semaphore_mem>>)
        %dma_wait3A_289 = arith.constant 0 : i32
        %dma_wait3A_290 = tpu.memref_slice %arg11[%add3A, %dma_wait3A_289] : memref<16x2048xf32, #tpu.memory_space<hbm>> -> memref<1x1024xf32, #tpu.memory_space<hbm>>
        %dma_wait3A_291 = tpu.memref_squeeze %dma_wait3A_290 : memref<1x1024xf32, #tpu.memory_space<hbm>> -> memref<1024xf32, #tpu.memory_space<hbm>>
        %dma_wait3A_292 = arith.constant 0 : i32
        %dma_wait3A_293 = tpu.memref_slice %arg11[%add3A, %dma_wait3A_292] : memref<16x2048xf32, #tpu.memory_space<hbm>> -> memref<1x1024xf32, #tpu.memory_space<hbm>>
        %dma_wait3A_294 = tpu.memref_squeeze %dma_wait3A_293 : memref<1x1024xf32, #tpu.memory_space<hbm>> -> memref<1024xf32, #tpu.memory_space<hbm>>
        tpu.wait_dma2 semaphore(%run_scoped3A : memref<!tpu.dma_semaphore, #tpu.memory_space<semaphore_mem>>) src(%arg26 : memref<1024xf32, #tpu.memory_space<vmem>>) dst(%dma_wait3A_294 : memref<1024xf32, #tpu.memory_space<hbm>>)
        tpu.yield
      }) : () -> ()
    } else {
    }
    %eq3A_278 = arith.constant 1 : i32
    %eq3A_279 = arith.cmpi eq, %and3A_2, %eq3A_278 : i32
    %convert_element_type3A_280 = arith.extui %eq3A_279 : i1 to i32
    %cond3A_281 = arith.constant 0 : i32
    %cond3A_282 = arith.cmpi ne, %convert_element_type3A_280, %cond3A_281 : i32
    scf.if %cond3A_282 {
      "tpu.region"() ({
        %run_scoped3A = tpu.sem_alloc : memref<!tpu.dma_semaphore, #tpu.memory_space<semaphore_mem>>
        %dma_start3A_283 = arith.constant 1024 : i32
        %dma_start3A_284 = tpu.memref_slice %arg7[%add3A, %dma_start3A_283] : memref<16x2048xf32, #tpu.memory_space<hbm>> -> memref<1x1024xf32, #tpu.memory_space<hbm>>
        %dma_start3A_285 = tpu.memref_squeeze %dma_start3A_284 : memref<1x1024xf32, #tpu.memory_space<hbm>> -> memref<1024xf32, #tpu.memory_space<hbm>>
        %dma_start3A_286 = arith.constant 1024 : i32
        %dma_start3A_287 = tpu.memref_slice %arg7[%add3A, %dma_start3A_286] : memref<16x2048xf32, #tpu.memory_space<hbm>> -> memref<1x1024xf32, #tpu.memory_space<hbm>>
        %dma_start3A_288 = tpu.memref_squeeze %dma_start3A_287 : memref<1x1024xf32, #tpu.memory_space<hbm>> -> memref<1024xf32, #tpu.memory_space<hbm>>
        tpu.enqueue_dma source(%arg22 : memref<1024xf32, #tpu.memory_space<vmem>>) target(%dma_start3A_288 : memref<1024xf32, #tpu.memory_space<hbm>>) target_semaphore(%run_scoped3A : memref<!tpu.dma_semaphore, #tpu.memory_space<semaphore_mem>>)
        %dma_wait3A_289 = arith.constant 1024 : i32
        %dma_wait3A_290 = tpu.memref_slice %arg7[%add3A, %dma_wait3A_289] : memref<16x2048xf32, #tpu.memory_space<hbm>> -> memref<1x1024xf32, #tpu.memory_space<hbm>>
        %dma_wait3A_291 = tpu.memref_squeeze %dma_wait3A_290 : memref<1x1024xf32, #tpu.memory_space<hbm>> -> memref<1024xf32, #tpu.memory_space<hbm>>
        %dma_wait3A_292 = arith.constant 1024 : i32
        %dma_wait3A_293 = tpu.memref_slice %arg7[%add3A, %dma_wait3A_292] : memref<16x2048xf32, #tpu.memory_space<hbm>> -> memref<1x1024xf32, #tpu.memory_space<hbm>>
        %dma_wait3A_294 = tpu.memref_squeeze %dma_wait3A_293 : memref<1x1024xf32, #tpu.memory_space<hbm>> -> memref<1024xf32, #tpu.memory_space<hbm>>
        tpu.wait_dma2 semaphore(%run_scoped3A : memref<!tpu.dma_semaphore, #tpu.memory_space<semaphore_mem>>) src(%arg22 : memref<1024xf32, #tpu.memory_space<vmem>>) dst(%dma_wait3A_294 : memref<1024xf32, #tpu.memory_space<hbm>>)
        tpu.yield
      }) : () -> ()
      "tpu.region"() ({
        %run_scoped3A = tpu.sem_alloc : memref<!tpu.dma_semaphore, #tpu.memory_space<semaphore_mem>>
        %dma_start3A_283 = arith.constant 1024 : i32
        %dma_start3A_284 = tpu.memref_slice %arg8[%add3A, %dma_start3A_283] : memref<16x2048xf32, #tpu.memory_space<hbm>> -> memref<1x1024xf32, #tpu.memory_space<hbm>>
        %dma_start3A_285 = tpu.memref_squeeze %dma_start3A_284 : memref<1x1024xf32, #tpu.memory_space<hbm>> -> memref<1024xf32, #tpu.memory_space<hbm>>
        %dma_start3A_286 = arith.constant 1024 : i32
        %dma_start3A_287 = tpu.memref_slice %arg8[%add3A, %dma_start3A_286] : memref<16x2048xf32, #tpu.memory_space<hbm>> -> memref<1x1024xf32, #tpu.memory_space<hbm>>
        %dma_start3A_288 = tpu.memref_squeeze %dma_start3A_287 : memref<1x1024xf32, #tpu.memory_space<hbm>> -> memref<1024xf32, #tpu.memory_space<hbm>>
        tpu.enqueue_dma source(%arg23 : memref<1024xf32, #tpu.memory_space<vmem>>) target(%dma_start3A_288 : memref<1024xf32, #tpu.memory_space<hbm>>) target_semaphore(%run_scoped3A : memref<!tpu.dma_semaphore, #tpu.memory_space<semaphore_mem>>)
        %dma_wait3A_289 = arith.constant 1024 : i32
        %dma_wait3A_290 = tpu.memref_slice %arg8[%add3A, %dma_wait3A_289] : memref<16x2048xf32, #tpu.memory_space<hbm>> -> memref<1x1024xf32, #tpu.memory_space<hbm>>
        %dma_wait3A_291 = tpu.memref_squeeze %dma_wait3A_290 : memref<1x1024xf32, #tpu.memory_space<hbm>> -> memref<1024xf32, #tpu.memory_space<hbm>>
        %dma_wait3A_292 = arith.constant 1024 : i32
        %dma_wait3A_293 = tpu.memref_slice %arg8[%add3A, %dma_wait3A_292] : memref<16x2048xf32, #tpu.memory_space<hbm>> -> memref<1x1024xf32, #tpu.memory_space<hbm>>
        %dma_wait3A_294 = tpu.memref_squeeze %dma_wait3A_293 : memref<1x1024xf32, #tpu.memory_space<hbm>> -> memref<1024xf32, #tpu.memory_space<hbm>>
        tpu.wait_dma2 semaphore(%run_scoped3A : memref<!tpu.dma_semaphore, #tpu.memory_space<semaphore_mem>>) src(%arg23 : memref<1024xf32, #tpu.memory_space<vmem>>) dst(%dma_wait3A_294 : memref<1024xf32, #tpu.memory_space<hbm>>)
        tpu.yield
      }) : () -> ()
      "tpu.region"() ({
        %run_scoped3A = tpu.sem_alloc : memref<!tpu.dma_semaphore, #tpu.memory_space<semaphore_mem>>
        %dma_start3A_283 = arith.constant 1024 : i32
        %dma_start3A_284 = tpu.memref_slice %arg9[%add3A, %dma_start3A_283] : memref<16x2048xf32, #tpu.memory_space<hbm>> -> memref<1x1024xf32, #tpu.memory_space<hbm>>
        %dma_start3A_285 = tpu.memref_squeeze %dma_start3A_284 : memref<1x1024xf32, #tpu.memory_space<hbm>> -> memref<1024xf32, #tpu.memory_space<hbm>>
        %dma_start3A_286 = arith.constant 1024 : i32
        %dma_start3A_287 = tpu.memref_slice %arg9[%add3A, %dma_start3A_286] : memref<16x2048xf32, #tpu.memory_space<hbm>> -> memref<1x1024xf32, #tpu.memory_space<hbm>>
        %dma_start3A_288 = tpu.memref_squeeze %dma_start3A_287 : memref<1x1024xf32, #tpu.memory_space<hbm>> -> memref<1024xf32, #tpu.memory_space<hbm>>
        tpu.enqueue_dma source(%arg24 : memref<1024xf32, #tpu.memory_space<vmem>>) target(%dma_start3A_288 : memref<1024xf32, #tpu.memory_space<hbm>>) target_semaphore(%run_scoped3A : memref<!tpu.dma_semaphore, #tpu.memory_space<semaphore_mem>>)
        %dma_wait3A_289 = arith.constant 1024 : i32
        %dma_wait3A_290 = tpu.memref_slice %arg9[%add3A, %dma_wait3A_289] : memref<16x2048xf32, #tpu.memory_space<hbm>> -> memref<1x1024xf32, #tpu.memory_space<hbm>>
        %dma_wait3A_291 = tpu.memref_squeeze %dma_wait3A_290 : memref<1x1024xf32, #tpu.memory_space<hbm>> -> memref<1024xf32, #tpu.memory_space<hbm>>
        %dma_wait3A_292 = arith.constant 1024 : i32
        %dma_wait3A_293 = tpu.memref_slice %arg9[%add3A, %dma_wait3A_292] : memref<16x2048xf32, #tpu.memory_space<hbm>> -> memref<1x1024xf32, #tpu.memory_space<hbm>>
        %dma_wait3A_294 = tpu.memref_squeeze %dma_wait3A_293 : memref<1x1024xf32, #tpu.memory_space<hbm>> -> memref<1024xf32, #tpu.memory_space<hbm>>
        tpu.wait_dma2 semaphore(%run_scoped3A : memref<!tpu.dma_semaphore, #tpu.memory_space<semaphore_mem>>) src(%arg24 : memref<1024xf32, #tpu.memory_space<vmem>>) dst(%dma_wait3A_294 : memref<1024xf32, #tpu.memory_space<hbm>>)
        tpu.yield
      }) : () -> ()
      "tpu.region"() ({
        %run_scoped3A = tpu.sem_alloc : memref<!tpu.dma_semaphore, #tpu.memory_space<semaphore_mem>>
        %dma_start3A_283 = arith.constant 1024 : i32
        %dma_start3A_284 = tpu.memref_slice %arg10[%add3A, %dma_start3A_283] : memref<16x2048xf32, #tpu.memory_space<hbm>> -> memref<1x1024xf32, #tpu.memory_space<hbm>>
        %dma_start3A_285 = tpu.memref_squeeze %dma_start3A_284 : memref<1x1024xf32, #tpu.memory_space<hbm>> -> memref<1024xf32, #tpu.memory_space<hbm>>
        %dma_start3A_286 = arith.constant 1024 : i32
        %dma_start3A_287 = tpu.memref_slice %arg10[%add3A, %dma_start3A_286] : memref<16x2048xf32, #tpu.memory_space<hbm>> -> memref<1x1024xf32, #tpu.memory_space<hbm>>
        %dma_start3A_288 = tpu.memref_squeeze %dma_start3A_287 : memref<1x1024xf32, #tpu.memory_space<hbm>> -> memref<1024xf32, #tpu.memory_space<hbm>>
        tpu.enqueue_dma source(%arg25 : memref<1024xf32, #tpu.memory_space<vmem>>) target(%dma_start3A_288 : memref<1024xf32, #tpu.memory_space<hbm>>) target_semaphore(%run_scoped3A : memref<!tpu.dma_semaphore, #tpu.memory_space<semaphore_mem>>)
        %dma_wait3A_289 = arith.constant 1024 : i32
        %dma_wait3A_290 = tpu.memref_slice %arg10[%add3A, %dma_wait3A_289] : memref<16x2048xf32, #tpu.memory_space<hbm>> -> memref<1x1024xf32, #tpu.memory_space<hbm>>
        %dma_wait3A_291 = tpu.memref_squeeze %dma_wait3A_290 : memref<1x1024xf32, #tpu.memory_space<hbm>> -> memref<1024xf32, #tpu.memory_space<hbm>>
        %dma_wait3A_292 = arith.constant 1024 : i32
        %dma_wait3A_293 = tpu.memref_slice %arg10[%add3A, %dma_wait3A_292] : memref<16x2048xf32, #tpu.memory_space<hbm>> -> memref<1x1024xf32, #tpu.memory_space<hbm>>
        %dma_wait3A_294 = tpu.memref_squeeze %dma_wait3A_293 : memref<1x1024xf32, #tpu.memory_space<hbm>> -> memref<1024xf32, #tpu.memory_space<hbm>>
        tpu.wait_dma2 semaphore(%run_scoped3A : memref<!tpu.dma_semaphore, #tpu.memory_space<semaphore_mem>>) src(%arg25 : memref<1024xf32, #tpu.memory_space<vmem>>) dst(%dma_wait3A_294 : memref<1024xf32, #tpu.memory_space<hbm>>)
        tpu.yield
      }) : () -> ()
      "tpu.region"() ({
        %run_scoped3A = tpu.sem_alloc : memref<!tpu.dma_semaphore, #tpu.memory_space<semaphore_mem>>
        %dma_start3A_283 = arith.constant 1024 : i32
        %dma_start3A_284 = tpu.memref_slice %arg11[%add3A, %dma_start3A_283] : memref<16x2048xf32, #tpu.memory_space<hbm>> -> memref<1x1024xf32, #tpu.memory_space<hbm>>
        %dma_start3A_285 = tpu.memref_squeeze %dma_start3A_284 : memref<1x1024xf32, #tpu.memory_space<hbm>> -> memref<1024xf32, #tpu.memory_space<hbm>>
        %dma_start3A_286 = arith.constant 1024 : i32
        %dma_start3A_287 = tpu.memref_slice %arg11[%add3A, %dma_start3A_286] : memref<16x2048xf32, #tpu.memory_space<hbm>> -> memref<1x1024xf32, #tpu.memory_space<hbm>>
        %dma_start3A_288 = tpu.memref_squeeze %dma_start3A_287 : memref<1x1024xf32, #tpu.memory_space<hbm>> -> memref<1024xf32, #tpu.memory_space<hbm>>
        tpu.enqueue_dma source(%arg26 : memref<1024xf32, #tpu.memory_space<vmem>>) target(%dma_start3A_288 : memref<1024xf32, #tpu.memory_space<hbm>>) target_semaphore(%run_scoped3A : memref<!tpu.dma_semaphore, #tpu.memory_space<semaphore_mem>>)
        %dma_wait3A_289 = arith.constant 1024 : i32
        %dma_wait3A_290 = tpu.memref_slice %arg11[%add3A, %dma_wait3A_289] : memref<16x2048xf32, #tpu.memory_space<hbm>> -> memref<1x1024xf32, #tpu.memory_space<hbm>>
        %dma_wait3A_291 = tpu.memref_squeeze %dma_wait3A_290 : memref<1x1024xf32, #tpu.memory_space<hbm>> -> memref<1024xf32, #tpu.memory_space<hbm>>
        %dma_wait3A_292 = arith.constant 1024 : i32
        %dma_wait3A_293 = tpu.memref_slice %arg11[%add3A, %dma_wait3A_292] : memref<16x2048xf32, #tpu.memory_space<hbm>> -> memref<1x1024xf32, #tpu.memory_space<hbm>>
        %dma_wait3A_294 = tpu.memref_squeeze %dma_wait3A_293 : memref<1x1024xf32, #tpu.memory_space<hbm>> -> memref<1024xf32, #tpu.memory_space<hbm>>
        tpu.wait_dma2 semaphore(%run_scoped3A : memref<!tpu.dma_semaphore, #tpu.memory_space<semaphore_mem>>) src(%arg26 : memref<1024xf32, #tpu.memory_space<vmem>>) dst(%dma_wait3A_294 : memref<1024xf32, #tpu.memory_space<hbm>>)
        tpu.yield
      }) : () -> ()
    } else {
    }
    return
  }
}

module attributes {stable_mosaic.version = 14 : i64} {
  func.func @_score_body(%arg0: memref<16x1x128x128xf32, #tpu.memory_space<vmem>>, %arg1: memref<16x1x64x64xf32, #tpu.memory_space<vmem>>, %arg2: memref<16x1x32x32xf32, #tpu.memory_space<vmem>>, %arg3: memref<16x1x16x16xf32, #tpu.memory_space<vmem>>, %arg4: memref<16x1x128x128xf32, #tpu.memory_space<vmem>>, %arg5: memref<16x1x64x64xf32, #tpu.memory_space<vmem>>, %arg6: memref<16x1x32x32xf32, #tpu.memory_space<vmem>>, %arg7: memref<16x1x16x16xf32, #tpu.memory_space<vmem>>, %arg8: memref<16x2x128x128xf32, #tpu.memory_space<vmem>>, %arg9: memref<16x2x64x64xf32, #tpu.memory_space<vmem>>, %arg10: memref<16x2x32x32xf32, #tpu.memory_space<vmem>>, %arg11: memref<16x2x16x16xf32, #tpu.memory_space<vmem>>, %arg12: memref<16x2x128x128xf32, #tpu.memory_space<vmem>>, %arg13: memref<16x2x64x64xf32, #tpu.memory_space<vmem>>, %arg14: memref<16x2x32x32xf32, #tpu.memory_space<vmem>>, %arg15: memref<16x2x16x16xf32, #tpu.memory_space<vmem>>, %arg16: memref<16x21760xf32, #tpu.memory_space<vmem>>, %arg17: memref<16x21760xf32, #tpu.memory_space<vmem>>, %arg18: memref<16x21760xf32, #tpu.memory_space<vmem>>, %arg19: memref<16x21760xf32, #tpu.memory_space<vmem>>, %arg20: memref<16x21760xf32, #tpu.memory_space<vmem>>) attributes {dimension_semantics = [], scalar_prefetch = 0 : i64, scratch_operands = 0 : i64, tpu.core_type = #tpu.core_type<tc>} {
    %get3A = arith.constant 0 : index
    %get3A_0 = arith.constant 0 : index
    %get3A_1 = arith.constant 0 : index
    %get3A_2 = arith.constant 0 : index
    %get3A_3 = vector.load %arg0[%get3A, %get3A_0, %get3A_1, %get3A_2] : memref<16x1x128x128xf32, #tpu.memory_space<vmem>>, vector<16x1x128x128xf32>
    %reshape3A = vector.shape_cast %get3A_3 : vector<16x1x128x128xf32> to vector<16x16384xf32>
    %get3A_4 = arith.constant 0 : index
    %get3A_5 = arith.constant 0 : index
    %get3A_6 = arith.constant 0 : index
    %get3A_7 = arith.constant 0 : index
    %get3A_8 = vector.load %arg4[%get3A_4, %get3A_5, %get3A_6, %get3A_7] : memref<16x1x128x128xf32, #tpu.memory_space<vmem>>, vector<16x1x128x128xf32>
    %reshape3A_9 = vector.shape_cast %get3A_8 : vector<16x1x128x128xf32> to vector<16x16384xf32>
    %mul3A = arith.mulf %reshape3A, %reshape3A_9 : vector<16x16384xf32>
    %sqrt3A = math.sqrt %mul3A : vector<16x16384xf32>
    %swap3A = arith.constant 0 : index
    %swap3A_10 = arith.constant 0 : index
    %swap3A_11 = vector.load %arg16[%swap3A, %swap3A_10] : memref<16x21760xf32, #tpu.memory_space<vmem>>, vector<16x16384xf32>
    tpu.vector_store %arg16[%swap3A, %swap3A_10], %sqrt3A {strides = array<i32>} : memref<16x21760xf32, #tpu.memory_space<vmem>>, vector<16x16384xf32>,
    %get3A_12 = arith.constant 0 : index
    %get3A_13 = arith.constant 0 : index
    %get3A_14 = arith.constant 0 : index
    %get3A_15 = arith.constant 0 : index
    %get3A_16 = vector.load %arg8[%get3A_12, %get3A_13, %get3A_14, %get3A_15] : memref<16x2x128x128xf32, #tpu.memory_space<vmem>>, vector<16x1x128x128xf32>
    %get3A_17 = vector.shape_cast %get3A_16 : vector<16x1x128x128xf32> to vector<16x128x128xf32>
    %reshape3A_18 = vector.shape_cast %get3A_17 : vector<16x128x128xf32> to vector<16x16384xf32>
    %swap3A_19 = arith.constant 0 : index
    %swap3A_20 = arith.constant 0 : index
    %swap3A_21 = vector.load %arg17[%swap3A_19, %swap3A_20] : memref<16x21760xf32, #tpu.memory_space<vmem>>, vector<16x16384xf32>
    tpu.vector_store %arg17[%swap3A_19, %swap3A_20], %reshape3A_18 {strides = array<i32>} : memref<16x21760xf32, #tpu.memory_space<vmem>>, vector<16x16384xf32>,
    %get3A_22 = arith.constant 0 : index
    %get3A_23 = arith.constant 1 : index
    %get3A_24 = arith.constant 0 : index
    %get3A_25 = arith.constant 0 : index
    %get3A_26 = vector.load %arg8[%get3A_22, %get3A_23, %get3A_24, %get3A_25] : memref<16x2x128x128xf32, #tpu.memory_space<vmem>>, vector<16x1x128x128xf32>
    %get3A_27 = vector.shape_cast %get3A_26 : vector<16x1x128x128xf32> to vector<16x128x128xf32>
    %reshape3A_28 = vector.shape_cast %get3A_27 : vector<16x128x128xf32> to vector<16x16384xf32>
    %swap3A_29 = arith.constant 0 : index
    %swap3A_30 = arith.constant 0 : index
    %swap3A_31 = vector.load %arg18[%swap3A_29, %swap3A_30] : memref<16x21760xf32, #tpu.memory_space<vmem>>, vector<16x16384xf32>
    tpu.vector_store %arg18[%swap3A_29, %swap3A_30], %reshape3A_28 {strides = array<i32>} : memref<16x21760xf32, #tpu.memory_space<vmem>>, vector<16x16384xf32>,
    %get3A_32 = arith.constant 0 : index
    %get3A_33 = arith.constant 0 : index
    %get3A_34 = arith.constant 0 : index
    %get3A_35 = arith.constant 0 : index
    %get3A_36 = vector.load %arg12[%get3A_32, %get3A_33, %get3A_34, %get3A_35] : memref<16x2x128x128xf32, #tpu.memory_space<vmem>>, vector<16x1x128x128xf32>
    %get3A_37 = vector.shape_cast %get3A_36 : vector<16x1x128x128xf32> to vector<16x128x128xf32>
    %reshape3A_38 = vector.shape_cast %get3A_37 : vector<16x128x128xf32> to vector<16x16384xf32>
    %swap3A_39 = arith.constant 0 : index
    %swap3A_40 = arith.constant 0 : index
    %swap3A_41 = vector.load %arg19[%swap3A_39, %swap3A_40] : memref<16x21760xf32, #tpu.memory_space<vmem>>, vector<16x16384xf32>
    tpu.vector_store %arg19[%swap3A_39, %swap3A_40], %reshape3A_38 {strides = array<i32>} : memref<16x21760xf32, #tpu.memory_space<vmem>>, vector<16x16384xf32>,
    %get3A_42 = arith.constant 0 : index
    %get3A_43 = arith.constant 1 : index
    %get3A_44 = arith.constant 0 : index
    %get3A_45 = arith.constant 0 : index
    %get3A_46 = vector.load %arg12[%get3A_42, %get3A_43, %get3A_44, %get3A_45] : memref<16x2x128x128xf32, #tpu.memory_space<vmem>>, vector<16x1x128x128xf32>
    %get3A_47 = vector.shape_cast %get3A_46 : vector<16x1x128x128xf32> to vector<16x128x128xf32>
    %reshape3A_48 = vector.shape_cast %get3A_47 : vector<16x128x128xf32> to vector<16x16384xf32>
    %swap3A_49 = arith.constant 0 : index
    %swap3A_50 = arith.constant 0 : index
    %swap3A_51 = vector.load %arg20[%swap3A_49, %swap3A_50] : memref<16x21760xf32, #tpu.memory_space<vmem>>, vector<16x16384xf32>
    tpu.vector_store %arg20[%swap3A_49, %swap3A_50], %reshape3A_48 {strides = array<i32>} : memref<16x21760xf32, #tpu.memory_space<vmem>>, vector<16x16384xf32>,
    %get3A_52 = arith.constant 0 : index
    %get3A_53 = arith.constant 0 : index
    %get3A_54 = arith.constant 0 : index
    %get3A_55 = arith.constant 0 : index
    %get3A_56 = vector.load %arg1[%get3A_52, %get3A_53, %get3A_54, %get3A_55] : memref<16x1x64x64xf32, #tpu.memory_space<vmem>>, vector<16x1x64x64xf32>
    %reshape3A_57 = vector.shape_cast %get3A_56 : vector<16x1x64x64xf32> to vector<16x4096xf32>
    %get3A_58 = arith.constant 0 : index
    %get3A_59 = arith.constant 0 : index
    %get3A_60 = arith.constant 0 : index
    %get3A_61 = arith.constant 0 : index
    %get3A_62 = vector.load %arg5[%get3A_58, %get3A_59, %get3A_60, %get3A_61] : memref<16x1x64x64xf32, #tpu.memory_space<vmem>>, vector<16x1x64x64xf32>
    %reshape3A_63 = vector.shape_cast %get3A_62 : vector<16x1x64x64xf32> to vector<16x4096xf32>
    %mul3A_64 = arith.mulf %reshape3A_57, %reshape3A_63 : vector<16x4096xf32>
    %sqrt3A_65 = math.sqrt %mul3A_64 : vector<16x4096xf32>
    %swap3A_66 = arith.constant 0 : index
    %swap3A_67 = arith.constant 16384 : index
    %swap3A_68 = vector.load %arg16[%swap3A_66, %swap3A_67] : memref<16x21760xf32, #tpu.memory_space<vmem>>, vector<16x4096xf32>
    tpu.vector_store %arg16[%swap3A_66, %swap3A_67], %sqrt3A_65 {strides = array<i32>} : memref<16x21760xf32, #tpu.memory_space<vmem>>, vector<16x4096xf32>,
    %get3A_69 = arith.constant 0 : index
    %get3A_70 = arith.constant 0 : index
    %get3A_71 = arith.constant 0 : index
    %get3A_72 = arith.constant 0 : index
    %get3A_73 = vector.load %arg9[%get3A_69, %get3A_70, %get3A_71, %get3A_72] : memref<16x2x64x64xf32, #tpu.memory_space<vmem>>, vector<16x1x64x64xf32>
    %get3A_74 = vector.shape_cast %get3A_73 : vector<16x1x64x64xf32> to vector<16x64x64xf32>
    %reshape3A_75 = vector.shape_cast %get3A_74 : vector<16x64x64xf32> to vector<16x4096xf32>
    %swap3A_76 = arith.constant 0 : index
    %swap3A_77 = arith.constant 16384 : index
    %swap3A_78 = vector.load %arg17[%swap3A_76, %swap3A_77] : memref<16x21760xf32, #tpu.memory_space<vmem>>, vector<16x4096xf32>
    tpu.vector_store %arg17[%swap3A_76, %swap3A_77], %reshape3A_75 {strides = array<i32>} : memref<16x21760xf32, #tpu.memory_space<vmem>>, vector<16x4096xf32>,
    %get3A_79 = arith.constant 0 : index
    %get3A_80 = arith.constant 1 : index
    %get3A_81 = arith.constant 0 : index
    %get3A_82 = arith.constant 0 : index
    %get3A_83 = vector.load %arg9[%get3A_79, %get3A_80, %get3A_81, %get3A_82] : memref<16x2x64x64xf32, #tpu.memory_space<vmem>>, vector<16x1x64x64xf32>
    %get3A_84 = vector.shape_cast %get3A_83 : vector<16x1x64x64xf32> to vector<16x64x64xf32>
    %reshape3A_85 = vector.shape_cast %get3A_84 : vector<16x64x64xf32> to vector<16x4096xf32>
    %swap3A_86 = arith.constant 0 : index
    %swap3A_87 = arith.constant 16384 : index
    %swap3A_88 = vector.load %arg18[%swap3A_86, %swap3A_87] : memref<16x21760xf32, #tpu.memory_space<vmem>>, vector<16x4096xf32>
    tpu.vector_store %arg18[%swap3A_86, %swap3A_87], %reshape3A_85 {strides = array<i32>} : memref<16x21760xf32, #tpu.memory_space<vmem>>, vector<16x4096xf32>,
    %get3A_89 = arith.constant 0 : index
    %get3A_90 = arith.constant 0 : index
    %get3A_91 = arith.constant 0 : index
    %get3A_92 = arith.constant 0 : index
    %get3A_93 = vector.load %arg13[%get3A_89, %get3A_90, %get3A_91, %get3A_92] : memref<16x2x64x64xf32, #tpu.memory_space<vmem>>, vector<16x1x64x64xf32>
    %get3A_94 = vector.shape_cast %get3A_93 : vector<16x1x64x64xf32> to vector<16x64x64xf32>
    %reshape3A_95 = vector.shape_cast %get3A_94 : vector<16x64x64xf32> to vector<16x4096xf32>
    %swap3A_96 = arith.constant 0 : index
    %swap3A_97 = arith.constant 16384 : index
    %swap3A_98 = vector.load %arg19[%swap3A_96, %swap3A_97] : memref<16x21760xf32, #tpu.memory_space<vmem>>, vector<16x4096xf32>
    tpu.vector_store %arg19[%swap3A_96, %swap3A_97], %reshape3A_95 {strides = array<i32>} : memref<16x21760xf32, #tpu.memory_space<vmem>>, vector<16x4096xf32>,
    %get3A_99 = arith.constant 0 : index
    %get3A_100 = arith.constant 1 : index
    %get3A_101 = arith.constant 0 : index
    %get3A_102 = arith.constant 0 : index
    %get3A_103 = vector.load %arg13[%get3A_99, %get3A_100, %get3A_101, %get3A_102] : memref<16x2x64x64xf32, #tpu.memory_space<vmem>>, vector<16x1x64x64xf32>
    %get3A_104 = vector.shape_cast %get3A_103 : vector<16x1x64x64xf32> to vector<16x64x64xf32>
    %reshape3A_105 = vector.shape_cast %get3A_104 : vector<16x64x64xf32> to vector<16x4096xf32>
    %swap3A_106 = arith.constant 0 : index
    %swap3A_107 = arith.constant 16384 : index
    %swap3A_108 = vector.load %arg20[%swap3A_106, %swap3A_107] : memref<16x21760xf32, #tpu.memory_space<vmem>>, vector<16x4096xf32>
    tpu.vector_store %arg20[%swap3A_106, %swap3A_107], %reshape3A_105 {strides = array<i32>} : memref<16x21760xf32, #tpu.memory_space<vmem>>, vector<16x4096xf32>,
    %get3A_109 = arith.constant 0 : index
    %get3A_110 = arith.constant 0 : index
    %get3A_111 = arith.constant 0 : index
    %get3A_112 = arith.constant 0 : index
    %get3A_113 = vector.load %arg2[%get3A_109, %get3A_110, %get3A_111, %get3A_112] : memref<16x1x32x32xf32, #tpu.memory_space<vmem>>, vector<16x1x32x32xf32>
    %reshape3A_114 = vector.shape_cast %get3A_113 : vector<16x1x32x32xf32> to vector<16x1024xf32>
    %get3A_115 = arith.constant 0 : index
    %get3A_116 = arith.constant 0 : index
    %get3A_117 = arith.constant 0 : index
    %get3A_118 = arith.constant 0 : index
    %get3A_119 = vector.load %arg6[%get3A_115, %get3A_116, %get3A_117, %get3A_118] : memref<16x1x32x32xf32, #tpu.memory_space<vmem>>, vector<16x1x32x32xf32>
    %reshape3A_120 = vector.shape_cast %get3A_119 : vector<16x1x32x32xf32> to vector<16x1024xf32>
    %mul3A_121 = arith.mulf %reshape3A_114, %reshape3A_120 : vector<16x1024xf32>
    %sqrt3A_122 = math.sqrt %mul3A_121 : vector<16x1024xf32>
    %swap3A_123 = arith.constant 0 : index
    %swap3A_124 = arith.constant 20480 : index
    %swap3A_125 = vector.load %arg16[%swap3A_123, %swap3A_124] : memref<16x21760xf32, #tpu.memory_space<vmem>>, vector<16x1024xf32>
    tpu.vector_store %arg16[%swap3A_123, %swap3A_124], %sqrt3A_122 {strides = array<i32>} : memref<16x21760xf32, #tpu.memory_space<vmem>>, vector<16x1024xf32>,
    %get3A_126 = arith.constant 0 : index
    %get3A_127 = arith.constant 0 : index
    %get3A_128 = arith.constant 0 : index
    %get3A_129 = arith.constant 0 : index
    %get3A_130 = vector.load %arg10[%get3A_126, %get3A_127, %get3A_128, %get3A_129] : memref<16x2x32x32xf32, #tpu.memory_space<vmem>>, vector<16x1x32x32xf32>
    %get3A_131 = vector.shape_cast %get3A_130 : vector<16x1x32x32xf32> to vector<16x32x32xf32>
    %reshape3A_132 = vector.shape_cast %get3A_131 : vector<16x32x32xf32> to vector<16x1024xf32>
    %swap3A_133 = arith.constant 0 : index
    %swap3A_134 = arith.constant 20480 : index
    %swap3A_135 = vector.load %arg17[%swap3A_133, %swap3A_134] : memref<16x21760xf32, #tpu.memory_space<vmem>>, vector<16x1024xf32>
    tpu.vector_store %arg17[%swap3A_133, %swap3A_134], %reshape3A_132 {strides = array<i32>} : memref<16x21760xf32, #tpu.memory_space<vmem>>, vector<16x1024xf32>,
    %get3A_136 = arith.constant 0 : index
    %get3A_137 = arith.constant 1 : index
    %get3A_138 = arith.constant 0 : index
    %get3A_139 = arith.constant 0 : index
    %get3A_140 = vector.load %arg10[%get3A_136, %get3A_137, %get3A_138, %get3A_139] : memref<16x2x32x32xf32, #tpu.memory_space<vmem>>, vector<16x1x32x32xf32>
    %get3A_141 = vector.shape_cast %get3A_140 : vector<16x1x32x32xf32> to vector<16x32x32xf32>
    %reshape3A_142 = vector.shape_cast %get3A_141 : vector<16x32x32xf32> to vector<16x1024xf32>
    %swap3A_143 = arith.constant 0 : index
    %swap3A_144 = arith.constant 20480 : index
    %swap3A_145 = vector.load %arg18[%swap3A_143, %swap3A_144] : memref<16x21760xf32, #tpu.memory_space<vmem>>, vector<16x1024xf32>
    tpu.vector_store %arg18[%swap3A_143, %swap3A_144], %reshape3A_142 {strides = array<i32>} : memref<16x21760xf32, #tpu.memory_space<vmem>>, vector<16x1024xf32>,
    %get3A_146 = arith.constant 0 : index
    %get3A_147 = arith.constant 0 : index
    %get3A_148 = arith.constant 0 : index
    %get3A_149 = arith.constant 0 : index
    %get3A_150 = vector.load %arg14[%get3A_146, %get3A_147, %get3A_148, %get3A_149] : memref<16x2x32x32xf32, #tpu.memory_space<vmem>>, vector<16x1x32x32xf32>
    %get3A_151 = vector.shape_cast %get3A_150 : vector<16x1x32x32xf32> to vector<16x32x32xf32>
    %reshape3A_152 = vector.shape_cast %get3A_151 : vector<16x32x32xf32> to vector<16x1024xf32>
    %swap3A_153 = arith.constant 0 : index
    %swap3A_154 = arith.constant 20480 : index
    %swap3A_155 = vector.load %arg19[%swap3A_153, %swap3A_154] : memref<16x21760xf32, #tpu.memory_space<vmem>>, vector<16x1024xf32>
    tpu.vector_store %arg19[%swap3A_153, %swap3A_154], %reshape3A_152 {strides = array<i32>} : memref<16x21760xf32, #tpu.memory_space<vmem>>, vector<16x1024xf32>,
    %get3A_156 = arith.constant 0 : index
    %get3A_157 = arith.constant 1 : index
    %get3A_158 = arith.constant 0 : index
    %get3A_159 = arith.constant 0 : index
    %get3A_160 = vector.load %arg14[%get3A_156, %get3A_157, %get3A_158, %get3A_159] : memref<16x2x32x32xf32, #tpu.memory_space<vmem>>, vector<16x1x32x32xf32>
    %get3A_161 = vector.shape_cast %get3A_160 : vector<16x1x32x32xf32> to vector<16x32x32xf32>
    %reshape3A_162 = vector.shape_cast %get3A_161 : vector<16x32x32xf32> to vector<16x1024xf32>
    %swap3A_163 = arith.constant 0 : index
    %swap3A_164 = arith.constant 20480 : index
    %swap3A_165 = vector.load %arg20[%swap3A_163, %swap3A_164] : memref<16x21760xf32, #tpu.memory_space<vmem>>, vector<16x1024xf32>
    tpu.vector_store %arg20[%swap3A_163, %swap3A_164], %reshape3A_162 {strides = array<i32>} : memref<16x21760xf32, #tpu.memory_space<vmem>>, vector<16x1024xf32>,
    %get3A_166 = arith.constant 0 : index
    %get3A_167 = arith.constant 0 : index
    %get3A_168 = arith.constant 0 : index
    %get3A_169 = arith.constant 0 : index
    %get3A_170 = vector.load %arg3[%get3A_166, %get3A_167, %get3A_168, %get3A_169] : memref<16x1x16x16xf32, #tpu.memory_space<vmem>>, vector<16x1x16x16xf32>
    %reshape3A_171 = vector.shape_cast %get3A_170 : vector<16x1x16x16xf32> to vector<16x256xf32>
    %get3A_172 = arith.constant 0 : index
    %get3A_173 = arith.constant 0 : index
    %get3A_174 = arith.constant 0 : index
    %get3A_175 = arith.constant 0 : index
    %get3A_176 = vector.load %arg7[%get3A_172, %get3A_173, %get3A_174, %get3A_175] : memref<16x1x16x16xf32, #tpu.memory_space<vmem>>, vector<16x1x16x16xf32>
    %reshape3A_177 = vector.shape_cast %get3A_176 : vector<16x1x16x16xf32> to vector<16x256xf32>
    %mul3A_178 = arith.mulf %reshape3A_171, %reshape3A_177 : vector<16x256xf32>
    %sqrt3A_179 = math.sqrt %mul3A_178 : vector<16x256xf32>
    %swap3A_180 = arith.constant 0 : index
    %swap3A_181 = arith.constant 21504 : index
    %swap3A_182 = vector.load %arg16[%swap3A_180, %swap3A_181] : memref<16x21760xf32, #tpu.memory_space<vmem>>, vector<16x256xf32>
    tpu.vector_store %arg16[%swap3A_180, %swap3A_181], %sqrt3A_179 {strides = array<i32>} : memref<16x21760xf32, #tpu.memory_space<vmem>>, vector<16x256xf32>,
    %get3A_183 = arith.constant 0 : index
    %get3A_184 = arith.constant 0 : index
    %get3A_185 = arith.constant 0 : index
    %get3A_186 = arith.constant 0 : index
    %get3A_187 = vector.load %arg11[%get3A_183, %get3A_184, %get3A_185, %get3A_186] : memref<16x2x16x16xf32, #tpu.memory_space<vmem>>, vector<16x1x16x16xf32>
    %get3A_188 = vector.shape_cast %get3A_187 : vector<16x1x16x16xf32> to vector<16x16x16xf32>
    %reshape3A_189 = vector.shape_cast %get3A_188 : vector<16x16x16xf32> to vector<16x256xf32>
    %swap3A_190 = arith.constant 0 : index
    %swap3A_191 = arith.constant 21504 : index
    %swap3A_192 = vector.load %arg17[%swap3A_190, %swap3A_191] : memref<16x21760xf32, #tpu.memory_space<vmem>>, vector<16x256xf32>
    tpu.vector_store %arg17[%swap3A_190, %swap3A_191], %reshape3A_189 {strides = array<i32>} : memref<16x21760xf32, #tpu.memory_space<vmem>>, vector<16x256xf32>,
    %get3A_193 = arith.constant 0 : index
    %get3A_194 = arith.constant 1 : index
    %get3A_195 = arith.constant 0 : index
    %get3A_196 = arith.constant 0 : index
    %get3A_197 = vector.load %arg11[%get3A_193, %get3A_194, %get3A_195, %get3A_196] : memref<16x2x16x16xf32, #tpu.memory_space<vmem>>, vector<16x1x16x16xf32>
    %get3A_198 = vector.shape_cast %get3A_197 : vector<16x1x16x16xf32> to vector<16x16x16xf32>
    %reshape3A_199 = vector.shape_cast %get3A_198 : vector<16x16x16xf32> to vector<16x256xf32>
    %swap3A_200 = arith.constant 0 : index
    %swap3A_201 = arith.constant 21504 : index
    %swap3A_202 = vector.load %arg18[%swap3A_200, %swap3A_201] : memref<16x21760xf32, #tpu.memory_space<vmem>>, vector<16x256xf32>
    tpu.vector_store %arg18[%swap3A_200, %swap3A_201], %reshape3A_199 {strides = array<i32>} : memref<16x21760xf32, #tpu.memory_space<vmem>>, vector<16x256xf32>,
    %get3A_203 = arith.constant 0 : index
    %get3A_204 = arith.constant 0 : index
    %get3A_205 = arith.constant 0 : index
    %get3A_206 = arith.constant 0 : index
    %get3A_207 = vector.load %arg15[%get3A_203, %get3A_204, %get3A_205, %get3A_206] : memref<16x2x16x16xf32, #tpu.memory_space<vmem>>, vector<16x1x16x16xf32>
    %get3A_208 = vector.shape_cast %get3A_207 : vector<16x1x16x16xf32> to vector<16x16x16xf32>
    %reshape3A_209 = vector.shape_cast %get3A_208 : vector<16x16x16xf32> to vector<16x256xf32>
    %swap3A_210 = arith.constant 0 : index
    %swap3A_211 = arith.constant 21504 : index
    %swap3A_212 = vector.load %arg19[%swap3A_210, %swap3A_211] : memref<16x21760xf32, #tpu.memory_space<vmem>>, vector<16x256xf32>
    tpu.vector_store %arg19[%swap3A_210, %swap3A_211], %reshape3A_209 {strides = array<i32>} : memref<16x21760xf32, #tpu.memory_space<vmem>>, vector<16x256xf32>,
    %get3A_213 = arith.constant 0 : index
    %get3A_214 = arith.constant 1 : index
    %get3A_215 = arith.constant 0 : index
    %get3A_216 = arith.constant 0 : index
    %get3A_217 = vector.load %arg15[%get3A_213, %get3A_214, %get3A_215, %get3A_216] : memref<16x2x16x16xf32, #tpu.memory_space<vmem>>, vector<16x1x16x16xf32>
    %get3A_218 = vector.shape_cast %get3A_217 : vector<16x1x16x16xf32> to vector<16x16x16xf32>
    %reshape3A_219 = vector.shape_cast %get3A_218 : vector<16x16x16xf32> to vector<16x256xf32>
    %swap3A_220 = arith.constant 0 : index
    %swap3A_221 = arith.constant 21504 : index
    %swap3A_222 = vector.load %arg20[%swap3A_220, %swap3A_221] : memref<16x21760xf32, #tpu.memory_space<vmem>>, vector<16x256xf32>
    tpu.vector_store %arg20[%swap3A_220, %swap3A_221], %reshape3A_219 {strides = array<i32>} : memref<16x21760xf32, #tpu.memory_space<vmem>>, vector<16x256xf32>,
    return
  }
}

</mosaic_0001>

<sc_bundles>
// kernel: kernel.4.cloned.1.call-start
scs
__scs_entry_jumppad:
0x0: {  	(pc) =	sbr.rel $0x88, $3  }
0x1: {  	(tag) =	ssettag $0x0;
	lr =	simm.s32 $0x1  }
0x2: {  	[smem:$0x3F91] =	sst lr;
	_ =	strace $0xD0000000  }
0x3: {  	_ = 	snop  }
0x4: {  	_ = 	snop  }
0x5: {  	_ = 	snop  }
0x6: {  	_ = 	snop  }
0x7: {  	_ = 	snop  }
__scs_overlays_trampoline_lowered:
0x8: {  	[smem:$0x3FA0] =	sst s0  }
0x9: {  	[smem:$0x3FA1] =	sst s1  }
0xa: {  	[smem:$0x3FA2] =	sst s2  }
0xb: {  	[smem:$0x3FA3] =	sst s3  }
0xc: {  	[smem:$0x3FA4] =	sst s4  }
0xd: {  	[smem:$0x3FA5] =	sst s5  }
0xe: {  	[smem:$0x3FA6] =	sst s6  }
0xf: {  	[smem:$0x3FA7] =	sst s7  }
0x10: {  	[smem:$0x3FA8] =	sst s8  }
0x11: {  	[smem:$0x3FA9] =	sst s9;
	s0 =	simm.s32 @!p0 $0x0  }
0x12: {  	s1 =	sld [smem:$0x3F8F];
	s0 =	simm.s32 @p0 $0x1  }
0x13: {  	[smem:$0x3FAA] =	sst s0;
	s0 =	simm.s32 @!p1 $0x0  }
0x14: {  	s2 =	sld [smem:$0x3F8E];
	s0 =	simm.s32 @p1 $0x1  }
0x15: {  	[smem:$0x3FAB] =	sst s0;
	s0 =	simm.s32 @!p2 $0x0  }
0x16: {  	s3 =	sld [smem:$0x3FDB];
	s0 =	simm.s32 @p2 $0x1  }
0x17: {  	s4 =	simm.s32 $0x1BF5;
	[smem:$0x3FAD] =	sst s0  }
0x18: {  	s0 =	sld [smem:$0x3F90];
	_ =	swait.ge [sflag:s4], $0x0  }
0x19: {  	s7 =	sld [smem:$0x3F91]  }
0x1a: {  	s8 =	sadd.s32 $0xFFFFE003, lr  }
0x1b: {  	s9 =	sadd.s32 $0xFFFFFEF7, lr;
	s5 =	simm.s32 $0xFFFFFFFF;
	p2 =	slt.u32 s8, $0xFFFFF086  }
0x1c: {  	p1 =	slt.u32 s9, $0xF7A;
	s5 =	simm.s32 @!p2 $0x0  }
0x1d: {  	s5 =	simm.s32 @p1 $0x1;
	p0 =	seq.s32 s7, s2  }
0x1e: {  	s7 =	smul.u32 @!p0 $0xF7A, s2;
	p2 =	seq.s32 @!p0 s5, $0x0  }
0x1f: {  	s9 =	smul.u32 $0xF7A, s1;
	s8 =	simm.s32 @!p0 $0x1BF5;
	p2 =	por !p2, p0  }
0x20: {  	[sflag:s8] =	ssyncset.s32 @!p0 $0xFFFFF086;
	s6 =	sadd.s32 @!p0 s3, s7;
	s7 =	simm.s32 @!p0 $0x108  }
0x21: {  	s3 =	sadd.s32 s3, s9;
	s6 =	sadd.s32 @!p0 $0x88, s6;
	s7 =	simm.s32 @p2 $0x1082  }
0x22: {  	[simem:s7], [sflag:s8] =	dma.local @!p0 [hbm:s6], $0xF7A  }
0x23: {  	s9 =	sor.u32 $0xD0000000, s2;
	s6 =	simm.s32 $0x108;
	_ =	swait.ge @!p0 [sflag:s8], $0x0  }
0x24: {  	s3 =	sadd.s32 $0x88, s3;
	s6 =	simm.s32 @!p1 $0x1082;
	[sflag:s4] =	ssyncset.s32 $0xFFFFF086  }
0x25: {  	[simem:s6], [sflag:s4] =	dma.local [hbm:s3], $0xF7A  }
0x26: {  	[smem:$0x3F91] =	sst s1;
	(tag) =	ssettag s2;
	_ =	strace s9  }
0x27: {  	s1 =	sld [smem:$0x3FA1]  }
0x28: {  	s2 =	sld [smem:$0x3FA2]  }
0x29: {  	s4 =	sld [smem:$0x3FA4]  }
0x2a: {  	p0 =	seq.s32 s5, $0x0;
	s5 =	sld [smem:$0x3FA5]  }
0x2b: {  	s6 =	sld [smem:$0x3FA6]  }
0x2c: {  	s7 =	sld [smem:$0x3FA7]  }
0x2d: {  	s3 =	simm.s32 $0x108;
	s8 =	sld [smem:$0x3FA8]  }
0x2e: {  	s3 =	simm.s32 @!p0 $0x1082;
	s9 =	sld [smem:$0x3FA9]  }
0x2f: {  	lr =	sadd.s32 s0, s3;
	s0 =	sld [smem:$0x3FA0]  }
0x30: {  	s3 =	sld [smem:$0x3FA3]  }
0x31: {  	[smem:$0x3FAC] =	sst s10  }
0x32: {  	s10 =	sld [smem:$0x3FAA];
	_ =	sdelay $0x3  }
0x33: {  	p0 =	seq.s32 s10, $0x1;
	s10 =	sld [smem:$0x3FAC];
	_ =	sdelay $0x3  }
0x34: {  	[smem:$0x3FAC] =	sst s10  }
0x35: {  	s10 =	sld [smem:$0x3FAB];
	_ =	sdelay $0x3  }
0x36: {  	p1 =	seq.s32 s10, $0x1;
	s10 =	sld [smem:$0x3FAC];
	_ =	sdelay $0x3  }
0x37: {  	[smem:$0x3FAC] =	sst s10  }
0x38: {  	s10 =	sld [smem:$0x3FAD]  }
0x39: {  	_ = 	snop;
	(pc) =	sbr.ind lr, $3  }
0x3a: {  	_ = 	snop  }
0x3b: {  	_ = 	snop  }
0x3c: {  	p2 =	seq.s32 s10, $0x1;
	s10 =	sld [smem:$0x3FAC]  }
0x3d: {  	_ =	shalt  }
0x3e: {  	_ =	shalt  }
0x3f: {  	_ =	shalt  }
0x40: {  	_ =	shalt  }
0x41: {  	_ =	shalt  }
0x42: {  	_ =	shalt  }
0x43: {  	_ =	shalt  }
0x44: {  	_ =	shalt  }
0x45: {  	_ =	shalt  }
0x46: {  	_ =	shalt  }
0x47: {  	_ =	shalt  }
0x48: {  	_ =	shalt  }
0x49: {  	_ =	shalt  }
0x4a: {  	_ =	shalt  }
0x4b: {  	_ =	shalt  }
0x4c: {  	_ =	shalt  }
0x4d: {  	_ =	shalt  }
0x4e: {  	_ =	shalt  }
0x4f: {  	_ =	shalt  }
0x50: {  	_ =	shalt  }
0x51: {  	_ =	shalt  }
0x52: {  	_ =	shalt  }
0x53: {  	_ =	shalt  }
0x54: {  	_ =	shalt  }
0x55: {  	_ =	shalt  }
0x56: {  	_ =	shalt  }
0x57: {  	_ =	shalt  }
0x58: {  	_ =	shalt  }
0x59: {  	_ =	shalt  }
0x5a: {  	_ =	shalt  }
0x5b: {  	_ =	shalt  }
0x5c: {  	_ =	shalt  }
0x5d: {  	_ =	shalt  }
0x5e: {  	_ =	shalt  }
0x5f: {  	_ =	shalt  }
0x60: {  	_ =	shalt  }
0x61: {  	_ =	shalt  }
0x62: {  	_ =	shalt  }
0x63: {  	_ =	shalt  }
0x64: {  	_ =	shalt  }
0x65: {  	_ =	shalt  }
0x66: {  	_ =	shalt  }
0x67: {  	_ =	shalt  }
0x68: {  	_ =	shalt  }
0x69: {  	_ =	shalt  }
0x6a: {  	_ =	shalt  }
0x6b: {  	_ =	shalt  }
0x6c: {  	_ =	shalt  }
0x6d: {  	_ =	shalt  }
0x6e: {  	_ =	shalt  }
0x6f: {  	_ =	shalt  }
0x70: {  	_ =	shalt  }
0x71: {  	_ =	shalt  }
0x72: {  	_ =	shalt  }
0x73: {  	_ =	shalt  }
0x74: {  	_ =	shalt  }
0x75: {  	_ =	shalt  }
0x76: {  	_ =	shalt  }
0x77: {  	_ =	shalt  }
0x78: {  	_ =	shalt  }
0x79: {  	_ =	shalt  }
0x7a: {  	_ =	shalt  }
0x7b: {  	_ =	shalt  }
0x7c: {  	_ =	shalt  }
0x7d: {  	_ =	shalt  }
0x7e: {  	_ =	shalt  }
0x7f: {  	_ =	shalt  }
0x80: {  	_ =	shalt  }
0x81: {  	_ =	shalt  }
0x82: {  	_ =	shalt  }
0x83: {  	_ =	shalt  }
0x84: {  	_ =	shalt  }
0x85: {  	_ =	shalt  }
0x86: {  	_ =	shalt  }
0x87: {  	_ =	shalt  }
.Lfunc_end0:
.L_simem_size_0:
called_computation_lowered:
.L_overlay_start_0:
0x88: {  	s2 =	sld [smem:$0x3FD9]  }
0x89: {  	s3 =	sld [smem:$0x3FFE];
	_ =	sdelay $0x1  }
0x8a: {  	s1 =	srdreg.scid  }
0x8b: {  	s0 =	sand.u32 $0x1, s1  }
0x8c: {  	s17 =	sshll.u32 s0, $0xA;
	s2 =	sadd.s32 s3, s2  }
0x8d: {  	s2 =	sadd.s32 s2, s17  }
0x8e: {  	[smem:$0x3FB8] =	sst s2  }
0x8f: {  	_ = 	snop  }
0x90: {  	s2 =	sld [smem:$0x3FD0];
	(tm) =	ssettm $0x1  }
0x91: {  	s18 =	sld [smem:$0x3FFB];
	_ =	sdelay $0x3  }
0x92: {  	_ =	strace s18  }
0x93: {  	s3 =	sld [smem:$0x3FFC];
	_ =	sdelay $0x3  }
0x94: {  	_ =	strace s3  }
0x95: {  	s3 =	sld [smem:$0x3FFD];
	_ =	sdelay $0x3  }
0x96: {  	_ =	strace s3  }
0x97: {  	_ =	strace $0x8FFFFFFF  }
0x98: {  	s19 =	sld [smem:$0x3FDB];
	_ =	sdelay $0x1  }
0x99: {  	s4 =	simm.s32 $_scs_section_size  }
0x9a: {  	s5 =	simm.s32 $_size__tile_overlayer_lowered;
	s6 =	simm.s32 $_tile_overlayer_lowered  }
0x9b: {  	s22 =	simm.s32 $0x1BFF;
	s21 =	sshll.u32 s6, $0x1;
	s3 =	sadd.s32 s4, s19  }
0x9c: {  	s7 =	simm.s32 $0x0;
	s20 =	sshll.u32 s5, $0x1;
	s5 =	sadd.s32 s21, s3  }
0x9d: {  	[timem:s7], [sflag:s22] =	dma.local [hbm:s5], s20  }
0x9e: {  	_ =	swait.ge [sflag:s22], s20  }
0x9f: {  	s4 =	ssub.s32 $0x0, s20;
	[sflag:s22] =	ssyncset.done $0x0  }
0xa0: {  	[sflag:s22] =	ssyncadd.s32 s4;
	_ =	sdelay $0x1  }
0xa1: {  	s23 =	simm.s32 $0x1B8B  }
0xa2: {  	_ =	swait.ge [sflag:s23], $0x1  }
0xa3: {  	[sflag:s23] =	ssyncset.done $0x0  }
0xa4: {  	s25 =	simm.s32 $0x1B8E;
	s24 =	sld [smem:$0x3FFE];
	[sflag:s23] =	ssyncadd.s32 $0xFFFFFFFF  }
0xa5: {  	s26 =	simm.s32 $execute0_lowered;
	[smem:$0x3FD2] =	sst s25  }
0xa6: {  	s5 =	sshll.u32 s26, $0x1;
	_ =	strace $0x80000046;
	[dreg:$0x1] =	wrdreg $0xFFFFFFFF  }
0xa7: {  	s28 =	simm.s32 $_size_execute0_lowered;
	s3 =	sadd.s32 s3, s5;
	[dreg:$0x0] =	wrdreg $0x0  }
0xa8: {  	s5 =	sshll.u32 s28, $0x1;
	[dreg:$0x2] =	wrdreg s3  }
0xa9: {  	[dreg:$0x3] =	wrdreg s5  }
0xaa: {  	[dreg:$0x4] =	wrdreg $0xC0  }
0xab: {  	_ =	task [dreg:s7], $0x5FFFF  }
0xac: {  	[dreg:$0x1] =	wrdreg $0xFFFFFFFF  }
0xad: {  	[dreg:$0x0] =	wrdreg $0x60  }
0xae: {  	[dreg:$0x2] =	wrdreg s24  }
0xaf: {  	[dreg:$0x3] =	wrdreg s2  }
0xb0: {  	[dreg:$0x4] =	wrdreg $0xED000  }
0xb1: {  	[dreg:$0x5] =	wrdreg $0xC5000  }
0xb2: {  	[dreg:$0x6] =	wrdreg $0xD5000  }
0xb3: {  	[dreg:$0x7] =	wrdreg $0xE1000  }
0xb4: {  	[dreg:$0x8] =	wrdreg $0x9  }
0xb5: {  	_ =	task.clear_ibuf [dreg:s7], $0x9FFFF;
	_ =	strace $0x90000046  }
0xb6: {  	s29 =	simm.s32 $0x9;
	_ =	strace $0x80000048  }
0xb7: {  	_ =	swait.ge [sflag:s29], $0x1  }
0xb8: {  	[sflag:s29] =	ssyncadd.s32 $0xFFFFFFFF  }
0xb9: {  	_ =	strace $0x90000048  }
0xba: {  	_ =	sfence  }
0xbb: {  	s30 =	sld [smem:$0x0];
	_ =	sdelay $0x2  }
0xbc: {  	s31 =	sshll.u32 s1, $0xD;
	s1 =	sshrl.u32 s1, $0x2  }
0xbd: {  	s3 =	sand.u32 $0x4000, s31;
	s1 =	sadd.s32 s1, s30  }
0xbe: {  	s0 =	sor.u32 s3, s0;
	s1 =	sshll.u32 s1, $0x11  }
0xbf: {  	s0 =	sor.u32 s1, s0  }
0xc0: {  	s0 =	sadd.s32 $0x8F2B, s0  }
0xc1: {  	[sflag:s0] =	ssyncadd.remote.s32 $0x1  }
0xc2: {  	_ =	sfence.sel $0xFFFF  }
0xc3: {  	[dreg:$0x0] =	wrdreg $0xFFFFFFFF;
	(pc) =	sbr.abs _section_cstart, $3  }
0xc4: {  	[dreg:$0x1] =	wrdreg $0xFFFFFFFF  }
0xc5: {  	_ =	task.clear_ibuf [dreg:s7], $0x2FFFF;
	_ =	strace $0x9FFFFFFF  }
0xc6: {  	(tm) =	ssettm $0x7FFFFFFF  }
0xc7: {  	_ =	shalt  }
tec
execute0_lowered:
.L_overlay_start_1:
0x0: {  	(tag) =	ssettag $0x1  }
0x1: {  	s1 =	rddreg [dreg:$0x0]  }
0x2: {  	s2 =	rddreg [dreg:$0x1]  }
0x3: {  	s5 =	rddreg [dreg:$0x2]  }
0x4: {  	s0 =	srdreg.scid;
	s6 =	rddreg [dreg:$0x3]  }
0x5: {  	s15 =	stileid.u32;
	s8 =	rddreg [dreg:$0x4]  }
0x6: {  	s11 =	rddreg [dreg:$0x5];
	s10 =	simm.s32 $0x0;
	s28 =	simm.s32 $0x2  }
0x7: {  	s29 =	simm.s32 $0x2A80;
	s30 =	simm.s32 $0x3A80;
	s31 =	simm.s32 $0x4B00  }
0x8: {  	s0 =	sand.u32 $0x1, s0;
	s4 =	sshrl.u32 s15, $0x1;
	s9 =	sshll.u32 s15, $0x7  }
0x9: {  	[smem:$0x7FF] =	sst s10;
	s13 =	sand.u32 $0x1, s15;
	s14 =	sadd.s32 $0xD600, s1  }
0xa: {  	s25 =	sadd.s32 $0x18000, s1;
	s26 =	sadd.s32 $0x22A00, s1;
	s17 =	sshrl.u32 s15, $0x3  }
0xb: {  	s15 =	sxor.u32 $0x1, s15;
	_ =	strace $0x80000047;
	[dreg:$0x7] =	wrdreg s14  }
0xc: {  	s3 =	sshll.u32 s0, $0x3;
	s12 =	sand.u32 $0x380, s9;
	[dreg:$0x8] =	wrdreg s25  }
0xd: {  	s23 =	sshll.u32 s0, $0xB;
	s24 =	sshll.u32 s13, $0xA;
	[dreg:$0x9] =	wrdreg s26  }
0xe: {  	s14 =	sadd.s32 $0x2D400, s1;
	s0 =	ssub.s32 $0x2, s0;
	s18 =	sshll.u32 s17, $0xF  }
0xf: {  	s15 =	sshll.u32 s15, $0x7;
	s10 =	smul.u32 $0x2A80, s13;
	p0 =	seq.s32 s13, $0x0  }
0x10: {  	s3 =	sor.u32 s4, s3;
	s4 =	sshll.u32 s4, $0x4;
	[dreg:$0xa] =	wrdreg s14  }
0x11: {  	s16 =	sshrl.u32 s0, $0x1;
	s6 =	sadd.s32 s18, s6;
	s14 =	smul.u32 $0x6000, s17  }
0x12: {  	s17 =	smul.u32 $0xC00, s13;
	s7 =	sshrl.u32 s3, $0x2;
	s4 =	sor.u32 s23, s4  }
0x13: {  	s0 =	ssub.s32 s0, s16;
	s16 =	sand.u32 $0x380, s15;
	s19 =	sadd.s32 s12, s6  }
0x14: {  	s23 =	sadd.s32 s9, s5;
	s5 =	sadd.s32 s15, s5;
	s3 =	smul.u32 $0x5500, s3  }
0x15: {  	s7 =	smul.u32 $0x15400, s7;
	s4 =	sor.u32 s24, s4;
	[dreg:$0xc] =	wrdreg s19  }
0x16: {  	s6 =	sadd.s32 s16, s6;
	s20 =	sor.u32 s12, s14;
	[dreg:$0x10] =	wrdreg s23  }
0x17: {  	s22 =	sor.u32 s14, s16;
	[dreg:$0x13] =	wrdreg s5;
	s5 =	simm.s32 $0x400  }
0x18: {  	s0 =	smax.u32 s0, $0x1;
	[dreg:$0xd] =	wrdreg s6;
	s21 =	sadd.s32 s20, s8  }
0x19: {  	s6 =	sadd.s32 s20, s11;
	s24 =	sadd.s32 s22, s8;
	[dreg:$0x14] =	wrdreg s0  }
0x1a: {  	s5 =	simm.s32 @!p0 $0x3D0;
	s25 =	sadd.s32 s2, s4;
	[dreg:$0xe] =	wrdreg s21  }
0x1b: {  	s0 =	simm.s32 $0x7B00;
	s2 =	simm.s32 $0x9300;
	[dreg:$0xf] =	wrdreg s6  }
0x1c: {  	v3 =	vmov s3;
	s3 =	simm.s32 $0xBD00;
	s7 =	sor.u32 s12, s7;
	[dreg:$0x11] =	wrdreg s24  }
0x1d: {  	s6 =	sadd.s32 s22, s11;
	[dreg:$0x15] =	wrdreg s25;
	s24 =	sxor.u32 $0xC00, s17  }
0x1e: {  	s25 =	simm.s32 $0x400;
	s12 =	simm.s32 $0x1;
	s7 =	sshrl.u32 s7, $0x3  }
0x1f: {  	[dreg:$0x12] =	wrdreg s6;
	s6 =	simm.s32 $0xAB00;
	s7 =	sadd.s32 s7, s1  }
0x20: {  	v0 =	vlaneseq.u32;
	s1 =	sadd.s32 s4, s1;
	s4 =	simm.s32 $0x0;
	s7 =	sadd.s32 $0x2C00, s7  }
0x21: {  	v4 =	vimm.s32 $0x0;
	v6 =	vimm.s32 $0x1;
	v1 =	vmul.u32 $0xFFFFFFFF, v0;
	s26 =	sadd.s32 $0x37E00, s1;
	s21 =	sadd.s32 $0x38E00, s1;
	s22 =	sadd.s32 $0x39E00, s1  }
0x22: {  	v7 =	vimm.s32 $0x5500;
	v8 =	vimm.s32 $0xFFFFAC00;
	v9 =	vimm.s32 $0x80;
	s23 =	sadd.s32 $0x3AE00, s1;
	s1 =	simm.s32 $0x6300;
	[dreg:$0xb] =	wrdreg s7  }
0x23: {  	v10 =	vimm.s32 $0x8;
	v5 =	vadd.s32 $0xF, v1;
	v2 =	vmov s5;
	[dreg:$0x16] =	wrdreg s26;
	s26 =	simm.s32 $0x80;
	s7 =	simm.s32 $0xAD00  }
.LBB2_1:
0x24: {  	s5 =	simm.s32 $0x0;
	s8 =	rddreg [dreg:$0xb]  }
0x25: {  	[tilespmem:s5], [sflag:$0x2] =	stream.strided.gather [hbm4b:s8+s26], $0x2A80, s25, s26, $0x38;
	[tilespmem:$0xED80] =	vst v63  }
0x26: {  	_ =	swait.ge [sflag:s28], $0x2A80  }
0x27: {  	[sflag:s28] =	ssyncset.done $0x0  }
0x28: {  	s5 =	simm.s32 $0x0;
	s8 =	simm.s32 $0x200;
	[sflag:s28] =	ssyncadd.s32 $0xFFFFD580  }
.LBB2_2:
0x29: {  	p1 =	sne.s32 s8, $0x3E00;
	[tilespmem:s5+$0x2AF0] =	vst v4  }
0x2a: {  	[tilespmem:s5+$0x2A80] =	vst v4  }
0x2b: {  	[tilespmem:s5+$0x2A90] =	vst v4  }
.Ltmp0:
0x2c: {  	[tilespmem:s5+$0x2AA0] =	vst v4;
	(pc) =	sbr.rel @p1 .LBB2_2-.Ltmp0, $4  }
0x2d: {  	[tilespmem:s5+$0x2AB0] =	vst v4  }
0x2e: {  	[tilespmem:s5+$0x2AC0] =	vst v4  }
0x2f: {  	[tilespmem:s5+$0x2AD0] =	vst v4  }
0x30: {  	[tilespmem:s5+$0x2AE0] =	vst v4;
	s5 =	sshra.s32 s8, $0x2;
	s8 =	sadd.s32 $0x200, s8  }
0x31: {  	[tilespmem:s5+$0x2AF0] =	vst v4  }
0x32: {  	[tilespmem:s5+$0x2A80] =	vst v4  }
0x33: {  	[tilespmem:s5+$0x2A90] =	vst v4  }
0x34: {  	[tilespmem:s5+$0x2AA0] =	vst v4  }
0x35: {  	[tilespmem:s5+$0x2AB0] =	vst v4  }
0x36: {  	[tilespmem:s5+$0x2AC0] =	vst v4  }
0x37: {  	[tilespmem:s5+$0x2AD0] =	vst v4  }
0x38: {  	[tilespmem:s5+$0x2AE0] =	vst v4;
	s5 =	simm.s32 $0x0  }
.LBB2_4:
0x39: {  	s8 =	sshra.s32 s5, $0x2  }
0x3a: {  	v11 =	vld [tilespmem:s8+$0x0];
	_ =	sdelay $0x4  }
0x3b: {  	v11 =	vshra.s32 v11, $0x12  }
0x3c: {  	(xrf1) =	vunique.msk.u32 $0xffff, v11;
	_ =	sdelay $0xd  }
0x3d: {  	_, v12, vm0 =	vpop (xrf1);
	_ =	sdelay $0x5  }
0x3e: {  	[tilespmem:v11+s29+$0x0] =	vst.idx.add.s32.msk vm0, v12  }
0x3f: {  	v11 =	vld [tilespmem:s8+$0x10];
	_ =	sdelay $0x4  }
0x40: {  	v11 =	vshra.s32 v11, $0x12  }
0x41: {  	(xrf1) =	vunique.msk.u32 $0xffff, v11;
	_ =	sdelay $0xd  }
0x42: {  	_, v12, vm0 =	vpop (xrf1);
	_ =	sdelay $0x5  }
0x43: {  	[tilespmem:v11+s29+$0x0] =	vst.idx.add.s32.msk vm0, v12  }
0x44: {  	v11 =	vld [tilespmem:s8+$0x20];
	_ =	sdelay $0x4  }
0x45: {  	v11 =	vshra.s32 v11, $0x12  }
0x46: {  	(xrf1) =	vunique.msk.u32 $0xffff, v11;
	_ =	sdelay $0xd  }
0x47: {  	_, v12, vm0 =	vpop (xrf1);
	_ =	sdelay $0x5  }
0x48: {  	[tilespmem:v11+s29+$0x0] =	vst.idx.add.s32.msk vm0, v12  }
0x49: {  	v11 =	vld [tilespmem:s8+$0x30];
	_ =	sdelay $0x4  }
0x4a: {  	v11 =	vshra.s32 v11, $0x12  }
0x4b: {  	(xrf1) =	vunique.msk.u32 $0xffff, v11;
	_ =	sdelay $0xd  }
0x4c: {  	_, v12, vm0 =	vpop (xrf1)  }
0x4d: {  	p1 =	sne.s32 s5, $0xA900  }
.Ltmp1:
0x4e: {  	_ = 	snop;
	(pc) =	sbr.rel @p1 .LBB2_4-.Ltmp1, $2  }
0x4f: {  	_ =	sdelay $0x2  }
0x50: {  	s5 =	sadd.s32 $0x100, s5;
	[tilespmem:v11+s29+$0x0] =	vst.idx.add.s32.msk vm0, v12  }
0x51: {  	s5 =	rddreg [dreg:$0xc]  }
0x52: {  	[spmem:s5] =	stream.strided.scatter [tilespmem:s29], [sflag:$0x2], $0x1000, s25, s26, $0x38;
	[tilespmem:$0xED80] =	vst v63  }
0x53: {  	_ =	swait.ge [sflag:s28], $0x1000  }
0x54: {  	[sflag:s28] =	ssyncset.done $0x0  }
0x55: {  	[sflag:s28] =	ssyncadd.s32 $0xFFFFF000  }
0x56: {  	[bflag:$0x0] =	sbarrier.arrive $0xFFFF  }
0x57: {  	s15 =	simm.s32 $0x0;
	s20 =	rddreg [dreg:$0xd]  }
0x58: {  	[tilespmem:s30], [sflag:$0x2] =	stream.strided.gather [spmem:s20], $0x1000, s25, s26, $0x38;
	[tilespmem:$0xED80] =	vst v63  }
0x59: {  	s8 =	simm.s32 $0xFFFFFFFF;
	s13 =	simm.s32 $0xFFF;
	_ =	swait.ge [sflag:s28], $0x1000  }
0x5a: {  	s14 =	simm.s32 $0x3A70;
	s16 =	simm.s32 $0x4A70;
	[sflag:s28] =	ssyncset.done $0x0  }
0x5b: {  	s18 =	simm.s32 $0xFFFFFFFF;
	s5 =	simm.s32 $0x1000;
	[sflag:s28] =	ssyncadd.s32 $0xFFFFF000  }
.LBB2_6:
0x5c: {  	v11 =	vld [tilespmem:s14+$0x0]  }
0x5d: {  	v12 =	vld [tilespmem:s16+$0x0];
	_ =	sdelay $0x4  }
0x5e: {  	v11 =	vadd.s32 v11, v12  }
0x5f: {  	v11 =	vperm.xlane v11, v5;
	_ =	sdelay $0x1  }
0x60: {  	(xrf0) =	vadd.scan.msk.s32 $0xffff, v11;
	_ =	sdelay $0x5  }
0x61: {  	v58, _, _ =	vpop (xrf0)  }
0x62: {  	v13 =	vadd.s32 s13, v1;
	v12 =	vadd.s32 s15, v58  }
0x63: {  	v14 =	vxor.u32 $0x80000000, v13;
	vm0 =	vgt.s32 v12, $0x7CF  }
0x64: {  	v11 =	vsub.s32 v12, v11;
	vm14 =	vgt.s32 v12, $0x400;
	v15 =	vnsel vm0, $0x7FFFFFFF, v14  }
0x65: {  	v59 =	vnsel vm14, $0x7FFFFFFF, v14;
	vm15 =	vlt.s32 v11, $0x400;
	(xrf0) =	vmax.scan.msk.u32 $0xffff, v15  }
0x66: {  	v14 =	vnsel vm15, $0x80001000, v14;
	(xrf0) =	vmax.scan.msk.u32 $0xffff, v59  }
0x67: {  	v12 =	vxor.u32 $0x80000000, v12;
	(xrf0) =	vmin.scan.msk.u32 $0xffff, v14  }
0x68: {  	(xrf0) =	vmax.scan.msk.u32 $0xffff, v12;
	_ =	sdelay $0x2  }
0x69: {  	v60, _, _ =	vpop (xrf0)  }
0x6a: {  	v61, _, _ =	vpop (xrf0);
	(v2sf) =	vpush v60, $0xF  }
0x6b: {  	v62, _, _ =	vpop (xrf0);
	(v2sf) =	vpush v61, $0xF  }
0x6c: {  	(v2sf) =	vpush v62, $0xF;
	v63, _, _ =	vpop (xrf0)  }
0x6d: {  	(v2sf) =	vpush v63, $0xF;
	_ =	sdelay $0xb  }
0x6e: {  	s9 =	spop (v2sf)  }
0x6f: {  	s19 =	spop (v2sf)  }
0x70: {  	s20 =	smov.u32 s18;
	s11 =	spop (v2sf)  }
0x71: {  	s18 =	sxor.u32 $0x80000000, s9;
	s9 =	smov.u32 s8;
	s8 =	spop (v2sf)  }
0x72: {  	p1 =	sgt.s32 s20, s18;
	s15 =	sadd.s32 s8, s15  }
0x73: {  	s18 =	smov.u32 @p1 s20;
	p1 =	seq.s32 s13, $0xF;
	s15 =	sadd.s32 $0x80000000, s15  }
0x74: {  	p4 =	slt.s32 @!p1 s15, $0x7D0  }
0x75: {  	p1 =	por p1, !p4  }
.Ltmp2:
0x76: {  	_ = 	snop;
	(pc) =	sbr.rel @!p1 .LBB2_6-.Ltmp2, $4  }
0x77: {  	s14 =	sadd.s32 $0xFFFFFFF0, s14  }
0x78: {  	s20 =	smov.u32 s5;
	s5 =	sxor.u32 $0x80000000, s11;
	s8 =	sxor.u32 $0x80000000, s19  }
0x79: {  	s16 =	sadd.s32 $0xFFFFFFF0, s16;
	p3 =	slt.s32 s20, s5;
	p2 =	sgt.s32 s9, s8  }
0x7a: {  	[tilespmem:v13+s30+$0x0] =	vst.idx.msk $0xffff, v11;
	s13 =	sadd.s32 $0xFFFFFFF0, s13;
	s5 =	smov.u32 @p3 s20;
	s8 =	smov.u32 @p2 s9  }
0x7b: {  	v11 =	vmov s18;
	v12 =	vimm.s32 $0x0;
	s13 =	simm.s32 $0x0;
	s14 =	simm.s32 $0x20  }
.LBB2_8:
0x7c: {  	v13 =	vld [tilespmem:s14+$0xFFFFFFE0];
	_ =	sdelay $0x4  }
0x7d: {  	v14 =	vshra.s32 v13, $0x12  }
0x7e: {  	vm0 =	vge.s32 v14, v11  }
0x7f: {  	(xrf0) =	vadd.scan.msk.s32 vm0, v6;
	_ =	sdelay $0x5  }
0x80: {  	v14, _, _ =	vpop (xrf0)  }
0x81: {  	v14 =	vadd.s32 v14, v12  }
0x82: {  	v14 =	vadd.s32 $0xFFFFFFFF, v14  }
0x83: {  	vm1 =	vlt.s32 v14, $0xC00  }
0x84: {  	vm1 =	vmand vm0, vm1;
	_ =	sdelay $0x4  }
0x85: {  	s9 =	sadd.s32 s13, s10  }
0x86: {  	[tilespmem:v14+s31+$0x0] =	vst.idx.msk vm1, v13;
	v13 =	vor.u32 s9, v0  }
0x87: {  	[tilespmem:v14+s1+$0x0] =	vst.idx.msk vm1, v13  }
0x88: {  	v13 =	vld [tilespmem:s14+$0xFFFFFFF0];
	_ =	sdelay $0x4  }
0x89: {  	v14 =	vshra.s32 v13, $0x12  }
0x8a: {  	vm10 =	vge.s32 v14, v11  }
0x8b: {  	(xrf0) =	vadd.scan.msk.s32 vm10, v6;
	_ =	sdelay $0x1  }
0x8c: {  	v14 =	vmpcnt.ones.xlane vm0;
	_ =	sdelay $0x3  }
0x8d: {  	v12 =	vadd.s32 v12, v14;
	v14, _, _ =	vpop (xrf0)  }
0x8e: {  	v14 =	vadd.s32 v14, v12  }
0x8f: {  	v14 =	vadd.s32 $0xFFFFFFFF, v14  }
0x90: {  	vm11 =	vlt.s32 v14, $0xC00  }
0x91: {  	vm0 =	vmand vm10, vm11;
	_ =	sdelay $0x4  }
0x92: {  	s11 =	sadd.s32 $0x10, s9  }
0x93: {  	[tilespmem:v14+s31+$0x0] =	vst.idx.msk vm0, v13;
	v13 =	vor.u32 s11, v0  }
0x94: {  	[tilespmem:v14+s1+$0x0] =	vst.idx.msk vm0, v13  }
0x95: {  	v13 =	vld [tilespmem:s14+$0x0];
	_ =	sdelay $0x4  }
0x96: {  	v14 =	vshra.s32 v13, $0x12  }
0x97: {  	vm12 =	vge.s32 v14, v11  }
0x98: {  	(xrf0) =	vadd.scan.msk.s32 vm12, v6;
	_ =	sdelay $0x1  }
0x99: {  	v14 =	vmpcnt.ones.xlane vm10;
	_ =	sdelay $0x3  }
0x9a: {  	v12 =	vadd.s32 v12, v14;
	v14, _, _ =	vpop (xrf0)  }
0x9b: {  	v14 =	vadd.s32 v14, v12  }
0x9c: {  	v14 =	vadd.s32 $0xFFFFFFFF, v14  }
0x9d: {  	vm13 =	vlt.s32 v14, $0xC00  }
0x9e: {  	vm1 =	vmand vm12, vm13;
	_ =	sdelay $0x4  }
0x9f: {  	s20 =	sadd.s32 $0x20, s9  }
0xa0: {  	[tilespmem:v14+s31+$0x0] =	vst.idx.msk vm1, v13;
	v13 =	vor.u32 s20, v0  }
0xa1: {  	[tilespmem:v14+s1+$0x0] =	vst.idx.msk vm1, v13  }
0xa2: {  	v13 =	vld [tilespmem:s14+$0x10];
	_ =	sdelay $0x4  }
0xa3: {  	v14 =	vshra.s32 v13, $0x12  }
0xa4: {  	vm14 =	vge.s32 v14, v11  }
0xa5: {  	(xrf0) =	vadd.scan.msk.s32 vm14, v6;
	_ =	sdelay $0x1  }
0xa6: {  	v14 =	vmpcnt.ones.xlane vm12;
	_ =	sdelay $0x3  }
0xa7: {  	v12 =	vadd.s32 v12, v14;
	v14, _, _ =	vpop (xrf0)  }
0xa8: {  	v14 =	vadd.s32 v14, v12  }
0xa9: {  	v14 =	vadd.s32 $0xFFFFFFFF, v14  }
0xaa: {  	vm15 =	vlt.s32 v14, $0xC00  }
0xab: {  	vm0 =	vmand vm14, vm15;
	_ =	sdelay $0x1  }
0xac: {  	p1 =	sne.s32 s13, $0x2A40  }
.Ltmp3:
0xad: {  	_ = 	snop;
	(pc) =	sbr.rel @p1 .LBB2_8-.Ltmp3, $4  }
0xae: {  	_ = 	snop  }
0xaf: {  	s9 =	sadd.s32 $0x30, s9;
	v15 =	vmpcnt.ones.xlane vm14  }
0xb0: {  	[tilespmem:v14+s31+$0x0] =	vst.idx.msk vm0, v13;
	v13 =	vor.u32 s9, v0  }
0xb1: {  	s13 =	sadd.s32 $0x40, s13;
	s14 =	sadd.s32 $0x40, s14;
	v12 =	vadd.s32 v12, v15;
	[tilespmem:v14+s1+$0x0] =	vst.idx.msk vm0, v13  }
0xb2: {  	vm0 =	vlt.s32 v12, $0xC00  }
0xb3: {  	v12 =	vnsel vm0, $0xC00, v12  }
0xb4: {  	v12 =	vxor.u32 $0x80000000, v12  }
0xb5: {  	(xrf0) =	vmax.scan.msk.u32 $0xffff, v12;
	_ =	sdelay $0x5  }
0xb6: {  	v12, _, _ =	vpop (xrf0)  }
0xb7: {  	(v2sf) =	vpush v12, $0xF;
	_ =	sdelay $0xe  }
0xb8: {  	s13 =	spop (v2sf)  }
0xb9: {  	s9 =	sadd.s32 $0x8000000F, s13  }
0xba: {  	s9 =	sshra.s32 s9, $0x4  }
0xbb: {  	p1 =	slt.s32 s9, $0x1  }
.Ltmp4:
0xbc: {  	_ = 	snop;
	(pc) =	sbr.rel @p1 .LBB2_10-.Ltmp4, $2  }
0xbd: {  	_ =	sdelay $0x2  }
0xbe: {  	v12 =	vmov s8  }
0xbf: {  	p2 =	sne.s32 s9, $0x1  }
.Ltmp5:
0xc0: {  	_ = 	snop;
	(pc) =	sbr.rel @!p2 .LBB2_12-.Ltmp5, $4  }
0xc1: {  	_ = 	snop  }
0xc2: {  	s8 =	simm.s32 $0x4B00  }
0xc3: {  	s11 =	sxor.u32 $0x80000000, s13;
	s20 =	simm.s32 $0x6300;
	v13 =	vld [tilespmem:s8+$0x0]  }
0xc4: {  	v15 =	vmov s5;
	v21 =	vimm.s32 $0x0;
	s5 =	simm.s32 $0x0;
	p1 =	por $0x0, $0x0;
	v16 =	vmov s11;
	v14 =	vld [tilespmem:s20+$0x0];
	s8 =	sadd.s32 $0xFFFFFFFF, s9  }
0xc5: {  	_ =	sdelay $0x2  }
0xc6: {  	v17 =	vor.u32 s5, v0;
	v18 =	vshra.s32 v13, $0x12  }
0xc7: {  	vm0 =	vlt.s32 v17, v16;
	vm1 =	vle.s32 v18, v12  }
0xc8: {  	vm2 =	vge.s32 v18, v15;
	vm1 =	vmand vm0, vm1  }
0xc9: {  	vm0 =	vmand vm0, vm2;
	vm2 =	vmmov vm1  }
0xca: {  	vm2 =	vmmov @p0 vm0  }
0xcb: {  	(xrf0) =	vadd.scan.msk.s32 vm2, v6  }
0xcc: {  	vm0 =	vmmov @p0 vm1  }
0xcd: {  	(xrf0) =	vadd.scan.msk.s32 vm0, v6;
	_ =	sdelay $0x3  }
0xce: {  	v17, _, _ =	vpop (xrf0)  }
0xcf: {  	v17 =	vadd.s32 v17, v21  }
0xd0: {  	v18, _, _ =	vpop (xrf0);
	v17 =	vadd.s32 $0xFFFFFFFF, v17  }
0xd1: {  	v18 =	vadd.s32 v21, v18;
	vm15 =	vlt.s32 v17, $0xC00  }
0xd2: {  	v19 =	vadd.s32 $0xFFFFFFFF, v18;
	vm1 =	vmand vm2, vm15  }
0xd3: {  	vm3 =	vlt.s32 v19, $0xC00  }
0xd4: {  	vm3 =	vmand vm0, vm3  }
0xd5: {  	v18 =	vadd.s32 $0xBFF, v18;
	_ =	sdelay $0x2  }
0xd6: {  	[tilespmem:v17+s0+$0x0] =	vst.idx.msk vm1, v13  }
0xd7: {  	[tilespmem:v17+s2+$0x0] =	vst.idx.msk vm1, v14  }
0xd8: {  	p2 =	sne.s32 s8, $0x1;
	[tilespmem:v18+s0+$0x0] =	vst.idx.msk vm3, v13  }
.Ltmp6:
0xd9: {  	s13 =	simm.s32 $0x4B10;
	v19 =	vmpcnt.ones.xlane vm0;
	[tilespmem:v18+s2+$0x0] =	vst.idx.msk vm3, v14;
	(pc) =	sbr.rel @!p2 .LBB2_14-.Ltmp6, $3  }
0xda: {  	v17 =	vmpcnt.ones.xlane vm2;
	v13 =	vld [tilespmem:s13+$0x0];
	_ =	sdelay $0x1  }
0xdb: {  	s14 =	simm.s32 $0x6310;
	v20 =	vadd.s32 v21, v17;
	v17 =	vadd.s32 v21, v19  }
0xdc: {  	s15 =	sadd.s32 $0xFFFFFFFF, s8;
	p1 =	por $0x1, $0x1;
	s8 =	simm.s32 $0x0;
	v14 =	vld [tilespmem:s14+$0x0];
	v18 =	vmov v20;
	v19 =	vmov v17  }
.LBB2_15:
0xdd: {  	s8 =	sadd.s32 $0x10, s8  }
0xde: {  	p2 =	sne.s32 s15, $0x1;
	v21 =	vor.u32 s8, v0;
	v22 =	vshra.s32 v13, $0x12  }
0xdf: {  	vm1 =	vlt.s32 v21, v16;
	vm0 =	vge.s32 v22, v15;
	vm2 =	vle.s32 v22, v12  }
0xe0: {  	vm0 =	vmand vm1, vm0;
	vm1 =	vmand vm1, vm2  }
0xe1: {  	vm2 =	vmmov vm1  }
0xe2: {  	vm2 =	vmmov @p0 vm0  }
0xe3: {  	v21 =	vmpcnt.ones.xlane vm2;
	(xrf0) =	vadd.scan.msk.s32 vm2, v6  }
0xe4: {  	vm0 =	vmmov @p0 vm1  }
0xe5: {  	v22 =	vmpcnt.ones.xlane vm0;
	v20 =	vadd.s32 v20, v21;
	(xrf0) =	vadd.scan.msk.s32 vm0, v6;
	_ =	sdelay $0x1  }
0xe6: {  	v17 =	vadd.s32 v17, v22;
	_ =	sdelay $0x1  }
0xe7: {  	v21, _, _ =	vpop (xrf0)  }
0xe8: {  	v21 =	vadd.s32 v21, v18;
	v18 =	vmov v20  }
0xe9: {  	v21 =	vadd.s32 $0xFFFFFFFF, v21;
	v22, _, _ =	vpop (xrf0)  }
0xea: {  	v22 =	vadd.s32 v19, v22;
	vm1 =	vlt.s32 v21, $0xC00;
	v19 =	vmov v17  }
0xeb: {  	v23 =	vadd.s32 $0xFFFFFFFF, v22;
	vm1 =	vmand vm2, vm1  }
0xec: {  	vm2 =	vlt.s32 v23, $0xC00  }
0xed: {  	vm0 =	vmand vm0, vm2  }
0xee: {  	v22 =	vadd.s32 $0xBFF, v22;
	_ =	sdelay $0x2  }
0xef: {  	[tilespmem:v21+s0+$0x0] =	vst.idx.msk vm1, v13  }
0xf0: {  	[tilespmem:v21+s2+$0x0] =	vst.idx.msk vm1, v14  }
0xf1: {  	[tilespmem:v22+s0+$0x0] =	vst.idx.msk vm0, v13  }
.Ltmp7:
0xf2: {  	s13 =	sadd.s32 $0x10, s13;
	[tilespmem:v22+s2+$0x0] =	vst.idx.msk vm0, v14;
	(pc) =	sbr.rel @p2 .LBB2_15-.Ltmp7, $3  }
0xf3: {  	s14 =	sadd.s32 $0x10, s14;
	v13 =	vld [tilespmem:s13+$0x0]  }
0xf4: {  	v14 =	vld [tilespmem:s14+$0x0];
	_ =	sdelay $0x1  }
0xf5: {  	s15 =	sadd.s32 $0xFFFFFFFF, s15  }
0xf6: {  	v21 =	vmov v20  }
.LBB2_17:
0xf7: {  	s8 =	sadd.s32 @p1 $0x10, s8  }
0xf8: {  	s5 =	smov.u32 @p1 s8  }
0xf9: {  	v22 =	vshra.s32 v13, $0x12;
	v20 =	vor.u32 s5, v0  }
0xfa: {  	vm1 =	vle.s32 v22, v12;
	vm0 =	vlt.s32 v20, v16  }
0xfb: {  	vm2 =	vge.s32 v22, v15;
	vm1 =	vmand vm0, vm1  }
0xfc: {  	vm0 =	vmand vm0, vm2;
	vm2 =	vmmov vm1  }
0xfd: {  	vm2 =	vmmov @p0 vm0  }
0xfe: {  	(xrf0) =	vadd.scan.msk.s32 vm2, v6  }
0xff: {  	vm0 =	vmmov @p0 vm1  }
0x100: {  	(xrf0) =	vadd.scan.msk.s32 vm0, v6;
	_ =	sdelay $0x3  }
0x101: {  	v15, _, _ =	vpop (xrf0)  }
0x102: {  	v15 =	vadd.s32 v15, v18  }
0x103: {  	v60, _, _ =	vpop (xrf0);
	v15 =	vadd.s32 $0xFFFFFFFF, v15  }
0x104: {  	v16 =	vadd.s32 v19, v60;
	vm13 =	vlt.s32 v15, $0xC00  }
0x105: {  	v61 =	vadd.s32 $0xFFFFFFFF, v16;
	vm1 =	vmand vm2, vm13  }
0x106: {  	vm3 =	vlt.s32 v61, $0xC00  }
0x107: {  	vm3 =	vmand vm0, vm3  }
0x108: {  	v16 =	vadd.s32 $0xBFF, v16  }
0x109: {  	v62 =	vmpcnt.ones.xlane vm2  }
.Ltmp8:
0x10a: {  	v63 =	vmpcnt.ones.xlane vm0;
	(pc) =	sbr.rel .LBB2_18-.Ltmp8, $4  }
0x10b: {  	v18 =	vadd.s32 v21, v62;
	[tilespmem:v15+s0+$0x0] =	vst.idx.msk vm1, v13  }
0x10c: {  	v17 =	vadd.s32 v17, v63;
	vm14 =	vlt.s32 v18, $0xC00;
	[tilespmem:v15+s2+$0x0] =	vst.idx.msk vm1, v14  }
0x10d: {  	vm15 =	vlt.s32 v17, $0xC00;
	[tilespmem:v16+s0+$0x0] =	vst.idx.msk vm3, v13;
	v13 =	vnsel vm14, $0xC00, v18  }
0x10e: {  	[tilespmem:v16+s2+$0x0] =	vst.idx.msk vm3, v14;
	v14 =	vnsel vm15, $0xC00, v17;
	v13 =	vxor.u32 $0x80000000, v13  }
.LBB2_10:
0x10f: {  	v13 =	vimm.s32 $0x80000000;
	v14 =	vimm.s32 $0x0  }
.LBB2_18:
0x110: {  	[tilespmem:$0x4A80] =	vst v14;
	s5 =	rddreg [dreg:$0xe];
	s8 =	simm.s32 $0x8700  }
0x111: {  	[spmem:s5] =	stream.strided.scatter [tilespmem:s8], [sflag:$0x2], $0xC00, s25, s26, $0x38;
	[tilespmem:$0xED80] =	vst v63  }
0x112: {  	_ =	swait.ge [sflag:s28], $0xC00  }
0x113: {  	[sflag:s28] =	ssyncset.done $0x0  }
0x114: {  	s9 =	simm.s32 $0x9F00;
	s11 =	rddreg [dreg:$0xf];
	[sflag:s28] =	ssyncadd.s32 $0xFFFFF400  }
0x115: {  	[spmem:s11] =	stream.strided.scatter [tilespmem:s9], [sflag:$0x2], $0xC00, s25, s26, $0x38;
	[tilespmem:$0xED80] =	vst v63  }
0x116: {  	_ =	swait.ge [sflag:s28], $0xC00  }
0x117: {  	[sflag:s28] =	ssyncset.done $0x0  }
0x118: {  	s11 =	simm.s32 $0x4A80;
	s13 =	rddreg [dreg:$0x10];
	[sflag:s28] =	ssyncadd.s32 $0xFFFFF400  }
0x119: {  	[spmem:s13] =	stream.linear.scatter [tilespmem:s11], [sflag:$0x2], $0x80, $0x38;
	[tilespmem:$0xED80] =	vst v63  }
0x11a: {  	_ =	swait.ge [sflag:s28], $0x80  }
0x11b: {  	[sflag:s28] =	ssyncset.done $0x0  }
0x11c: {  	[sflag:s28] =	ssyncadd.s32 $0xFFFFFF80  }
0x11d: {  	[bflag:$0x0] =	sbarrier.arrive $0xFFFF  }
0x11e: {  	s14 =	rddreg [dreg:$0x11]  }
0x11f: {  	[tilespmem:s8], [sflag:$0x2] =	stream.strided.gather [spmem:s14], $0xC00, s25, s26, $0x38;
	[tilespmem:$0xED80] =	vst v63  }
0x120: {  	_ =	swait.ge [sflag:s28], $0xC00  }
0x121: {  	[sflag:s28] =	ssyncset.done $0x0  }
0x122: {  	s15 =	rddreg [dreg:$0x12];
	[sflag:s28] =	ssyncadd.s32 $0xFFFFF400  }
0x123: {  	[tilespmem:s9], [sflag:$0x2] =	stream.strided.gather [spmem:s15], $0xC00, s25, s26, $0x38;
	[tilespmem:$0xED80] =	vst v63  }
0x124: {  	_ =	swait.ge [sflag:s28], $0xC00  }
0x125: {  	[sflag:s28] =	ssyncset.done $0x0  }
0x126: {  	s16 =	rddreg [dreg:$0x13];
	[sflag:s28] =	ssyncadd.s32 $0xFFFFF400  }
0x127: {  	[tilespmem:s11], [sflag:$0x2] =	stream.linear.gather [spmem:s16], $0x80, $0x38;
	[tilespmem:$0xED80] =	vst v63  }
0x128: {  	_ =	swait.ge [sflag:s28], $0x80  }
0x129: {  	[sflag:s28] =	ssyncset.done $0x0  }
0x12a: {  	[sflag:s28] =	ssyncadd.s32 $0xFFFFFF80  }
0x12b: {  	v14 =	vld [tilespmem:$0x4A80];
	_ =	sdelay $0x4  }
0x12c: {  	(xrf0) =	vmax.scan.msk.u32 $0xffff, v13;
	v13 =	vxor.u32 $0x80000000, v14  }
0x12d: {  	(xrf0) =	vmax.scan.msk.u32 $0xffff, v13;
	_ =	sdelay $0x1  }
0x12e: {  	[tilespmem:$0xAB00] =	vst v4  }
0x12f: {  	[tilespmem:$0xAB10] =	vst v4  }
0x130: {  	[tilespmem:$0xAB20] =	vst v4  }
0x131: {  	[tilespmem:$0xAB30] =	vst v4;
	v13, _, _ =	vpop (xrf0)  }
0x132: {  	[tilespmem:$0xAB40] =	vst v4;
	(v2sf) =	vpush v13, $0xF;
	v13, _, _ =	vpop (xrf0)  }
0x133: {  	[tilespmem:$0xAB50] =	vst v4;
	(v2sf) =	vpush v13, $0xF  }
0x134: {  	[tilespmem:$0xAB60] =	vst v4  }
0x135: {  	[tilespmem:$0xAB70] =	vst v4  }
0x136: {  	[tilespmem:$0xAB80] =	vst v4  }
0x137: {  	[tilespmem:$0xAB90] =	vst v4  }
0x138: {  	[tilespmem:$0xABA0] =	vst v4  }
0x139: {  	[tilespmem:$0xABB0] =	vst v4  }
0x13a: {  	[tilespmem:$0xABC0] =	vst v4  }
0x13b: {  	[tilespmem:$0xABD0] =	vst v4  }
0x13c: {  	[tilespmem:$0xABE0] =	vst v4  }
0x13d: {  	[tilespmem:$0xABF0] =	vst v4  }
0x13e: {  	[tilespmem:$0xAC00] =	vst v4  }
0x13f: {  	[tilespmem:$0xAC10] =	vst v4  }
0x140: {  	[tilespmem:$0xAC20] =	vst v4  }
0x141: {  	[tilespmem:$0xAC30] =	vst v4;
	s18 =	spop (v2sf)  }
0x142: {  	[tilespmem:$0xAC40] =	vst v4;
	s19 =	spop (v2sf)  }
0x143: {  	[tilespmem:$0xAC50] =	vst v4;
	s5 =	sxor.u32 $0x80000000, s19  }
0x144: {  	[tilespmem:$0xAC60] =	vst v4;
	s8 =	sxor.u32 $0x80000000, s18;
	s9 =	smov.u32 s5  }
0x145: {  	[tilespmem:$0xAC70] =	vst v4;
	s9 =	smov.u32 @p0 s8  }
0x146: {  	[tilespmem:$0xAC80] =	vst v4;
	s20 =	sadd.s32 $0xF, s9  }
0x147: {  	[tilespmem:$0xAC90] =	vst v4;
	s15 =	sshra.s32 s20, $0x4  }
0x148: {  	[tilespmem:$0xACA0] =	vst v4;
	p1 =	slt.s32 s15, $0x1  }
.Ltmp9:
0x149: {  	[tilespmem:$0xACB0] =	vst v4;
	(pc) =	sbr.rel @p1 .LBB2_24-.Ltmp9, $4  }
0x14a: {  	[tilespmem:$0xACC0] =	vst v4  }
0x14b: {  	[tilespmem:$0xACD0] =	vst v4  }
0x14c: {  	[tilespmem:$0xACE0] =	vst v4  }
0x14d: {  	[tilespmem:$0xACF0] =	vst v4;
	v13 =	vmov s9;
	s13 =	sadd.s32 $0xFFFFFFFF, s15  }
0x14e: {  	p3 =	sne.s32 s15, $0x1  }
.Ltmp10:
0x14f: {  	_ = 	snop;
	(pc) =	sbr.rel @!p3 .LBB2_20-.Ltmp10, $3  }
0x150: {  	_ =	sdelay $0x1  }
0x151: {  	s14 =	simm.s32 $0x0  }
0x152: {  	s18 =	sadd.s32 $0x0, s17;
	s9 =	sadd.s32 $0xFFFFFFFF, s15;
	p2 =	por $0x0, $0x0  }
0x153: {  	s11 =	sand.u32 $0xFFFFFF80, s18;
	s16 =	sand.u32 $0x70, s14  }
0x154: {  	s11 =	sor.u32 s16, s11  }
0x155: {  	v14 =	vld [tilespmem:s11+$0x7B00];
	_ =	sdelay $0x3  }
0x156: {  	v15 =	vor.u32 s14, v0  }
0x157: {  	vm0 =	vlt.s32 v15, v13;
	v14 =	vandn.u32 $0x1FF, v14  }
0x158: {  	(xrf1) =	vunique.msk.u32 vm0, v14;
	_ =	sdelay $0xc  }
0x159: {  	p3 =	sne.s32 s9, $0x1  }
.Ltmp11:
0x15a: {  	_, v15, vm0 =	vpop (xrf1);
	(pc) =	sbr.rel @!p3 .LBB2_23-.Ltmp11, $3  }
0x15b: {  	_ =	sdelay $0x1  }
0x15c: {  	s14 =	simm.s32 $0x10  }
0x15d: {  	s18 =	sadd.s32 $0x10, s17;
	p2 =	por $0x1, $0x1;
	s16 =	sadd.s32 $0xFFFFFFFF, s9  }
.LBB2_22:
0x15e: {  	p3 =	sne.s32 s16, $0x1;
	s9 =	sand.u32 $0xFFFFFF80, s18;
	s11 =	sand.u32 $0x70, s14  }
0x15f: {  	s9 =	sor.u32 s11, s9;
	[tilespmem:v14+s6+$0x0] =	vst.idx.add.s32.msk vm0, v15  }
0x160: {  	v14 =	vld [tilespmem:s9+$0x7B00];
	_ =	sdelay $0x3  }
0x161: {  	v15 =	vor.u32 s14, v0  }
0x162: {  	vm0 =	vlt.s32 v15, v13;
	v14 =	vandn.u32 $0x1FF, v14  }
0x163: {  	(xrf1) =	vunique.msk.u32 vm0, v14;
	_ =	sdelay $0xd  }
.Ltmp12:
0x164: {  	_, v15, vm0 =	vpop (xrf1);
	(pc) =	sbr.rel @p3 .LBB2_22-.Ltmp12, $3  }
0x165: {  	_ =	sdelay $0x1  }
0x166: {  	s14 =	sadd.s32 $0x10, s14  }
0x167: {  	s16 =	sadd.s32 $0xFFFFFFFF, s16;
	s18 =	sadd.s32 s14, s17  }
.LBB2_23:
0x168: {  	_ =	sdelay $0x3  }
0x169: {  	s9 =	sand.u32 $0xFFFFFF80, s18;
	s11 =	sand.u32 $0x70, s14  }
0x16a: {  	[tilespmem:v14+s6+$0x0] =	vst.idx.add.s32.msk @p2 vm0, v15;
	s9 =	sor.u32 s11, s9  }
0x16b: {  	v14 =	vld [tilespmem:s9+$0x7B00];
	_ =	sdelay $0x3  }
0x16c: {  	v15 =	vor.u32 s14, v0  }
0x16d: {  	vm15 =	vlt.s32 v15, v13;
	v14 =	vandn.u32 $0x1FF, v14  }
0x16e: {  	(xrf1) =	vunique.msk.u32 vm15, v14;
	_ =	sdelay $0xd  }
0x16f: {  	_, v15, vm0 =	vpop (xrf1);
	_ =	sdelay $0x5  }
0x170: {  	[tilespmem:v14+s6+$0x0] =	vst.idx.add.s32.msk vm0, v15  }
.LBB2_24:
0x171: {  	s9 =	smov.u32 s8  }
0x172: {  	s9 =	smov.u32 @p0 s5  }
0x173: {  	s11 =	sadd.s32 $0xF, s9  }
0x174: {  	s16 =	sshra.s32 s11, $0x4  }
0x175: {  	p2 =	sgt.s32 s16, $0x0  }
.Ltmp13:
0x176: {  	_ = 	snop;
	(pc) =	sbr.rel @!p2 .LBB2_25-.Ltmp13, $2  }
0x177: {  	_ =	sdelay $0x2  }
0x178: {  	v14 =	vmov s9;
	s14 =	sadd.s32 $0xFFFFFFFF, s16  }
0x179: {  	p3 =	seq.s32 s16, $0x1  }
.Ltmp14:
0x17a: {  	_ = 	snop;
	(pc) =	sbr.rel @p3 .LBB2_51-.Ltmp14, $3  }
0x17b: {  	_ =	sdelay $0x1  }
0x17c: {  	s18 =	simm.s32 $0x0  }
0x17d: {  	s9 =	sadd.s32 $0x0, s24;
	s19 =	sadd.s32 $0xFFFFFFFF, s16;
	p2 =	por $0x0, $0x0  }
0x17e: {  	s9 =	sand.u32 $0xFFFFFF80, s9;
	s11 =	sand.u32 $0x70, s18  }
0x17f: {  	s9 =	sor.u32 s11, s9  }
0x180: {  	v15 =	vld [tilespmem:s9+$0x7B00];
	_ =	sdelay $0x3  }
0x181: {  	v16 =	vor.u32 s18, v0  }
0x182: {  	vm0 =	vlt.s32 v16, v14;
	v15 =	vandn.u32 $0x1FF, v15  }
0x183: {  	(xrf1) =	vunique.msk.u32 vm0, v15;
	_ =	sdelay $0xc  }
0x184: {  	p3 =	seq.s32 s19, $0x1  }
.Ltmp15:
0x185: {  	_, v16, vm0 =	vpop (xrf1);
	(pc) =	sbr.rel @p3 .LBB2_54-.Ltmp15, $3  }
0x186: {  	_ =	sdelay $0x1  }
0x187: {  	s18 =	simm.s32 $0x10  }
0x188: {  	s19 =	sadd.s32 $0xFFFFFFFF, s19;
	p2 =	por $0x1, $0x1;
	s9 =	sadd.s32 $0x10, s24  }
.LBB2_53:
0x189: {  	p3 =	seq.s32 s19, $0x1;
	s9 =	sand.u32 $0xFFFFFF80, s9;
	s11 =	sand.u32 $0x70, s18  }
0x18a: {  	s9 =	sor.u32 s11, s9;
	[tilespmem:v15+s6+$0x0] =	vst.idx.add.s32.msk vm0, v16  }
0x18b: {  	v15 =	vld [tilespmem:s9+$0x7B00];
	_ =	sdelay $0x3  }
0x18c: {  	v16 =	vor.u32 s18, v0  }
0x18d: {  	vm0 =	vlt.s32 v16, v14;
	v15 =	vandn.u32 $0x1FF, v15  }
0x18e: {  	(xrf1) =	vunique.msk.u32 vm0, v15;
	_ =	sdelay $0xd  }
.Ltmp16:
0x18f: {  	_, v16, vm0 =	vpop (xrf1);
	(pc) =	sbr.rel @!p3 .LBB2_53-.Ltmp16, $3  }
0x190: {  	_ =	sdelay $0x1  }
0x191: {  	s18 =	sadd.s32 $0x10, s18  }
0x192: {  	s19 =	sadd.s32 $0xFFFFFFFF, s19;
	s9 =	sadd.s32 s18, s24  }
.LBB2_54:
0x193: {  	_ =	sdelay $0x3  }
0x194: {  	s9 =	sand.u32 $0xFFFFFF80, s9;
	s11 =	sand.u32 $0x70, s18  }
0x195: {  	[tilespmem:v15+s6+$0x0] =	vst.idx.add.s32.msk @p2 vm0, v16;
	s9 =	sor.u32 s11, s9  }
0x196: {  	v15 =	vld [tilespmem:s9+$0x7B00];
	_ =	sdelay $0x3  }
0x197: {  	v63 =	vor.u32 s18, v0  }
0x198: {  	vm15 =	vlt.s32 v63, v14;
	v15 =	vandn.u32 $0x1FF, v15  }
0x199: {  	(xrf1) =	vunique.msk.u32 vm15, v15;
	_ =	sdelay $0xd  }
0x19a: {  	_, v16, vm0 =	vpop (xrf1);
	_ =	sdelay $0x5  }
0x19b: {  	[tilespmem:v15+s6+$0x0] =	vst.idx.add.s32.msk vm0, v16  }
.LBB2_25:
0x19c: {  	s9 =	simm.s32 $0x0  }
0x19d: {  	v16 =	vld [tilespmem:s9+$0xAB00];
	_ =	sdelay $0x4  }
0x19e: {  	(xrf0) =	vadd.scan.msk.s32 $0xffff, v16;
	_ =	sdelay $0x5  }
0x19f: {  	v17, _, _ =	vpop (xrf0)  }
0x1a0: {  	v18 =	vxor.u32 $0x80000000, v17  }
0x1a1: {  	(xrf0) =	vmax.scan.msk.u32 $0xffff, v18;
	_ =	sdelay $0x3  }
0x1a2: {  	v15 =	vimm.s32 $0x0  }
0x1a3: {  	s8 =	sadd.s32 s8, s5;
	v16 =	vsub.s32 v15, v16  }
0x1a4: {  	s5 =	sadd.s32 $0xF, s8;
	v16 =	vadd.s32 v17, v16;
	v17, _, _ =	vpop (xrf0)  }
0x1a5: {  	s18 =	simm.s32 $0x10;
	s19 =	simm.s32 $0x80;
	s5 =	sshra.s32 s5, $0x4;
	[tilespmem:s9+$0xAB00] =	vst v16;
	(v2sf) =	vpush v17, $0xF  }
.LBB2_26:
0x1a6: {  	p2 =	seq.s32 s19, $0x7C0;
	v16 =	vld [tilespmem:s18+$0xAB00];
	_ =	sdelay $0x4  }
0x1a7: {  	(xrf0) =	vadd.scan.msk.s32 $0xffff, v16;
	_ =	sdelay $0x5  }
0x1a8: {  	v17, _, _ =	vpop (xrf0)  }
0x1a9: {  	v18 =	vxor.u32 $0x80000000, v17  }
0x1aa: {  	(xrf0) =	vmax.scan.msk.u32 $0xffff, v18  }
0x1ab: {  	s9 =	spop (v2sf)  }
0x1ac: {  	s9 =	sxor.u32 $0x80000000, s9  }
.Ltmp17:
0x1ad: {  	v15 =	vadd.s32 s9, v15;
	(pc) =	sbr.rel @!p2 .LBB2_26-.Ltmp17, $4  }
0x1ae: {  	v18 =	vsub.s32 v15, v16  }
0x1af: {  	v17 =	vadd.s32 v17, v18  }
0x1b0: {  	[tilespmem:s18+$0xAB00] =	vst v17;
	v16, _, _ =	vpop (xrf0)  }
0x1b1: {  	s18 =	sshra.s32 s19, $0x2;
	s19 =	sadd.s32 $0x40, s19;
	(v2sf) =	vpush v16, $0xF  }
0x1b2: {  	v16 =	vld [tilespmem:s18+$0xAB00];
	_ =	sdelay $0x4  }
0x1b3: {  	(xrf0) =	vadd.scan.msk.s32 $0xffff, v16;
	_ =	sdelay $0x5  }
0x1b4: {  	v17, _, _ =	vpop (xrf0)  }
0x1b5: {  	v18 =	vxor.u32 $0x80000000, v17  }
0x1b6: {  	(xrf0) =	vmax.scan.msk.u32 $0xffff, v18;
	_ =	sdelay $0x5  }
0x1b7: {  	v18, _, _ =	vpop (xrf0)  }
0x1b8: {  	(v2sf) =	vpush v18, $0xF;
	_ =	sdelay $0x9  }
0x1b9: {  	s9 =	spop (v2sf)  }
.Ltmp18:
0x1ba: {  	s9 =	sxor.u32 $0x80000000, s9;
	(pc) =	sbr.rel @p1 .LBB2_31-.Ltmp18, $4  }
0x1bb: {  	v15 =	vadd.s32 s9, v15  }
0x1bc: {  	v15 =	vsub.s32 v15, v16  }
0x1bd: {  	v15 =	vadd.s32 v17, v15  }
0x1be: {  	[tilespmem:s18+$0xAB00] =	vst v15;
	s20 =	spop (v2sf)  }
0x1bf: {  	p1 =	seq.s32 s15, $0x1  }
.Ltmp19:
0x1c0: {  	_ = 	snop;
	(pc) =	sbr.rel @p1 .LBB2_30-.Ltmp19, $4  }
0x1c1: {  	_ = 	snop  }
0x1c2: {  	s18 =	simm.s32 $0x0;
	s9 =	sadd.s32 $0x0, s17  }
0x1c3: {  	s9 =	sand.u32 $0xFFFFFF80, s9;
	s11 =	sand.u32 $0x70, s18  }
0x1c4: {  	s9 =	sor.u32 s11, s9  }
.LBB2_29:
0x1c5: {  	p1 =	seq.s32 s13, $0x1;
	v15 =	vld [tilespmem:s9+$0x7B00]  }
0x1c6: {  	v16 =	vld [tilespmem:s9+$0x9300];
	_ =	sdelay $0x2  }
0x1c7: {  	v17 =	vor.u32 s18, v0  }
0x1c8: {  	vm0 =	vlt.s32 v17, v13;
	v17 =	vandn.u32 $0x1FF, v15  }
0x1c9: {  	(xrf1) =	vunique.msk.u32 vm0, v17;
	_ =	sdelay $0x8  }
0x1ca: {  	v18 =	vld.idx.msk [tilespmem:v17+s6+$0x0], $0xffff;
	_ =	sdelay $0x4  }
0x1cb: {  	_, v19, vm1 =	vpop (xrf1)  }
0x1cc: {  	v18 =	vadd.s32 v19, v18  }
0x1cd: {  	v18 =	vadd.s32 $0xFFFFFFFF, v18;
	_ =	sdelay $0x2  }
.Ltmp20:
0x1ce: {  	(pc) =	sbr.rel @!p1 .LBB2_29-.Ltmp20, $4  }
0x1cf: {  	s18 =	sadd.s32 $0x10, s18  }
0x1d0: {  	s9 =	sadd.s32 s18, s17;
	[tilespmem:v18+s31+$0x0] =	vst.idx.msk vm0, v15  }
0x1d1: {  	s11 =	sand.u32 $0x70, s18;
	s9 =	sand.u32 $0xFFFFFF80, s9;
	[tilespmem:v18+s1+$0x0] =	vst.idx.msk vm0, v16  }
0x1d2: {  	s13 =	sadd.s32 $0xFFFFFFFF, s13;
	s9 =	sor.u32 s11, s9;
	[tilespmem:v17+s6+$0x0] =	vst.idx.add.s32.msk vm1, v19  }
.LBB2_30:
0x1d3: {  	v15 =	vld [tilespmem:s9+$0x7B00];
	_ =	sdelay $0x3  }
0x1d4: {  	v16 =	vor.u32 s18, v0  }
0x1d5: {  	vm0 =	vlt.s32 v16, v13;
	v13 =	vandn.u32 $0x1FF, v15  }
0x1d6: {  	(xrf1) =	vunique.msk.u32 vm0, v13;
	_ =	sdelay $0x9  }
0x1d7: {  	v63 =	vld.idx.msk [tilespmem:v13+s6+$0x0], $0xffff;
	_ =	sdelay $0x3  }
0x1d8: {  	_, v17, vm1 =	vpop (xrf1)  }
0x1d9: {  	v16 =	vadd.s32 v17, v63  }
0x1da: {  	v16 =	vadd.s32 $0xFFFFFFFF, v16  }
0x1db: {  	v18 =	vld [tilespmem:s9+$0x9300];
	_ =	sdelay $0x3  }
0x1dc: {  	[tilespmem:v16+s31+$0x0] =	vst.idx.msk vm0, v15  }
0x1dd: {  	[tilespmem:v16+s1+$0x0] =	vst.idx.msk vm0, v18  }
0x1de: {  	[tilespmem:v13+s6+$0x0] =	vst.idx.add.s32.msk vm1, v17  }
.LBB2_31:
0x1df: {  	p1 =	slt.s32 s16, $0x1  }
.Ltmp21:
0x1e0: {  	_ = 	snop;
	(pc) =	sbr.rel @p1 .LBB2_35-.Ltmp21, $1  }
0x1e1: {  	_ =	sdelay $0x3  }
0x1e2: {  	p1 =	sne.s32 s16, $0x1  }
.Ltmp22:
0x1e3: {  	_ = 	snop;
	(pc) =	sbr.rel @!p1 .LBB2_34-.Ltmp22, $4  }
0x1e4: {  	_ = 	snop  }
0x1e5: {  	s13 =	simm.s32 $0x0;
	s9 =	sadd.s32 $0x0, s24  }
0x1e6: {  	s9 =	sand.u32 $0xFFFFFF80, s9;
	s11 =	sand.u32 $0x70, s13  }
0x1e7: {  	s9 =	sor.u32 s11, s9  }
.LBB2_33:
0x1e8: {  	p1 =	sne.s32 s14, $0x1;
	v13 =	vld [tilespmem:s9+$0x7B00]  }
0x1e9: {  	v15 =	vld [tilespmem:s9+$0x9300];
	_ =	sdelay $0x2  }
0x1ea: {  	v16 =	vor.u32 s13, v0  }
0x1eb: {  	vm0 =	vlt.s32 v16, v14;
	v16 =	vandn.u32 $0x1FF, v13  }
0x1ec: {  	(xrf1) =	vunique.msk.u32 vm0, v16;
	_ =	sdelay $0x8  }
0x1ed: {  	v17 =	vld.idx.msk [tilespmem:v16+s6+$0x0], $0xffff;
	_ =	sdelay $0x4  }
0x1ee: {  	_, v18, vm1 =	vpop (xrf1)  }
0x1ef: {  	v17 =	vadd.s32 v18, v17  }
0x1f0: {  	v17 =	vadd.s32 $0xFFFFFFFF, v17;
	_ =	sdelay $0x2  }
.Ltmp23:
0x1f1: {  	(pc) =	sbr.rel @p1 .LBB2_33-.Ltmp23, $4  }
0x1f2: {  	s13 =	sadd.s32 $0x10, s13  }
0x1f3: {  	s9 =	sadd.s32 s13, s24;
	[tilespmem:v17+s31+$0x0] =	vst.idx.msk vm0, v13  }
0x1f4: {  	s11 =	sand.u32 $0x70, s13;
	s9 =	sand.u32 $0xFFFFFF80, s9;
	[tilespmem:v17+s1+$0x0] =	vst.idx.msk vm0, v15  }
0x1f5: {  	s14 =	sadd.s32 $0xFFFFFFFF, s14;
	s9 =	sor.u32 s11, s9;
	[tilespmem:v16+s6+$0x0] =	vst.idx.add.s32.msk vm1, v18  }
.LBB2_34:
0x1f6: {  	v13 =	vld [tilespmem:s9+$0x7B00];
	_ =	sdelay $0x3  }
0x1f7: {  	v15 =	vor.u32 s13, v0  }
0x1f8: {  	vm0 =	vlt.s32 v15, v14;
	v14 =	vandn.u32 $0x1FF, v13  }
0x1f9: {  	(xrf1) =	vunique.msk.u32 vm0, v14;
	_ =	sdelay $0x9  }
0x1fa: {  	v15 =	vld.idx.msk [tilespmem:v14+s6+$0x0], $0xffff;
	_ =	sdelay $0x3  }
0x1fb: {  	_, v16, vm1 =	vpop (xrf1)  }
0x1fc: {  	v15 =	vadd.s32 v16, v15  }
0x1fd: {  	v15 =	vadd.s32 $0xFFFFFFFF, v15  }
0x1fe: {  	v17 =	vld [tilespmem:s9+$0x9300];
	_ =	sdelay $0x3  }
0x1ff: {  	[tilespmem:v15+s31+$0x0] =	vst.idx.msk vm0, v13  }
0x200: {  	[tilespmem:v15+s1+$0x0] =	vst.idx.msk vm0, v17  }
0x201: {  	[tilespmem:v14+s6+$0x0] =	vst.idx.add.s32.msk vm1, v16  }
.LBB2_35:
0x202: {  	s9 =	sand.u32 $0xFFFFFFF0, s8  }
0x203: {  	v13 =	vor.u32 s9, v0  }
0x204: {  	vm0 =	vge.s32 v13, s8;
	vm1 =	vlt.s32 v13, $0x1800  }
0x205: {  	vm0 =	vmand vm0, vm1;
	_ =	sdelay $0x4  }
0x206: {  	s8 =	simm.s32 $0x4B00  }
0x207: {  	[tilespmem:v13+s8+$0x0] =	vst.idx.msk vm0, v4  }
0x208: {  	[tilespmem:v13+s1+$0x0] =	vst.idx.msk vm0, v7  }
0x209: {  	[tilespmem:$0xAB00] =	vst v4  }
0x20a: {  	[tilespmem:$0xAB10] =	vst v4  }
0x20b: {  	[tilespmem:$0xAB20] =	vst v4  }
0x20c: {  	[tilespmem:$0xAB30] =	vst v4  }
0x20d: {  	[tilespmem:$0xAB40] =	vst v4  }
0x20e: {  	[tilespmem:$0xAB50] =	vst v4  }
0x20f: {  	[tilespmem:$0xAB60] =	vst v4  }
0x210: {  	[tilespmem:$0xAB70] =	vst v4  }
0x211: {  	[tilespmem:$0xAB80] =	vst v4  }
0x212: {  	[tilespmem:$0xAB90] =	vst v4  }
0x213: {  	[tilespmem:$0xABA0] =	vst v4  }
0x214: {  	[tilespmem:$0xABB0] =	vst v4  }
0x215: {  	[tilespmem:$0xABC0] =	vst v4  }
0x216: {  	[tilespmem:$0xABD0] =	vst v4  }
0x217: {  	[tilespmem:$0xABE0] =	vst v4  }
0x218: {  	[tilespmem:$0xABF0] =	vst v4  }
0x219: {  	[tilespmem:$0xAC00] =	vst v4  }
0x21a: {  	[tilespmem:$0xAC10] =	vst v4  }
0x21b: {  	[tilespmem:$0xAC20] =	vst v4  }
0x21c: {  	[tilespmem:$0xAC30] =	vst v4  }
0x21d: {  	[tilespmem:$0xAC40] =	vst v4  }
0x21e: {  	[tilespmem:$0xAC50] =	vst v4  }
0x21f: {  	[tilespmem:$0xAC60] =	vst v4  }
0x220: {  	[tilespmem:$0xAC70] =	vst v4  }
0x221: {  	[tilespmem:$0xAC80] =	vst v4  }
0x222: {  	[tilespmem:$0xAC90] =	vst v4  }
0x223: {  	p1 =	sgt.s32 s5, $0x0;
	[tilespmem:$0xACA0] =	vst v4  }
.Ltmp24:
0x224: {  	[tilespmem:$0xACB0] =	vst v4;
	(pc) =	sbr.rel @!p1 .LBB2_36-.Ltmp24, $4  }
0x225: {  	[tilespmem:$0xACC0] =	vst v4  }
0x226: {  	[tilespmem:$0xACD0] =	vst v4  }
0x227: {  	[tilespmem:$0xACE0] =	vst v4  }
0x228: {  	[tilespmem:$0xACF0] =	vst v4  }
0x229: {  	p2 =	seq.s32 s5, $0x1  }
.Ltmp25:
0x22a: {  	_ = 	snop;
	(pc) =	sbr.rel @p2 .LBB2_57-.Ltmp25, $2  }
0x22b: {  	_ =	sdelay $0x2  }
0x22c: {  	v13 =	vld [tilespmem:s8+$0x0];
	s13 =	sadd.s32 $0xFFFFFFFF, s5  }
.LBB2_56:
0x22d: {  	p2 =	seq.s32 s13, $0x1;
	_ =	sdelay $0x3  }
0x22e: {  	v13 =	vxor.u32 $0xFFFFFFFF, v13  }
0x22f: {  	v13 =	vshrl.u32 v13, $0x9  }
0x230: {  	v13 =	vand.u32 $0x1FF, v13  }
0x231: {  	(xrf1) =	vunique.msk.u32 $0xffff, v13;
	_ =	sdelay $0xd  }
0x232: {  	_, v14, vm0 =	vpop (xrf1);
	_ =	sdelay $0x2  }
.Ltmp26:
0x233: {  	(pc) =	sbr.rel @!p2 .LBB2_56-.Ltmp26, $3  }
0x234: {  	_ =	sdelay $0x1  }
0x235: {  	s8 =	sadd.s32 $0x10, s8;
	[tilespmem:v13+s6+$0x0] =	vst.idx.add.s32.msk vm0, v14  }
0x236: {  	s13 =	sadd.s32 $0xFFFFFFFF, s13;
	v13 =	vld [tilespmem:s8+$0x0]  }
.LBB2_57:
0x237: {  	_ =	sdelay $0x3  }
0x238: {  	v13 =	vxor.u32 $0xFFFFFFFF, v13  }
0x239: {  	v13 =	vshrl.u32 v13, $0x9  }
0x23a: {  	v13 =	vand.u32 $0x1FF, v13  }
0x23b: {  	(xrf1) =	vunique.msk.u32 $0xffff, v13;
	_ =	sdelay $0xd  }
0x23c: {  	_, v14, vm0 =	vpop (xrf1);
	_ =	sdelay $0x5  }
0x23d: {  	[tilespmem:v13+s6+$0x0] =	vst.idx.add.s32.msk vm0, v14  }
.LBB2_36:
0x23e: {  	s8 =	simm.s32 $0x0  }
0x23f: {  	v14 =	vld [tilespmem:s8+$0xAB00];
	_ =	sdelay $0x4  }
0x240: {  	(xrf0) =	vadd.scan.msk.s32 $0xffff, v14;
	_ =	sdelay $0x5  }
0x241: {  	v15, _, _ =	vpop (xrf0)  }
0x242: {  	v16 =	vxor.u32 $0x80000000, v15  }
0x243: {  	(xrf0) =	vmax.scan.msk.u32 $0xffff, v16;
	_ =	sdelay $0x3  }
0x244: {  	v13 =	vimm.s32 $0x0  }
0x245: {  	v14 =	vsub.s32 v13, v14  }
0x246: {  	v14 =	vadd.s32 v15, v14;
	v15, _, _ =	vpop (xrf0)  }
0x247: {  	s13 =	simm.s32 $0x80;
	[tilespmem:s8+$0xAB00] =	vst v14;
	s8 =	simm.s32 $0x10;
	(v2sf) =	vpush v15, $0xF  }
.LBB2_37:
0x248: {  	p2 =	seq.s32 s13, $0x7C0;
	v14 =	vld [tilespmem:s8+$0xAB00];
	_ =	sdelay $0x4  }
0x249: {  	(xrf0) =	vadd.scan.msk.s32 $0xffff, v14;
	_ =	sdelay $0x5  }
0x24a: {  	v15, _, _ =	vpop (xrf0)  }
0x24b: {  	v16 =	vxor.u32 $0x80000000, v15  }
0x24c: {  	(xrf0) =	vmax.scan.msk.u32 $0xffff, v16  }
0x24d: {  	s9 =	spop (v2sf)  }
0x24e: {  	s9 =	sxor.u32 $0x80000000, s9  }
.Ltmp27:
0x24f: {  	v13 =	vadd.s32 s9, v13;
	(pc) =	sbr.rel @!p2 .LBB2_37-.Ltmp27, $4  }
0x250: {  	v16 =	vsub.s32 v13, v14  }
0x251: {  	v15 =	vadd.s32 v15, v16  }
0x252: {  	[tilespmem:s8+$0xAB00] =	vst v15;
	v14, _, _ =	vpop (xrf0)  }
0x253: {  	s8 =	sshra.s32 s13, $0x2;
	s13 =	sadd.s32 $0x40, s13;
	(v2sf) =	vpush v14, $0xF  }
0x254: {  	v14 =	vld [tilespmem:s8+$0xAB00];
	_ =	sdelay $0x4  }
0x255: {  	(xrf0) =	vadd.scan.msk.s32 $0xffff, v14;
	_ =	sdelay $0x5  }
0x256: {  	v15, _, _ =	vpop (xrf0)  }
0x257: {  	v16 =	vxor.u32 $0x80000000, v15  }
0x258: {  	(xrf0) =	vmax.scan.msk.u32 $0xffff, v16;
	_ =	sdelay $0x5  }
0x259: {  	v16, _, _ =	vpop (xrf0)  }
0x25a: {  	(v2sf) =	vpush v16, $0xF;
	_ =	sdelay $0x9  }
0x25b: {  	s9 =	spop (v2sf)  }
.Ltmp28:
0x25c: {  	s9 =	sxor.u32 $0x80000000, s9;
	(pc) =	sbr.rel @!p1 .LBB2_58-.Ltmp28, $4  }
0x25d: {  	v13 =	vadd.s32 s9, v13  }
0x25e: {  	v13 =	vsub.s32 v13, v14  }
0x25f: {  	v13 =	vadd.s32 v15, v13  }
0x260: {  	[tilespmem:s8+$0xAB00] =	vst v13;
	s20 =	spop (v2sf)  }
0x261: {  	p1 =	seq.s32 s5, $0x1  }
.Ltmp29:
0x262: {  	_ = 	snop;
	(pc) =	sbr.rel @p1 .LBB2_41-.Ltmp29, $4  }
0x263: {  	s8 =	simm.s32 $0x4B00  }
0x264: {  	v13 =	vld [tilespmem:s8+$0x0]  }
0x265: {  	s13 =	simm.s32 $0x6300  }
0x266: {  	s14 =	sadd.s32 $0xFFFFFFFF, s5;
	v14 =	vld [tilespmem:s13+$0x0]  }
.LBB2_40:
0x267: {  	p1 =	seq.s32 s14, $0x1;
	_ =	sdelay $0x1  }
0x268: {  	v15 =	vxor.u32 $0xFFFFFFFF, v13  }
0x269: {  	v15 =	vshrl.u32 v15, $0x9  }
0x26a: {  	v15 =	vand.u32 $0x1FF, v15  }
0x26b: {  	(xrf1) =	vunique.msk.u32 $0xffff, v15;
	_ =	sdelay $0x8  }
0x26c: {  	v16 =	vld.idx.msk [tilespmem:v15+s6+$0x0], $0xffff;
	_ =	sdelay $0x4  }
0x26d: {  	_, v17, vm0 =	vpop (xrf1)  }
0x26e: {  	v16 =	vadd.s32 v17, v16  }
0x26f: {  	v16 =	vadd.s32 $0xFFFFFFFF, v16;
	_ =	sdelay $0x4  }
0x270: {  	[tilespmem:v16+s0+$0x0] =	vst.idx.msk $0xffff, v13  }
.Ltmp30:
0x271: {  	[tilespmem:v16+s2+$0x0] =	vst.idx.msk $0xffff, v14;
	(pc) =	sbr.rel @!p1 .LBB2_40-.Ltmp30, $4  }
0x272: {  	s8 =	sadd.s32 $0x10, s8;
	[tilespmem:v15+s6+$0x0] =	vst.idx.add.s32.msk vm0, v17  }
0x273: {  	s13 =	sadd.s32 $0x10, s13;
	v13 =	vld [tilespmem:s8+$0x0]  }
0x274: {  	v14 =	vld [tilespmem:s13+$0x0]  }
0x275: {  	s14 =	sadd.s32 $0xFFFFFFFF, s14  }
.LBB2_41:
0x276: {  	_ =	sdelay $0x1  }
0x277: {  	v15 =	vxor.u32 $0xFFFFFFFF, v13  }
0x278: {  	v15 =	vshrl.u32 v15, $0x9  }
0x279: {  	v15 =	vand.u32 $0x1FF, v15  }
0x27a: {  	(xrf1) =	vunique.msk.u32 $0xffff, v15;
	_ =	sdelay $0x9  }
0x27b: {  	v16 =	vld.idx.msk [tilespmem:v15+s6+$0x0], $0xffff;
	_ =	sdelay $0x3  }
0x27c: {  	_, v17, vm0 =	vpop (xrf1)  }
0x27d: {  	v16 =	vadd.s32 v17, v16  }
0x27e: {  	v16 =	vadd.s32 $0xFFFFFFFF, v16;
	_ =	sdelay $0x4  }
0x27f: {  	[tilespmem:v16+s0+$0x0] =	vst.idx.msk $0xffff, v13  }
0x280: {  	[tilespmem:v16+s2+$0x0] =	vst.idx.msk $0xffff, v14  }
0x281: {  	[tilespmem:v15+s6+$0x0] =	vst.idx.add.s32.msk vm0, v17  }
0x282: {  	v12 =	vld.idx.msk [tilespmem:v12+s30+$0x0], $0xffff  }
0x283: {  	p1 =	sne.s32 s5, $0x1  }
.Ltmp31:
0x284: {  	_ = 	snop;
	(pc) =	sbr.rel @!p1 .LBB2_43-.Ltmp31, $4  }
0x285: {  	s8 =	simm.s32 $0x7B00  }
0x286: {  	v14 =	vld [tilespmem:s8+$0x0]  }
0x287: {  	s13 =	simm.s32 $0x9300;
	v13 =	vxor.u32 $0xFFFFFFFF, v12  }
0x288: {  	s5 =	sadd.s32 $0xFFFFFFFF, s5;
	v15 =	vld [tilespmem:s13+$0x0];
	v13 =	vpsel p0, $0xFFFFFFFF, v13  }
.LBB2_42:
0x289: {  	p1 =	sne.s32 s5, $0x1;
	_ =	sdelay $0x1  }
0x28a: {  	v16 =	vshra.s32 v14, $0x12  }
0x28b: {  	vm0 =	vge.s32 v16, v11  }
0x28c: {  	(xrf1) =	vunique.msk.u32 vm0, v16;
	_ =	sdelay $0x7  }
0x28d: {  	v17 =	vld.idx.msk [tilespmem:v16+s30+$0x0], $0xffff;
	_ =	sdelay $0x5  }
0x28e: {  	v17 =	vadd.s32 v13, v17;
	_, v18, vm1 =	vpop (xrf1)  }
0x28f: {  	v17 =	vadd.s32 v18, v17;
	vm1 =	vmand vm0, vm1  }
0x290: {  	vm2 =	vlt.u32 v17, $0x1800  }
0x291: {  	vm0 =	vmand vm0, vm2;
	_ =	sdelay $0x5  }
0x292: {  	[tilespmem:v17+s31+$0x0] =	vst.idx.msk vm0, v14  }
.Ltmp32:
0x293: {  	[tilespmem:v17+s1+$0x0] =	vst.idx.msk vm0, v15;
	(pc) =	sbr.rel @p1 .LBB2_42-.Ltmp32, $4  }
0x294: {  	s8 =	sadd.s32 $0x10, s8;
	[tilespmem:v16+s30+$0x0] =	vst.idx.add.s32.msk vm1, v18  }
0x295: {  	s13 =	sadd.s32 $0x10, s13;
	v14 =	vld [tilespmem:s8+$0x0]  }
0x296: {  	v15 =	vld [tilespmem:s13+$0x0]  }
0x297: {  	s5 =	sadd.s32 $0xFFFFFFFF, s5  }
.LBB2_43:
0x298: {  	_ =	sdelay $0x1  }
0x299: {  	v16 =	vshra.s32 v14, $0x12  }
0x29a: {  	vm0 =	vge.s32 v16, v11  }
0x29b: {  	(xrf1) =	vunique.msk.u32 vm0, v16;
	_ =	sdelay $0x8  }
0x29c: {  	v11 =	vld.idx.msk [tilespmem:v16+s30+$0x0], $0xffff;
	_ =	sdelay $0x4  }
0x29d: {  	v11 =	vadd.s32 v13, v11;
	_, v13, vm1 =	vpop (xrf1)  }
0x29e: {  	v11 =	vadd.s32 v13, v11  }
0x29f: {  	vm2 =	vlt.u32 v11, $0x1800  }
0x2a0: {  	vm2 =	vmand vm0, vm2;
	_ =	sdelay $0x1  }
0x2a1: {  	vm0 =	vmand vm0, vm1;
	_ =	sdelay $0x1  }
.Ltmp33:
0x2a2: {  	_ = 	snop;
	(pc) =	sbr.rel .LBB2_44-.Ltmp33, $4  }
0x2a3: {  	_ = 	snop  }
0x2a4: {  	[tilespmem:v11+s31+$0x0] =	vst.idx.msk vm2, v14  }
0x2a5: {  	[tilespmem:v11+s1+$0x0] =	vst.idx.msk vm2, v15  }
0x2a6: {  	[tilespmem:v16+s30+$0x0] =	vst.idx.add.s32.msk vm0, v13  }
.LBB2_58:
0x2a7: {  	_ =	sdelay $0x3  }
0x2a8: {  	v12 =	vld.idx.msk [tilespmem:v12+s30+$0x0], $0xffff  }
.LBB2_44:
0x2a9: {  	_ =	sdelay $0x3  }
0x2aa: {  	v11 =	vxor.u32 $0x80000000, v12  }
0x2ab: {  	(xrf0) =	vmax.scan.msk.u32 $0xffff, v11;
	_ =	sdelay $0x5  }
0x2ac: {  	v11, _, _ =	vpop (xrf0)  }
0x2ad: {  	(v2sf) =	vpush v11, $0xF;
	_ =	sdelay $0xe  }
0x2ae: {  	s5 =	spop (v2sf)  }
0x2af: {  	s5 =	sxor.u32 $0x80000000, s5  }
0x2b0: {  	s5 =	ssub.s32 $0x400, s5  }
0x2b1: {  	s5 =	simm.s32 @p0 $0x0  }
0x2b2: {  	s9 =	sadd.s32 $0x30, s5  }
0x2b3: {  	s8 =	sadd.s32 $0xFFFFFFD0, s9  }
0x2b4: {  	v11 =	vadd.s32 s8, v0;
	_ =	sdelay $0x4  }
0x2b5: {  	v11 =	vld.idx.msk [tilespmem:v11+s1+$0x0], $0xffff;
	_ =	sdelay $0x1  }
0x2b6: {  	s18 =	sadd.s32 $0xFFFFFFE0, s9  }
0x2b7: {  	s11 =	simm.s32 $0x0;
	v59 =	vadd.s32 s18, v0  }
0x2b8: {  	v13 =	vor.u32 s11, v0  }
0x2b9: {  	vm0 =	vlt.u32 v13, v2;
	v11 =	vadd.s32 v3, v11  }
0x2ba: {  	s8 =	simm.s32 $0xAD20;
	v11 =	vnsel vm0, $0x0, v11  }
0x2bb: {  	[tilespmem:s8+$0xFFFFFFE0] =	vst v11  }
0x2bc: {  	v11 =	vld.idx.msk [tilespmem:v59+s1+$0x0], $0xffff;
	_ =	sdelay $0x1  }
0x2bd: {  	s19 =	sadd.s32 $0xFFFFFFF0, s9  }
0x2be: {  	s13 =	simm.s32 $0x10;
	v60 =	vadd.s32 s19, v0  }
0x2bf: {  	v61 =	vor.u32 s13, v0  }
0x2c0: {  	vm14 =	vlt.u32 v61, v2;
	v11 =	vadd.s32 v3, v11  }
0x2c1: {  	v11 =	vnsel vm14, $0x0, v11  }
0x2c2: {  	[tilespmem:s8+$0xFFFFFFF0] =	vst v11  }
0x2c3: {  	v11 =	vld.idx.msk [tilespmem:v60+s1+$0x0], $0xffff;
	_ =	sdelay $0x2  }
0x2c4: {  	s20 =	simm.s32 $0x20;
	v62 =	vadd.s32 s9, v0  }
0x2c5: {  	v63 =	vor.u32 s20, v0  }
0x2c6: {  	vm15 =	vlt.u32 v63, v2;
	v11 =	vadd.s32 v3, v11  }
0x2c7: {  	v11 =	vnsel vm15, $0x0, v11  }
0x2c8: {  	[tilespmem:s8+$0x0] =	vst v11  }
0x2c9: {  	s15 =	simm.s32 $0x30;
	v11 =	vld.idx.msk [tilespmem:v62+s1+$0x0], $0xffff  }
0x2ca: {  	s16 =	simm.s32 $0xB0;
	s13 =	simm.s32 $0x70;
	s14 =	sadd.s32 $0x70, s5  }
.LBB2_45:
0x2cb: {  	p1 =	sne.s32 s16, $0x3F0;
	s9 =	sadd.s32 $0xFFFFFFD0, s14  }
0x2cc: {  	v12 =	vadd.s32 s9, v0  }
0x2cd: {  	v13 =	vor.u32 s15, v0;
	s15 =	smov.u32 s13;
	s13 =	smov.u32 s16  }
0x2ce: {  	vm0 =	vlt.u32 v13, v2;
	v11 =	vadd.s32 v3, v11  }
0x2cf: {  	v11 =	vnsel vm0, $0x0, v11  }
0x2d0: {  	[tilespmem:s8+$0x10] =	vst v11  }
0x2d1: {  	v11 =	vld.idx.msk [tilespmem:v12+s1+$0x0], $0xffff;
	_ =	sdelay $0x2  }
0x2d2: {  	s9 =	sadd.s32 $0xFFFFFFE0, s14  }
0x2d3: {  	s11 =	sadd.s32 $0xFFFFFFD0, s15;
	v12 =	vadd.s32 s9, v0  }
0x2d4: {  	v13 =	vor.u32 s11, v0  }
0x2d5: {  	vm0 =	vlt.u32 v13, v2;
	v11 =	vadd.s32 v3, v11  }
0x2d6: {  	s8 =	sadd.s32 $0x40, s8;
	v11 =	vnsel vm0, $0x0, v11  }
0x2d7: {  	[tilespmem:s8+$0xFFFFFFE0] =	vst v11  }
0x2d8: {  	v11 =	vld.idx.msk [tilespmem:v12+s1+$0x0], $0xffff;
	_ =	sdelay $0x2  }
0x2d9: {  	s9 =	sadd.s32 $0xFFFFFFF0, s14  }
0x2da: {  	s11 =	sadd.s32 $0xFFFFFFE0, s15;
	v12 =	vadd.s32 s9, v0  }
0x2db: {  	v13 =	vor.u32 s11, v0  }
0x2dc: {  	vm0 =	vlt.u32 v13, v2;
	v11 =	vadd.s32 v3, v11  }
0x2dd: {  	v11 =	vnsel vm0, $0x0, v11  }
0x2de: {  	[tilespmem:s8+$0xFFFFFFF0] =	vst v11  }
0x2df: {  	v11 =	vld.idx.msk [tilespmem:v12+s1+$0x0], $0xffff;
	_ =	sdelay $0x3  }
0x2e0: {  	s9 =	sadd.s32 $0xFFFFFFF0, s15;
	v12 =	vadd.s32 s14, v0  }
0x2e1: {  	v13 =	vor.u32 s9, v0  }
0x2e2: {  	vm0 =	vlt.u32 v13, v2;
	v11 =	vadd.s32 v3, v11  }
.Ltmp34:
0x2e3: {  	v11 =	vnsel vm0, $0x0, v11;
	(pc) =	sbr.rel @p1 .LBB2_45-.Ltmp34, $3  }
0x2e4: {  	[tilespmem:s8+$0x0] =	vst v11  }
0x2e5: {  	v11 =	vld.idx.msk [tilespmem:v12+s1+$0x0], $0xffff;
	_ =	sdelay $0x1  }
0x2e6: {  	s16 =	sadd.s32 $0x40, s16;
	s14 =	sadd.s32 s13, s5  }
0x2e7: {  	s9 =	sadd.s32 $0xFFFFFFD0, s14  }
0x2e8: {  	v12 =	vadd.s32 s9, v0  }
0x2e9: {  	v13 =	vor.u32 s15, v0  }
0x2ea: {  	vm0 =	vlt.u32 v13, v2;
	v11 =	vadd.s32 v3, v11  }
0x2eb: {  	v11 =	vnsel vm0, $0x0, v11  }
0x2ec: {  	[tilespmem:s8+$0x10] =	vst v11  }
0x2ed: {  	v11 =	vld.idx.msk [tilespmem:v12+s1+$0x0], $0xffff;
	_ =	sdelay $0x1  }
0x2ee: {  	s16 =	sadd.s32 $0xFFFFFFE0, s14  }
0x2ef: {  	s11 =	sadd.s32 $0xFFFFFFD0, s13;
	v12 =	vadd.s32 s16, v0  }
0x2f0: {  	v13 =	vor.u32 s11, v0  }
0x2f1: {  	vm14 =	vlt.u32 v13, v2;
	v11 =	vadd.s32 v3, v11  }
0x2f2: {  	s18 =	sadd.s32 $0x40, s8;
	v11 =	vnsel vm14, $0x0, v11  }
0x2f3: {  	[tilespmem:s18+$0xFFFFFFE0] =	vst v11  }
0x2f4: {  	v11 =	vld.idx.msk [tilespmem:v12+s1+$0x0], $0xffff;
	_ =	sdelay $0x1  }
0x2f5: {  	s19 =	sadd.s32 $0xFFFFFFF0, s14  }
0x2f6: {  	s20 =	sadd.s32 $0xFFFFFFE0, s13;
	v12 =	vadd.s32 s19, v0  }
0x2f7: {  	v13 =	vor.u32 s20, v0  }
0x2f8: {  	vm15 =	vlt.u32 v13, v2;
	v11 =	vadd.s32 v3, v11  }
0x2f9: {  	v11 =	vnsel vm15, $0x0, v11  }
0x2fa: {  	[tilespmem:s18+$0xFFFFFFF0] =	vst v11  }
0x2fb: {  	v11 =	vld.idx.msk [tilespmem:v12+s1+$0x0], $0xffff;
	_ =	sdelay $0x2  }
0x2fc: {  	s11 =	sadd.s32 $0xFFFFFFF0, s13;
	v12 =	vadd.s32 s14, v0  }
0x2fd: {  	v13 =	vor.u32 s11, v0  }
0x2fe: {  	vm4 =	vlt.u32 v13, v2;
	v11 =	vadd.s32 v3, v11  }
0x2ff: {  	v11 =	vnsel vm4, $0x0, v11  }
0x300: {  	[tilespmem:s18+$0x0] =	vst v11  }
0x301: {  	v11 =	vld.idx.msk [tilespmem:v12+s1+$0x0], $0xffff;
	_ =	sdelay $0x3  }
0x302: {  	v12 =	vor.u32 s13, v0  }
0x303: {  	vm5 =	vlt.u32 v12, v2;
	v11 =	vadd.s32 v3, v11  }
0x304: {  	v11 =	vnsel vm5, $0x0, v11  }
0x305: {  	s15 =	rddreg [dreg:$0x7];
	s11 =	simm.s32 $0xB100;
	[tilespmem:s18+$0x10] =	vst v11  }
0x306: {  	[tilespmem:s11], [sflag:$0x1] =	stream.indirect.gather [hbm4b:s15+s25], $0x1, s7, s25, $0xb8;
	[tilespmem:$0xED80] =	vst v63  }
0x307: {  	s16 =	rddreg [dreg:$0x8];
	s15 =	simm.s32 $0xB500  }
0x308: {  	[tilespmem:s15], [sflag:$0x1] =	stream.indirect.gather [hbm4b:s16+s25], $0x1, s7, s25, $0xb8;
	[tilespmem:$0xED80] =	vst v63  }
0x309: {  	s18 =	rddreg [dreg:$0x9];
	s16 =	simm.s32 $0xB900  }
0x30a: {  	[tilespmem:s16], [sflag:$0x1] =	stream.indirect.gather [hbm4b:s18+s25], $0x1, s7, s25, $0xb8;
	[tilespmem:$0xED80] =	vst v63  }
0x30b: {  	s19 =	rddreg [dreg:$0xa]  }
0x30c: {  	[tilespmem:s3], [sflag:$0x1] =	stream.indirect.gather [hbm4b:s19+s25], $0x1, s7, s25, $0xb8;
	[tilespmem:$0xED80] =	vst v63  }
0x30d: {  	_ =	swait.ge [sflag:s12], $0x400  }
0x30e: {  	[sflag:s12] =	ssyncset.done $0x0  }
0x30f: {  	[sflag:s12] =	ssyncadd.s32 $0xFFFFFC00  }
0x310: {  	_ =	swait.ge [sflag:s12], $0x400  }
0x311: {  	[sflag:s12] =	ssyncset.done $0x0  }
0x312: {  	[sflag:s12] =	ssyncadd.s32 $0xFFFFFC00  }
0x313: {  	_ =	swait.ge [sflag:s12], $0x400  }
0x314: {  	v11 =	vadd.s32 s5, v0;
	[sflag:s12] =	ssyncset.done $0x0  }
0x315: {  	[sflag:s12] =	ssyncadd.s32 $0xFFFFFC00  }
0x316: {  	_ =	swait.ge [sflag:s12], $0x400  }
0x317: {  	[sflag:s12] =	ssyncset.done $0x0  }
0x318: {  	[sflag:s12] =	ssyncadd.s32 $0xFFFFFC00  }
0x319: {  	v12 =	vld.idx.msk [tilespmem:v11+s1+$0x0], $0xffff;
	_ =	sdelay $0x4  }
0x31a: {  	vm6 =	vgt.s32 v12, $0x3FFF;
	vm1 =	vgt.s32 v12, $0x4FFF  }
0x31b: {  	vm2 =	vgt.s32 v12, $0x53FF;
	v13 =	vsel vm6, $0x1, v4;
	v14 =	vsel vm1, $0x1, v4  }
0x31c: {  	v13 =	vadd.s32 v14, v13;
	v14 =	vsel vm2, $0x1, v4  }
0x31d: {  	v13 =	vadd.s32 v14, v13  }
0x31e: {  	vm7 =	veq.s32 v13, $0x2  }
0x31f: {  	s8 =	simm.s32 $0x0;
	vm8 =	veq.s32 v13, $0x1;
	v14 =	vsel vm7, $0xFFFFB000, v8  }
0x320: {  	v15 =	vld [tilespmem:s8+$0xBD00];
	vm9 =	veq.s32 v13, $0x0;
	v14 =	vsel vm8, $0xFFFFC000, v14  }
0x321: {  	v17 =	vld [tilespmem:s8+$0xB100];
	v16 =	vshrl.u32 v9, v13;
	v14 =	vsel vm9, $0x0, v14  }
0x322: {  	v19 =	vld [tilespmem:s8+$0xB500];
	v16 =	vadd.s32 $0xFFFFFFFF, v16;
	v12 =	vadd.s32 v12, v14  }
0x323: {  	v18 =	vxor.u32 $0x7, v13;
	v14 =	vld [tilespmem:s8+$0xB900];
	v16 =	vand.u32 v16, v12  }
0x324: {  	v11 =	vld.idx.msk [tilespmem:v11+s31+$0x0], $0xffff;
	v13 =	vshll.u32 v10, v13;
	v12 =	vshra.s32 v12, v18;
	v16 =	vcvt.s32.f32 v16  }
0x325: {  	v13 =	vcvt.s32.f32 v13;
	v12 =	vcvt.s32.f32 v12  }
0x326: {  	v16 =	vadd.f32 $5.000000000e-01, v16  }
0x327: {  	v15 =	vmul.f32 v13, v15;
	v17 =	vmul.f32 v13, v17;
	v12 =	vadd.f32 $5.000000000e-01, v12  }
0x328: {  	s20 =	sadd.s32 $0x10, s5;
	v14 =	vmul.f32 v13, v14;
	v16 =	vmul.f32 v13, v16  }
0x329: {  	[tilespmem:s8+$0xC100] =	vst v11;
	v18 =	vmul.f32 v13, v19;
	v12 =	vmul.f32 v13, v12;
	v13 =	vadd.s32 s20, v0  }
0x32a: {  	[tilespmem:s8+$0xB900] =	vst v14;
	v14 =	vadd.f32 v16, v17  }
0x32b: {  	[tilespmem:s8+$0xBD00] =	vst v15;
	v12 =	vadd.f32 v12, v18  }
0x32c: {  	[tilespmem:s8+$0xB100] =	vst v14  }
0x32d: {  	[tilespmem:s8+$0xB500] =	vst v12  }
0x32e: {  	v11 =	vld.idx.msk [tilespmem:v13+s1+$0x0], $0xffff;
	_ =	sdelay $0x1  }
0x32f: {  	v12 =	vld.idx.msk [tilespmem:v13+s31+$0x0], $0xffff;
	_ =	sdelay $0x2  }
0x330: {  	vm10 =	vgt.s32 v11, $0x3FFF;
	vm11 =	vgt.s32 v11, $0x4FFF  }
0x331: {  	vm12 =	vgt.s32 v11, $0x53FF;
	v13 =	vsel vm10, $0x1, v4;
	v15 =	vsel vm11, $0x1, v4  }
0x332: {  	[tilespmem:s8+$0xC110] =	vst v12;
	v12 =	vadd.s32 v15, v13;
	v13 =	vsel vm12, $0x1, v4;
	v15 =	vld [tilespmem:s8+$0xB910]  }
0x333: {  	v14 =	vld [tilespmem:s8+$0xBD10];
	v16 =	vadd.s32 v13, v12  }
0x334: {  	vm13 =	veq.s32 v16, $0x2;
	v12 =	vshll.u32 v10, v16  }
0x335: {  	vm14 =	veq.s32 v16, $0x1;
	v13 =	vsel vm13, $0xFFFFB000, v8;
	v12 =	vcvt.s32.f32 v12  }
0x336: {  	v17 =	vshrl.u32 v9, v16;
	vm15 =	veq.s32 v16, $0x0;
	v13 =	vsel vm14, $0xFFFFC000, v13  }
0x337: {  	v16 =	vxor.u32 $0x7, v16;
	v18 =	vsel vm15, $0x0, v13;
	v13 =	vld [tilespmem:s8+$0xB110];
	v15 =	vmul.f32 v12, v15  }
0x338: {  	v17 =	vadd.s32 $0xFFFFFFFF, v17;
	v19 =	vmul.f32 v12, v14;
	v14 =	vld [tilespmem:s8+$0xB510];
	v11 =	vadd.s32 v11, v18  }
0x339: {  	s5 =	sadd.s32 $0x20, s5;
	v17 =	vand.u32 v17, v11;
	v16 =	vshra.s32 v11, v16;
	[tilespmem:s8+$0xB910] =	vst v15  }
0x33a: {  	s14 =	simm.s32 $0x100;
	s13 =	simm.s32 $0x80;
	v11 =	vadd.s32 s5, v0;
	[tilespmem:s8+$0xBD10] =	vst v19;
	v15 =	vcvt.s32.f32 v17;
	v16 =	vcvt.s32.f32 v16  }
.LBB2_47:
0x33b: {  	p1 =	sne.s32 s14, $0xF80;
	s9 =	smov.u32 s14;
	s14 =	sadd.s32 $0x80, s14  }
0x33c: {  	v15 =	vadd.f32 $5.000000000e-01, v15;
	v16 =	vadd.f32 $5.000000000e-01, v16  }
0x33d: {  	v13 =	vmul.f32 v12, v13;
	v14 =	vmul.f32 v12, v14  }
0x33e: {  	v15 =	vmul.f32 v12, v15;
	v12 =	vmul.f32 v12, v16;
	_ =	sdelay $0x1  }
0x33f: {  	v13 =	vadd.f32 v15, v13;
	v12 =	vadd.f32 v12, v14;
	_ =	sdelay $0x1  }
0x340: {  	[tilespmem:s8+$0xB110] =	vst v13  }
0x341: {  	[tilespmem:s8+$0xB510] =	vst v12  }
0x342: {  	v12 =	vld.idx.msk [tilespmem:v11+s1+$0x0], $0xffff;
	_ =	sdelay $0x5  }
0x343: {  	s8 =	sshra.s32 s13, $0x2;
	s13 =	smov.u32 s9;
	vm0 =	vgt.s32 v12, $0x3FFF;
	vm1 =	vgt.s32 v12, $0x4FFF;
	vm2 =	vgt.s32 v12, $0x53FF  }
0x344: {  	v13 =	vsel vm0, $0x1, v4;
	v14 =	vsel vm1, $0x1, v4;
	v15 =	vld [tilespmem:s8+$0xB900]  }
0x345: {  	v13 =	vadd.s32 v14, v13;
	v14 =	vsel vm2, $0x1, v4;
	v16 =	vld [tilespmem:s8+$0xBD00]  }
0x346: {  	v13 =	vadd.s32 v14, v13;
	v14 =	vld [tilespmem:s8+$0xB500]  }
0x347: {  	vm0 =	veq.s32 v13, $0x2;
	v17 =	vshrl.u32 v9, v13;
	v18 =	vld [tilespmem:s8+$0xB100]  }
0x348: {  	vm1 =	veq.s32 v13, $0x1;
	v20 =	vshll.u32 v10, v13;
	v19 =	vsel vm0, $0xFFFFB000, v8  }
0x349: {  	vm0 =	veq.s32 v13, $0x0;
	v20 =	vcvt.s32.f32 v20;
	v19 =	vsel vm1, $0xFFFFC000, v19  }
0x34a: {  	v13 =	vxor.u32 $0x7, v13;
	v17 =	vadd.s32 $0xFFFFFFFF, v17;
	v19 =	vsel vm0, $0x0, v19  }
0x34b: {  	v12 =	vadd.s32 v12, v19;
	v16 =	vmul.f32 v20, v16;
	v14 =	vmul.f32 v20, v14  }
0x34c: {  	v15 =	vmul.f32 v20, v15;
	v17 =	vand.u32 v17, v12;
	v11 =	vld.idx.msk [tilespmem:v11+s31+$0x0], $0xffff;
	v18 =	vmul.f32 v20, v18  }
0x34d: {  	v12 =	vshra.s32 v12, v13;
	v17 =	vcvt.s32.f32 v17  }
0x34e: {  	v12 =	vcvt.s32.f32 v12;
	[tilespmem:s8+$0xBD00] =	vst v16  }
0x34f: {  	v13 =	vadd.f32 $5.000000000e-01, v17;
	[tilespmem:s8+$0xB900] =	vst v15  }
0x350: {  	v12 =	vadd.f32 $5.000000000e-01, v12  }
0x351: {  	s9 =	sadd.s32 $0x10, s5;
	v13 =	vmul.f32 v20, v13  }
0x352: {  	v15 =	vadd.s32 s9, v0;
	v12 =	vmul.f32 v20, v12  }
0x353: {  	v13 =	vadd.f32 v13, v18  }
0x354: {  	v12 =	vadd.f32 v12, v14;
	[tilespmem:s8+$0xC100] =	vst v11  }
0x355: {  	[tilespmem:s8+$0xB100] =	vst v13  }
0x356: {  	[tilespmem:s8+$0xB500] =	vst v12  }
0x357: {  	v11 =	vld.idx.msk [tilespmem:v15+s1+$0x0], $0xffff  }
0x358: {  	v12 =	vld.idx.msk [tilespmem:v15+s31+$0x0], $0xffff;
	_ =	sdelay $0x4  }
0x359: {  	vm0 =	vgt.s32 v11, $0x3FFF;
	vm1 =	vgt.s32 v11, $0x4FFF;
	vm2 =	vgt.s32 v11, $0x53FF  }
0x35a: {  	v13 =	vsel vm0, $0x1, v4;
	v14 =	vsel vm1, $0x1, v4;
	v15 =	vld [tilespmem:s8+$0xBD10];
	[tilespmem:s8+$0xC110] =	vst v12  }
0x35b: {  	v12 =	vadd.s32 v14, v13;
	v13 =	vsel vm2, $0x1, v4;
	v14 =	vld [tilespmem:s8+$0xB910]  }
0x35c: {  	v16 =	vadd.s32 v13, v12  }
0x35d: {  	vm0 =	veq.s32 v16, $0x2;
	v17 =	vshrl.u32 v9, v16;
	v12 =	vshll.u32 v10, v16  }
0x35e: {  	vm1 =	veq.s32 v16, $0x1;
	v13 =	vsel vm0, $0xFFFFB000, v8;
	v12 =	vcvt.s32.f32 v12  }
.Ltmp35:
0x35f: {  	vm0 =	veq.s32 v16, $0x0;
	v13 =	vsel vm1, $0xFFFFC000, v13;
	(pc) =	sbr.rel @p1 .LBB2_47-.Ltmp35, $4  }
0x360: {  	v18 =	vsel vm0, $0x0, v13;
	v20 =	vmul.f32 v12, v15;
	v13 =	vld [tilespmem:s8+$0xB110];
	v19 =	vmul.f32 v12, v14  }
0x361: {  	s5 =	sadd.s32 $0x20, s5;
	v17 =	vadd.s32 $0xFFFFFFFF, v17;
	v15 =	vxor.u32 $0x7, v16;
	v16 =	vadd.s32 v11, v18;
	v14 =	vld [tilespmem:s8+$0xB510]  }
0x362: {  	v11 =	vadd.s32 s5, v0;
	v17 =	vand.u32 v17, v16;
	v16 =	vshra.s32 v16, v15;
	[tilespmem:s8+$0xB910] =	vst v19  }
0x363: {  	v15 =	vcvt.s32.f32 v17;
	v16 =	vcvt.s32.f32 v16;
	[tilespmem:s8+$0xBD10] =	vst v20  }
0x364: {  	_ = 	snop  }
0x365: {  	v15 =	vadd.f32 $5.000000000e-01, v15  }
0x366: {  	v16 =	vadd.f32 $5.000000000e-01, v16  }
0x367: {  	v13 =	vmul.f32 v12, v13;
	v15 =	vmul.f32 v12, v15  }
0x368: {  	v14 =	vmul.f32 v12, v14;
	v40 =	vmul.f32 v12, v16  }
0x369: {  	v13 =	vadd.f32 v15, v13  }
0x36a: {  	v12 =	vadd.f32 v40, v14  }
0x36b: {  	[tilespmem:s8+$0xB110] =	vst v13  }
0x36c: {  	[tilespmem:s8+$0xB510] =	vst v12  }
0x36d: {  	v12 =	vld.idx.msk [tilespmem:v11+s1+$0x0], $0xffff;
	_ =	sdelay $0x4  }
0x36e: {  	vm0 =	vgt.s32 v12, $0x3FFF;
	vm1 =	vgt.s32 v12, $0x4FFF  }
0x36f: {  	vm2 =	vgt.s32 v12, $0x53FF;
	v41 =	vsel vm0, $0x1, v4;
	v42 =	vsel vm1, $0x1, v4  }
0x370: {  	v43 =	vsel vm2, $0x1, v4;
	v13 =	vadd.s32 v42, v41  }
0x371: {  	v13 =	vadd.s32 v43, v13  }
0x372: {  	vm7 =	veq.s32 v13, $0x2  }
0x373: {  	s13 =	sshra.s32 s13, $0x2;
	vm8 =	veq.s32 v13, $0x1;
	v44 =	vsel vm7, $0xFFFFB000, v8  }
0x374: {  	v45 =	vld [tilespmem:s13+$0xBD00];
	vm9 =	veq.s32 v13, $0x0;
	v14 =	vsel vm8, $0xFFFFC000, v44  }
0x375: {  	v17 =	vld [tilespmem:s13+$0xB100];
	v46 =	vshrl.u32 v9, v13;
	v14 =	vsel vm9, $0x0, v14  }
0x376: {  	v47 =	vld [tilespmem:s13+$0xB900];
	v16 =	vadd.s32 $0xFFFFFFFF, v46;
	v12 =	vadd.s32 v12, v14  }
0x377: {  	v19 =	vld [tilespmem:s13+$0xB500];
	v18 =	vxor.u32 $0x7, v13;
	v16 =	vand.u32 v16, v12  }
0x378: {  	v11 =	vld.idx.msk [tilespmem:v11+s31+$0x0], $0xffff;
	v13 =	vshll.u32 v10, v13;
	v12 =	vshra.s32 v12, v18;
	v16 =	vcvt.s32.f32 v16  }
0x379: {  	v13 =	vcvt.s32.f32 v13;
	v12 =	vcvt.s32.f32 v12  }
0x37a: {  	v16 =	vadd.f32 $5.000000000e-01, v16  }
0x37b: {  	v15 =	vmul.f32 v13, v45;
	v17 =	vmul.f32 v13, v17;
	v12 =	vadd.f32 $5.000000000e-01, v12  }
0x37c: {  	s5 =	sadd.s32 $0x10, s5;
	v48 =	vmul.f32 v13, v19;
	v16 =	vmul.f32 v13, v16  }
0x37d: {  	v49 =	vadd.s32 s5, v0;
	[tilespmem:s13+$0xC100] =	vst v11;
	v14 =	vmul.f32 v13, v47;
	v12 =	vmul.f32 v13, v12  }
0x37e: {  	[tilespmem:s13+$0xBD00] =	vst v15;
	v50 =	vadd.f32 v16, v17  }
0x37f: {  	[tilespmem:s13+$0xB900] =	vst v14;
	v12 =	vadd.f32 v12, v48  }
0x380: {  	[tilespmem:s13+$0xB100] =	vst v50  }
0x381: {  	[tilespmem:s13+$0xB500] =	vst v12  }
0x382: {  	v11 =	vld.idx.msk [tilespmem:v49+s1+$0x0], $0xffff;
	_ =	sdelay $0x4  }
0x383: {  	vm10 =	vgt.s32 v11, $0x3FFF;
	vm11 =	vgt.s32 v11, $0x4FFF  }
0x384: {  	vm12 =	vgt.s32 v11, $0x53FF;
	v51 =	vsel vm10, $0x1, v4;
	v52 =	vsel vm11, $0x1, v4  }
0x385: {  	v53 =	vsel vm12, $0x1, v4;
	v12 =	vadd.s32 v52, v51  }
0x386: {  	v12 =	vadd.s32 v53, v12  }
0x387: {  	vm13 =	veq.s32 v12, $0x2  }
0x388: {  	vm14 =	veq.s32 v12, $0x1;
	v54 =	vsel vm13, $0xFFFFB000, v8  }
0x389: {  	v55 =	vld [tilespmem:s13+$0xBD10];
	vm15 =	veq.s32 v12, $0x0;
	v14 =	vsel vm14, $0xFFFFC000, v54  }
0x38a: {  	v57 =	vld [tilespmem:s13+$0xB910];
	v56 =	vshrl.u32 v9, v12;
	v14 =	vsel vm15, $0x0, v14  }
0x38b: {  	v59 =	vld [tilespmem:s13+$0xB110];
	v58 =	vadd.s32 $0xFFFFFFFF, v56;
	v11 =	vadd.s32 v11, v14  }
0x38c: {  	v61 =	vld [tilespmem:s13+$0xB510];
	v60 =	vxor.u32 $0x7, v12;
	v14 =	vand.u32 v58, v11  }
0x38d: {  	v13 =	vld.idx.msk [tilespmem:v49+s31+$0x0], $0xffff;
	v12 =	vshll.u32 v10, v12;
	v11 =	vshra.s32 v11, v60;
	v14 =	vcvt.s32.f32 v14  }
0x38e: {  	v12 =	vcvt.s32.f32 v12;
	v11 =	vcvt.s32.f32 v11  }
0x38f: {  	v14 =	vadd.f32 $5.000000000e-01, v14  }
0x390: {  	v17 =	vmul.f32 v12, v57;
	v15 =	vmul.f32 v12, v55;
	v11 =	vadd.f32 $5.000000000e-01, v11  }
0x391: {  	v16 =	vmul.f32 v12, v59;
	v14 =	vmul.f32 v12, v14  }
0x392: {  	[tilespmem:s13+$0xC110] =	vst v13;
	v62 =	vmul.f32 v12, v61;
	v11 =	vmul.f32 v12, v11  }
0x393: {  	[tilespmem:s13+$0xB910] =	vst v17;
	v63 =	vadd.f32 v14, v16  }
0x394: {  	[tilespmem:s13+$0xBD10] =	vst v15;
	v11 =	vadd.f32 v11, v62  }
0x395: {  	[tilespmem:s13+$0xB110] =	vst v63  }
0x396: {  	s14 =	rddreg [dreg:$0x15];
	[tilespmem:s13+$0xB510] =	vst v11  }
0x397: {  	[hbm4b:s14+s26] =	stream.strided.scatter [tilespmem:s11], [sflag:$0x2], $0x400, s25, s26, $0x38;
	[tilespmem:$0xED80] =	vst v63  }
0x398: {  	_ =	swait.ge [sflag:s28], $0x400  }
0x399: {  	[sflag:s28] =	ssyncset.done $0x0  }
0x39a: {  	s18 =	rddreg [dreg:$0x16];
	[sflag:s28] =	ssyncadd.s32 $0xFFFFFC00  }
0x39b: {  	[hbm4b:s18+s26] =	stream.strided.scatter [tilespmem:s15], [sflag:$0x2], $0x400, s25, s26, $0x38;
	[tilespmem:$0xED80] =	vst v63  }
0x39c: {  	_ =	swait.ge [sflag:s28], $0x400  }
0x39d: {  	[sflag:s28] =	ssyncset.done $0x0  }
0x39e: {  	[sflag:s28] =	ssyncadd.s32 $0xFFFFFC00  }
0x39f: {  	[hbm4b:s21+s26] =	stream.strided.scatter [tilespmem:s16], [sflag:$0x2], $0x400, s25, s26, $0x38;
	[tilespmem:$0xED80] =	vst v63  }
0x3a0: {  	_ =	swait.ge [sflag:s28], $0x400  }
0x3a1: {  	[sflag:s28] =	ssyncset.done $0x0  }
0x3a2: {  	[sflag:s28] =	ssyncadd.s32 $0xFFFFFC00  }
0x3a3: {  	[hbm4b:s22+s26] =	stream.strided.scatter [tilespmem:s3], [sflag:$0x2], $0x400, s25, s26, $0x38;
	[tilespmem:$0xED80] =	vst v63  }
0x3a4: {  	_ =	swait.ge [sflag:s28], $0x400  }
0x3a5: {  	[sflag:s28] =	ssyncset.done $0x0  }
0x3a6: {  	s19 =	simm.s32 $0xC100;
	[sflag:s28] =	ssyncadd.s32 $0xFFFFFC00  }
0x3a7: {  	[hbm4b:s23+s26] =	stream.strided.scatter [tilespmem:s19], [sflag:$0x2], $0x400, s25, s26, $0x38;
	[tilespmem:$0xED80] =	vst v63  }
0x3a8: {  	_ =	swait.ge [sflag:s28], $0x400  }
0x3a9: {  	s4 =	sadd.s32 $0x1, s4;
	s20 =	rddreg [dreg:$0x14]  }
0x3aa: {  	p1 =	sne.s32 s4, s20  }
.Ltmp36:
0x3ab: {  	_ = 	snop;
	(pc) =	sbr.rel @p1 .LBB2_1-.Ltmp36, $4  }
.Ltmp37:
0x3ac: {  	_ = 	snop;
	(pc) =	sbr.rel @!p1 .LBB2_49-.Ltmp37, $4  }
0x3ad: {  	_ = 	snop  }
0x3ae: {  	[sflag:s28] =	ssyncset.done $0x0  }
0x3af: {  	[sflag:s28] =	ssyncadd.s32 $0xFFFFFC00  }
0x3b0: {  	_ = 	snop  }
.LBB2_12:
.Ltmp38:
0x3b1: {  	(pc) =	sbr.rel .LBB2_17-.Ltmp38, $2  }
0x3b2: {  	_ =	sdelay $0x2  }
0x3b3: {  	s8 =	simm.s32 $0x0;
	v17 =	vimm.s32 $0x0;
	v18 =	vimm.s32 $0x0;
	v19 =	vimm.s32 $0x0  }
.LBB2_20:
.Ltmp39:
0x3b4: {  	(pc) =	sbr.rel .LBB2_23-.Ltmp39, $2  }
0x3b5: {  	_ =	sdelay $0x2  }
0x3b6: {  	_ = 	snop  }
.LBB2_51:
.Ltmp40:
0x3b7: {  	(pc) =	sbr.rel .LBB2_54-.Ltmp40, $2  }
0x3b8: {  	_ =	sdelay $0x2  }
0x3b9: {  	_ = 	snop  }
.LBB2_14:
.Ltmp41:
0x3ba: {  	(pc) =	sbr.rel .LBB2_17-.Ltmp41, $2  }
0x3bb: {  	_ =	sdelay $0x2  }
0x3bc: {  	s8 =	simm.s32 $0x0;
	v21 =	vmov v20;
	v18 =	vmov v20;
	v19 =	vmov v17  }
.LBB2_49:
0x3bd: {  	_ =	sfence.sel $0x180000  }
0x3be: {  	[bflag:$0x0] =	sbarrier.arrive $0xFFFF  }
0x3bf: {  	_ =	strace $0x90000047  }
0x3c0: {  	s0 =	stileid.u32;
	[bflag:$0x2] =	sbarrier.arrive $0xFFFF  }
0x3c1: {  	p0 =	sne.s32 s0, $0x0;
	s0 =	rddreg [dreg:$0x6]  }
0x3c2: {  	s0 =	sadd.s32 @!p0 $0x100000, s0  }
0x3c3: {  	[sflag:s0] =	ssyncadd.tile.s32 @!p0 $0x1;
	_ =	shalt  }
.Lfunc_end2:
_tile_overlayer_lowered:
.L_overlay_start_2:
0x3c4: {  	(tag) =	ssettag $0x2  }
0x3c5: {  	s0 =	rddreg [dreg:$0x0];
	s2 =	stileid.u32  }
0x3c6: {  	s1 =	rddreg [dreg:$0x1];
	p0 =	sne.s32 s2, $0x0  }
0x3c7: {  	s3 =	rddreg [dreg:$0x2];
	[bflag:$0x3] =	sbarrier.arrive $0xFFFF;
	s2 =	simm.s32 @!p0 $0x1C02  }
0x3c8: {  	[timem:s3], [sflag:s2] =	dma.local @!p0 [hbm:s0], s1  }
0x3c9: {  	s0 =	simm.s32 @!p0 $0x2  }
0x3ca: {  	_ =	swait.ge @!p0 [sflag:s0], s1  }
0x3cb: {  	s1 =	ssub.s32 @!p0 $0x0, s1;
	[sflag:s0] =	ssyncset.done @!p0 $0x0  }
0x3cc: {  	[sflag:s0] =	ssyncadd.s32 @!p0 s1  }
0x3cd: {  	[bflag:$0x3] =	sbarrier.arrive $0xFFFF  }
0x3ce: {  	_ =	shalt  }

</sc_bundles>
